<compile_context>
chip_gen: v7x
topology: tpu7x:2x2x1
jax: 0.10.2.dev20260603
libtpu: 0.0.44.dev20260713+nightly
codegen_flags: <defaults>
</compile_context>

<pallas_src>
import functools
import math

import jax
import jax.numpy as jnp
from jax import lax
from jax.experimental import pallas as pl
from jax.experimental.pallas import tpu as pltpu
from jax.experimental.pallas import tpu_sc as plsc

N = 100000
E = 1600000
NG = 16
NS = 9
NRB = 8
HID = 64
RC = 10.0
PP = 6
AVG = 16.0

NC = 2
NSUB = 16
NW = NC * NSUB
L = 16

G_PAD = 12544
E_PAD = G_PAD * 128
EQ = E_PAD // 4
CH1 = 4096
NCH1 = EQ // CH1

GPW = G_PAD // NW
CHG = 28
NCHUNK = GPW // CHG
CH3 = CHG * 128

N_PAD = 100352
APT = N_PAD // NSUB

BLK = 8192
GRID = E_PAD // BLK


def _stage1_body(t4_hbm, s_hbm, r_hbm, g8_hbm, tabv, idxv, outv,
                 si0, si1, so0, so1):
    cid = lax.axis_index("c")
    sid = lax.axis_index("s")
    wid = sid * NC + cid
    ep = wid // 16
    rem = wid % 16
    coord = rem // 4
    rng = rem % 4
    row = ep * 4 + coord
    ebase = rng * EQ
    sis = (si0, si1)
    sos = (so0, so1)

    def in_copy(k, par, src):
        return pltpu.make_async_copy(
            src.at[pl.ds(ebase + k * CH1, CH1)], idxv.at[par], sis[par])

    def in_start(k, par):
        @pl.when(ep == 0)
        def _():
            in_copy(k, par, s_hbm).start()

        @pl.when(ep == 1)
        def _():
            in_copy(k, par, r_hbm).start()

    def out_copy(k, par):
        return pltpu.make_async_copy(
            outv.at[par],
            g8_hbm.at[pl.ds(row * E_PAD + ebase + k * CH1, CH1)], sos[par])

    pltpu.sync_copy(t4_hbm.at[pl.ds(coord * N_PAD, N_PAD)], tabv)
    in_start(0, 0)

    def pair(kk, carry):
        for par in range(2):
            k = 2 * kk + par
            in_copy(k, par, s_hbm).wait()

            @pl.when(k + 1 < NCH1)
            def _():
                in_start(k + 1, 1 - par)

            @pl.when(kk > 0)
            def _():
                out_copy(k - 2, par).wait()

            def vreg(i, c2):
                sl = pl.ds(i * L, L)
                outv[par, sl] = plsc.load_gather(tabv, [idxv[par, sl]])
                return c2

            lax.fori_loop(0, CH1 // L, vreg, 0, unroll=8)
            out_copy(k, par).start()
        return carry

    lax.fori_loop(0, NCH1 // 2, pair, 0)
    out_copy(NCH1 - 2, 0).wait()
    out_copy(NCH1 - 1, 1).wait()


def _gather_stage(t4, s_pad, r_pad):
    f32 = jnp.float32
    return pl.kernel(
        _stage1_body,
        out_type=jax.ShapeDtypeStruct((8 * E_PAD,), f32),
        mesh=plsc.VectorSubcoreMesh(core_axis_name="c", subcore_axis_name="s"),
        compiler_params=pltpu.CompilerParams(use_tc_tiling_on_sc=False,
                                             needs_layout_passes=False),
        scratch_types=[
            pltpu.VMEM((N_PAD,), f32),
            pltpu.VMEM((2, CH1), jnp.int32),
            pltpu.VMEM((2, CH1), f32),
            pltpu.SemaphoreType.DMA,
            pltpu.SemaphoreType.DMA,
            pltpu.SemaphoreType.DMA,
            pltpu.SemaphoreType.DMA,
        ],
    )(t4, s_pad, r_pad)


def _mlp_body(sx_ref, sy_ref, sz_ref, ssp_ref, rx_ref, ry_ref, rz_ref,
              rsp_ref, w1t_ref, w2t_ref, wot_ref, p_ref, o_ref):
    f32 = jnp.float32
    dx = rx_ref[...] - sx_ref[...]
    dy = ry_ref[...] - sy_ref[...]
    dz = rz_ref[...] - sz_ref[...]
    d2 = (dx * dx + dy * dy + dz * dz).reshape(1, BLK)
    ss = ssp_ref[...].reshape(1, BLK)
    sr = rsp_ref[...].reshape(1, BLK)
    d = jnp.sqrt(d2 + 1e-12)
    x = d * (1.0 / RC)
    x2 = x * x
    x3 = x2 * x
    x6 = x3 * x3
    x7 = x6 * x
    x8 = x7 * x
    p = float(PP)
    env = (1.0 - ((p + 1.0) * (p + 2.0) / 2.0) * x6
           + p * (p + 2.0) * x7
           - (p * (p + 1.0) / 2.0) * x8)
    env = jnp.where(x < 1.0, env, 0.0)
    nvec = (lax.broadcasted_iota(jnp.int32, (NRB, 1), 0) + 1).astype(f32)
    s = jnp.sin(nvec * jnp.pi * x)
    rb = (math.sqrt(2.0 / RC) / (d + 1e-8) * env) * s
    i9 = lax.broadcasted_iota(jnp.int32, (NS, 1), 0).astype(f32)
    os_ = (ss == i9).astype(f32)
    orr = (sr == i9).astype(f32)
    feat = jnp.concatenate([rb, os_, orr], axis=0)
    bf16 = jnp.bfloat16
    dot = lambda a, b: lax.dot_general(
        a, b, (((1,), (0,)), ((), ())), preferred_element_type=f32)
    silu = lambda v: (0.5 * v) * jnp.tanh(0.5 * v) + (0.5 * v)
    h = dot(w1t_ref[...], feat.astype(bf16))
    h = silu(h)
    h = dot(w2t_ref[...], h.astype(bf16))
    h = silu(h)
    e = dot(wot_ref[...], h)
    ps = p_ref[...] @ os_
    pair = jnp.sum(ps * orr, axis=0, keepdims=True)
    o_ref[...] = (e * pair * (1.0 / math.sqrt(AVG))).reshape(BLK)


def _mlp_stage(g8, w1, w2, wo, pmat):
    f32 = jnp.float32
    rspec = lambda r: pl.BlockSpec((BLK,), lambda i, r=r: (r * GRID + i,))
    ospec = pl.BlockSpec((BLK,), lambda i: (i,))
    wspec = lambda shape: pl.BlockSpec(shape, lambda i: (0, 0))
    return pl.pallas_call(
        _mlp_body,
        grid=(GRID,),
        in_specs=[rspec(r) for r in range(8)] +
                 [wspec((HID, NRB + 2 * NS)), wspec((HID, HID)),
                  wspec((1, HID)), wspec((NS, NS))],
        out_specs=ospec,
        out_shape=jax.ShapeDtypeStruct((E_PAD,), f32),
    )(*([g8] * 8), w1.T.astype(jnp.bfloat16), w2.T.astype(jnp.bfloat16),
      wo.T, pmat)


def _stage3_body(s_hbm, v_hbm, z_hbm, g_hbm, stab_hbm, shtab_hbm, out_hbm,
                 sidx, vv, av, zv, gv, zerob, stab_v, shtab_v, bins_v, tmp16,
                 acc, sbins, sem):
    f32 = jnp.float32
    cid = lax.axis_index("c")
    sid = lax.axis_index("s")
    wid = sid * NC + cid
    iota16 = lax.iota(jnp.int32, L)

    def zloop(i, c):
        zerob[pl.ds(i * L, L)] = jnp.zeros((L,), f32)
        return c

    lax.fori_loop(0, APT // L, zloop, 0)
    pltpu.sync_copy(zerob, acc.at[pl.ds(sid * APT, APT)])

    @pl.when(sid == 0)
    def _():
        pltpu.sync_copy(zerob.at[pl.ds(0, L)], sbins)

    plsc.subcore_barrier()

    def chunk(k, carry):
        eb = (wid * GPW + k * CHG) * 128
        pltpu.sync_copy(s_hbm.at[pl.ds(eb, CH3)], sidx)
        pltpu.sync_copy(v_hbm.at[pl.ds(eb, CH3)], vv)
        descs = []
        for j in range(CHG):
            sl = pl.ds(j * 128, 128)
            descs.append(
                pltpu.async_copy(vv.at[sl], acc.at[sidx.at[sl]], sem,
                                 add=True))
        for dsc in descs:
            dsc.wait()
        return carry

    lax.fori_loop(0, NCHUNK, chunk, 0)
    plsc.subcore_barrier()

    pltpu.sync_copy(stab_hbm, stab_v)
    pltpu.sync_copy(shtab_hbm, shtab_v)
    shmul = jnp.where(cid == 0, 1.0, 0.0).astype(f32)
    bins_v[...] = jnp.zeros((L,), f32)
    ab = sid * APT
    pltpu.sync_copy(acc.at[pl.ds(ab, APT)], av)
    pltpu.sync_copy(z_hbm.at[pl.ds(ab, APT)], zv)
    pltpu.sync_copy(g_hbm.at[pl.ds(ab, APT)], gv)

    def vloop(i, carry):
        sl = pl.ds(i * L, L)
        z16 = zv[sl]
        g16 = gv[sl]
        sc16 = plsc.load_gather(stab_v, [z16])
        sh16 = plsc.load_gather(shtab_v, [z16])
        a = av[sl] * sc16 + sh16 * shmul
        plsc.addupdate_scatter(bins_v, [g16], a)
        return carry

    lax.fori_loop(0, APT // L, vloop, 0)
    pltpu.sync_copy(bins_v, sbins.at[iota16], add=True)
    plsc.subcore_barrier()

    @pl.when(sid == 0)
    def _():
        pltpu.sync_copy(sbins, tmp16)
        pltpu.sync_copy(tmp16, out_hbm.at[cid])


def _scatter_stage(s_pad, vals, z_pad, g_pad, stab, shtab):
    f32 = jnp.float32
    return pl.kernel(
        _stage3_body,
        out_type=jax.ShapeDtypeStruct((NC, L), f32),
        mesh=plsc.VectorSubcoreMesh(core_axis_name="c", subcore_axis_name="s"),
        compiler_params=pltpu.CompilerParams(use_tc_tiling_on_sc=False,
                                             needs_layout_passes=False),
        scratch_types=[
            pltpu.VMEM((CH3,), jnp.int32),
            pltpu.VMEM((CH3,), f32),
            pltpu.VMEM((APT,), f32),
            pltpu.VMEM((APT,), jnp.int32),
            pltpu.VMEM((APT,), jnp.int32),
            pltpu.VMEM((APT,), f32),
            pltpu.VMEM((L,), f32),
            pltpu.VMEM((L,), f32),
            pltpu.VMEM((L,), f32),
            pltpu.VMEM((L,), f32),
            pltpu.VMEM_SHARED((N_PAD,), f32),
            pltpu.VMEM_SHARED((L,), f32),
            pltpu.SemaphoreType.DMA,
        ],
    )(s_pad, vals, z_pad, g_pad, stab, shtab)


def kernel(pos, z, senders, receivers, graph_idx, n_graphs,
           W1, W2, Wout, pair_scale_raw, species_scale_raw, species_shift):
    f32 = jnp.float32
    i32 = jnp.int32

    t4 = jnp.concatenate([pos.T, z.astype(f32)[None, :]], axis=0)
    t4 = jnp.pad(t4, ((0, 0), (0, N_PAD - N))).reshape(-1)
    s_pad = jnp.pad(senders.astype(i32), (0, E_PAD - E), constant_values=N)
    r_pad = jnp.pad(receivers.astype(i32), (0, E_PAD - E), constant_values=N)
    z_pad = jnp.pad(z.astype(i32), (0, N_PAD - N), constant_values=NS + 6)
    g_pad = jnp.pad(graph_idx.astype(i32), (0, N_PAD - N))

    pmat = jax.nn.softplus((pair_scale_raw + pair_scale_raw.T) / 2.0)
    stab = jnp.zeros((L,), f32).at[:NS].set(jax.nn.softplus(species_scale_raw))
    shtab = jnp.zeros((L,), f32).at[:NS].set(species_shift)

    g8 = _gather_stage(t4, s_pad, r_pad)

    scaled = _mlp_stage(g8, W1, W2, Wout, pmat)

    parts = _scatter_stage(s_pad, scaled, z_pad, g_pad, stab, shtab)
    return parts[0] + parts[1]

# --- scband reference (transcript-rebuilt; emitter-appended) ---
"""Pipeline reference for scband-allegro-54039278518722 (READ-ONLY COPY).

The authoritative reference and input builder live on the scoring server;
editing this copy changes nothing except your own understanding.
"""

import jax, jax.numpy as jnp
import numpy as np

N = 100000
E = 1600000
NG = 16
NS = 9
NRB = 8
HID = 64
RC = 10.0
PP = 6
AVG = 16.0


def setup_inputs(seed: int = 0) -> dict:
    key = jax.random.key(seed)
    ks = jax.random.split(key, 10)
    pos = jax.random.normal(ks[0], (N, 3), dtype=jnp.float32) * 3.0
    z = jax.random.randint(ks[1], (N,), 0, NS)
    senders = jax.random.randint(ks[2], (E,), 0, N)
    receivers = jax.random.randint(ks[3], (E,), 0, N)
    graph_idx = jnp.sort(jax.random.randint(ks[4], (N,), 0, NG))
    in_dim = NRB + 2 * NS
    W1 = jax.random.normal(ks[5], (in_dim, HID), dtype=jnp.float32) / jnp.sqrt(float(in_dim))
    W2 = jax.random.normal(ks[6], (HID, HID), dtype=jnp.float32) / jnp.sqrt(float(HID))
    Wout = jax.random.normal(ks[7], (HID, 1), dtype=jnp.float32) / jnp.sqrt(float(HID))
    pair_scale_raw = jax.random.normal(ks[8], (NS, NS), dtype=jnp.float32) * 0.01
    species_scale_raw = jnp.zeros((NS,), dtype=jnp.float32)
    species_shift = jnp.zeros((NS,), dtype=jnp.float32)
    return {"pos": pos, "z": z, "senders": senders, "receivers": receivers,
            "graph_idx": graph_idx, "n_graphs": NG,
            "W1": W1, "W2": W2, "Wout": Wout,
            "pair_scale_raw": pair_scale_raw,
            "species_scale_raw": species_scale_raw,
            "species_shift": species_shift}


def _edge_energies(pos, node_attrs, senders, receivers, W1, W2, Wout):
    vec = pos[receivers] - pos[senders]
    d = jnp.sqrt(jnp.sum(vec * vec, axis=-1) + 1e-12)
    x = d / RC
    p = float(PP)
    env = (1.0 - ((p + 1.0) * (p + 2.0) / 2.0) * x ** PP
           + p * (p + 2.0) * x ** (PP + 1)
           - (p * (p + 1.0) / 2.0) * x ** (PP + 2))
    env = jnp.where(x < 1.0, env, 0.0)
    n = jnp.arange(1, NRB + 1, dtype=jnp.float32)
    rb = jnp.sqrt(2.0 / RC) * jnp.sin(n[None, :] * jnp.pi * x[:, None]) / (d[:, None] + 1e-8)
    rb = rb * env[:, None]
    feat = jnp.concatenate([rb, node_attrs[senders], node_attrs[receivers]], axis=-1)
    h = jax.nn.silu(feat @ W1)
    h = jax.nn.silu(h @ W2)
    return (h @ Wout)[:, 0] / jnp.sqrt(AVG)


def reference(pos, z, senders, receivers, graph_idx, n_graphs, W1, W2, Wout, pair_scale_raw, species_scale_raw, species_shift):
    node_attrs = jax.nn.one_hot(z, NS, dtype=jnp.float32)
    edge_energies = _edge_energies(pos, node_attrs, senders, receivers, W1, W2, Wout)
    species_pair_scale = jax.nn.softplus((pair_scale_raw + pair_scale_raw.T) / 2.0)
    species_scale = jax.nn.softplus(species_scale_raw)
    sender_types = z[senders]
    receiver_types = z[receivers]
    pair_scales = species_pair_scale[sender_types, receiver_types]
    scaled_edge_energies = edge_energies * pair_scales
    atom_energies = jax.ops.segment_sum(scaled_edge_energies, senders, num_segments=pos.shape[0])
    atom_energies = atom_energies * species_scale[z] + species_shift[z]
    graph_idx = graph_idx + (n_graphs - n_graphs)
    system_energies = jax.ops.segment_sum(atom_energies, graph_idx, num_segments=NG)
    return system_energies

if __name__ == "__main__":
    import jax
    _d = setup_inputs()
    print(jax.jit(kernel)(*tuple(_d.values())))

</pallas_src>

<mosaic_0001>
#map = affine_map<(d0, d1) -> (0)>
module attributes {stable_mosaic.version = 14 : i64} {
  func.func @_stage1_body(%arg0: i32, %arg1: i32, %arg2: memref<401408xf32, #tpu.memory_space<hbm>>, %arg3: memref<1605632xi32, #tpu.memory_space<hbm>>, %arg4: memref<1605632xi32, #tpu.memory_space<hbm>>, %arg5: memref<12845056xf32, #tpu.memory_space<hbm>>, %arg6: memref<100352xf32, #tpu.memory_space<vmem>>, %arg7: memref<2x4096xi32, #tpu.memory_space<vmem>>, %arg8: memref<2x4096xf32, #tpu.memory_space<vmem>>, %arg9: memref<!tpu.dma_semaphore, #tpu.memory_space<semaphore_mem>>, %arg10: memref<!tpu.dma_semaphore, #tpu.memory_space<semaphore_mem>>, %arg11: memref<!tpu.dma_semaphore, #tpu.memory_space<semaphore_mem>>, %arg12: memref<!tpu.dma_semaphore, #tpu.memory_space<semaphore_mem>>) attributes {dimension_semantics = [#tpu.dimension_semantics<core_parallel>, #tpu.dimension_semantics<subcore_parallel>], iteration_bounds = array<i64: 2, 16>, scalar_prefetch = 0 : i64, scratch_operands = 7 : i64, tpu.core_type = #tpu.core_type<sc_vector_subcore>, window_params = [{transform_indices = #map}, {transform_indices = #map}, {transform_indices = #map}, {transform_indices = #map}]} {
    %mul3A = arith.constant 2 : i32
    %mul3A_0 = arith.muli %arg1, %mul3A : i32
    %add3A = arith.addi %mul3A_0, %arg0 : i32
    %jit3A = arith.constant 16 : i32
    %div3A = arith.divsi %add3A, %jit3A : i32
    %sign3A = arith.constant 0 : i32
    %sign3A_1 = arith.cmpi sgt, %add3A, %sign3A : i32
    %sign3A_2 = arith.extui %sign3A_1 : i1 to i32
    %sign3A_3 = arith.constant 0 : i32
    %sign3A_4 = arith.cmpi slt, %add3A, %sign3A_3 : i32
    %sign3A_5 = arith.extui %sign3A_4 : i1 to i32
    %sign3A_6 = arith.subi %sign3A_2, %sign3A_5 : i32
    %sign3A_7 = arith.constant 0 : i32
    %sign3A_8 = arith.cmpi sgt, %jit3A, %sign3A_7 : i32
    %sign3A_9 = arith.extui %sign3A_8 : i1 to i32
    %sign3A_10 = arith.constant 0 : i32
    %sign3A_11 = arith.cmpi slt, %jit3A, %sign3A_10 : i32
    %sign3A_12 = arith.extui %sign3A_11 : i1 to i32
    %sign3A_13 = arith.subi %sign3A_9, %sign3A_12 : i32
    %ne3A = arith.cmpi ne, %sign3A_6, %sign3A_13 : i32
    %rem3A = arith.remsi %add3A, %jit3A : i32
    %ne3A_14 = arith.constant 0 : i32
    %ne3A_15 = arith.cmpi ne, %rem3A, %ne3A_14 : i32
    %and3A = arith.andi %ne3A, %ne3A_15 : i1
    %sub3A = arith.constant 1 : i32
    %sub3A_16 = arith.subi %div3A, %sub3A : i32
    %select_n3A = arith.select %and3A, %sub3A_16, %div3A : i32
    %jit3A_17 = arith.constant 16 : i32
    %eq3A = arith.constant 0 : i32
    %eq3A_18 = arith.cmpi eq, %jit3A_17, %eq3A : i32
    %jit3A_19 = arith.constant 1 : i32
    %select_n3A_20 = arith.select %eq3A_18, %jit3A_19, %jit3A_17 : i32
    %rem3A_21 = arith.remsi %add3A, %select_n3A_20 : i32
    %ne3A_22 = arith.constant 0 : i32
    %ne3A_23 = arith.cmpi ne, %rem3A_21, %ne3A_22 : i32
    %lt3A = arith.constant 0 : i32
    %lt3A_24 = arith.cmpi slt, %rem3A_21, %lt3A : i32
    %lt3A_25 = arith.constant 0 : i32
    %lt3A_26 = arith.cmpi slt, %select_n3A_20, %lt3A_25 : i32
    %ne3A_27 = arith.xori %lt3A_24, %lt3A_26 : i1
    %and3A_28 = arith.andi %ne3A_27, %ne3A_23 : i1
    %add3A_29 = arith.addi %rem3A_21, %select_n3A_20 : i32
    %select_n3A_30 = arith.select %and3A_28, %add3A_29, %rem3A_21 : i32
    %jit3A_31 = arith.constant 4 : i32
    %div3A_32 = arith.divsi %select_n3A_30, %jit3A_31 : i32
    %sign3A_33 = arith.constant 0 : i32
    %sign3A_34 = arith.cmpi sgt, %select_n3A_30, %sign3A_33 : i32
    %sign3A_35 = arith.extui %sign3A_34 : i1 to i32
    %sign3A_36 = arith.constant 0 : i32
    %sign3A_37 = arith.cmpi slt, %select_n3A_30, %sign3A_36 : i32
    %sign3A_38 = arith.extui %sign3A_37 : i1 to i32
    %sign3A_39 = arith.subi %sign3A_35, %sign3A_38 : i32
    %sign3A_40 = arith.constant 0 : i32
    %sign3A_41 = arith.cmpi sgt, %jit3A_31, %sign3A_40 : i32
    %sign3A_42 = arith.extui %sign3A_41 : i1 to i32
    %sign3A_43 = arith.constant 0 : i32
    %sign3A_44 = arith.cmpi slt, %jit3A_31, %sign3A_43 : i32
    %sign3A_45 = arith.extui %sign3A_44 : i1 to i32
    %sign3A_46 = arith.subi %sign3A_42, %sign3A_45 : i32
    %ne3A_47 = arith.cmpi ne, %sign3A_39, %sign3A_46 : i32
    %rem3A_48 = arith.remsi %select_n3A_30, %jit3A_31 : i32
    %ne3A_49 = arith.constant 0 : i32
    %ne3A_50 = arith.cmpi ne, %rem3A_48, %ne3A_49 : i32
    %and3A_51 = arith.andi %ne3A_47, %ne3A_50 : i1
    %sub3A_52 = arith.constant 1 : i32
    %sub3A_53 = arith.subi %div3A_32, %sub3A_52 : i32
    %select_n3A_54 = arith.select %and3A_51, %sub3A_53, %div3A_32 : i32
    %jit3A_55 = arith.constant 4 : i32
    %eq3A_56 = arith.constant 0 : i32
    %eq3A_57 = arith.cmpi eq, %jit3A_55, %eq3A_56 : i32
    %jit3A_58 = arith.constant 1 : i32
    %select_n3A_59 = arith.select %eq3A_57, %jit3A_58, %jit3A_55 : i32
    %rem3A_60 = arith.remsi %select_n3A_30, %select_n3A_59 : i32
    %ne3A_61 = arith.constant 0 : i32
    %ne3A_62 = arith.cmpi ne, %rem3A_60, %ne3A_61 : i32
    %lt3A_63 = arith.constant 0 : i32
    %lt3A_64 = arith.cmpi slt, %rem3A_60, %lt3A_63 : i32
    %lt3A_65 = arith.constant 0 : i32
    %lt3A_66 = arith.cmpi slt, %select_n3A_59, %lt3A_65 : i32
    %ne3A_67 = arith.xori %lt3A_64, %lt3A_66 : i1
    %and3A_68 = arith.andi %ne3A_67, %ne3A_62 : i1
    %add3A_69 = arith.addi %rem3A_60, %select_n3A_59 : i32
    %select_n3A_70 = arith.select %and3A_68, %add3A_69, %rem3A_60 : i32
    %mul3A_71 = arith.constant 4 : i32
    %mul3A_72 = arith.muli %select_n3A, %mul3A_71 : i32
    %add3A_73 = arith.addi %mul3A_72, %select_n3A_54 : i32
    %mul3A_74 = arith.constant 401408 : i32
    %mul3A_75 = arith.muli %select_n3A_70, %mul3A_74 : i32
    %mul3A_76 = arith.constant 100352 : i32
    %mul3A_77 = arith.muli %select_n3A_54, %mul3A_76 : i32
    "tpu.region"() ({
      %run_scoped3A = tpu.sem_alloc : memref<!tpu.dma_semaphore, #tpu.memory_space<semaphore_mem>>
      %dma_start3A = tpu.memref_slice %arg2[%mul3A_77] : memref<401408xf32, #tpu.memory_space<hbm>> -> memref<100352xf32, #tpu.memory_space<hbm>>
      %dma_start3A_118 = tpu.memref_slice %arg2[%mul3A_77] : memref<401408xf32, #tpu.memory_space<hbm>> -> memref<100352xf32, #tpu.memory_space<hbm>>
      tpu.enqueue_dma source(%dma_start3A_118 : memref<100352xf32, #tpu.memory_space<hbm>>) target(%arg6 : memref<100352xf32, #tpu.memory_space<vmem>>) target_semaphore(%run_scoped3A : memref<!tpu.dma_semaphore, #tpu.memory_space<semaphore_mem>>)
      %dma_wait3A_119 = tpu.memref_slice %arg2[%mul3A_77] : memref<401408xf32, #tpu.memory_space<hbm>> -> memref<100352xf32, #tpu.memory_space<hbm>>
      %dma_wait3A_120 = tpu.memref_slice %arg2[%mul3A_77] : memref<401408xf32, #tpu.memory_space<hbm>> -> memref<100352xf32, #tpu.memory_space<hbm>>
      tpu.wait_dma2 semaphore(%run_scoped3A : memref<!tpu.dma_semaphore, #tpu.memory_space<semaphore_mem>>) src(%dma_wait3A_120 : memref<100352xf32, #tpu.memory_space<hbm>>) dst(%arg6 : memref<100352xf32, #tpu.memory_space<vmem>>)
      tpu.yield
    }) : () -> ()
    %eq3A_78 = arith.constant 0 : i32
    %eq3A_79 = arith.cmpi eq, %select_n3A, %eq3A_78 : i32
    %convert_element_type3A = arith.extui %eq3A_79 : i1 to i32
    %cond3A = arith.constant 0 : i32
    %cond3A_80 = arith.cmpi ne, %convert_element_type3A, %cond3A : i32
    scf.if %cond3A_80 {
      %add3A_118 = arith.constant 0 : i32
      %add3A_119 = arith.addi %mul3A_75, %add3A_118 : i32
      %dma_start3A = arith.constant 0 : i32
      %dma_start3A_120 = arith.constant 0 : i32
      %dma_start3A_121 = tpu.memref_slice %arg7[%dma_start3A, %dma_start3A_120] : memref<2x4096xi32, #tpu.memory_space<vmem>> -> memref<1x4096xi32, #tpu.memory_space<vmem>>
      %dma_start3A_122 = tpu.memref_squeeze %dma_start3A_121 : memref<1x4096xi32, #tpu.memory_space<vmem>> -> memref<4096xi32, #tpu.memory_space<vmem>>
      %dma_start3A_123 = tpu.memref_slice %arg3[%add3A_119] : memref<1605632xi32, #tpu.memory_space<hbm>> -> memref<4096xi32, #tpu.memory_space<hbm>>
      %dma_start3A_124 = arith.constant 0 : i32
      %dma_start3A_125 = tpu.memref_slice %arg7[%dma_start3A, %dma_start3A_124] : memref<2x4096xi32, #tpu.memory_space<vmem>> -> memref<1x4096xi32, #tpu.memory_space<vmem>>
      %dma_start3A_126 = tpu.memref_squeeze %dma_start3A_125 : memref<1x4096xi32, #tpu.memory_space<vmem>> -> memref<4096xi32, #tpu.memory_space<vmem>>
      %dma_start3A_127 = tpu.memref_slice %arg3[%add3A_119] : memref<1605632xi32, #tpu.memory_space<hbm>> -> memref<4096xi32, #tpu.memory_space<hbm>>
      tpu.enqueue_dma source(%dma_start3A_127 : memref<4096xi32, #tpu.memory_space<hbm>>) target(%dma_start3A_126 : memref<4096xi32, #tpu.memory_space<vmem>>) target_semaphore(%arg9 : memref<!tpu.dma_semaphore, #tpu.memory_space<semaphore_mem>>)
    } else {
    }
    %eq3A_81 = arith.constant 1 : i32
    %eq3A_82 = arith.cmpi eq, %select_n3A, %eq3A_81 : i32
    %convert_element_type3A_83 = arith.extui %eq3A_82 : i1 to i32
    %cond3A_84 = arith.constant 0 : i32
    %cond3A_85 = arith.cmpi ne, %convert_element_type3A_83, %cond3A_84 : i32
    scf.if %cond3A_85 {
      %add3A_118 = arith.constant 0 : i32
      %add3A_119 = arith.addi %mul3A_75, %add3A_118 : i32
      %dma_start3A = arith.constant 0 : i32
      %dma_start3A_120 = arith.constant 0 : i32
      %dma_start3A_121 = tpu.memref_slice %arg7[%dma_start3A, %dma_start3A_120] : memref<2x4096xi32, #tpu.memory_space<vmem>> -> memref<1x4096xi32, #tpu.memory_space<vmem>>
      %dma_start3A_122 = tpu.memref_squeeze %dma_start3A_121 : memref<1x4096xi32, #tpu.memory_space<vmem>> -> memref<4096xi32, #tpu.memory_space<vmem>>
      %dma_start3A_123 = tpu.memref_slice %arg4[%add3A_119] : memref<1605632xi32, #tpu.memory_space<hbm>> -> memref<4096xi32, #tpu.memory_space<hbm>>
      %dma_start3A_124 = arith.constant 0 : i32
      %dma_start3A_125 = tpu.memref_slice %arg7[%dma_start3A, %dma_start3A_124] : memref<2x4096xi32, #tpu.memory_space<vmem>> -> memref<1x4096xi32, #tpu.memory_space<vmem>>
      %dma_start3A_126 = tpu.memref_squeeze %dma_start3A_125 : memref<1x4096xi32, #tpu.memory_space<vmem>> -> memref<4096xi32, #tpu.memory_space<vmem>>
      %dma_start3A_127 = tpu.memref_slice %arg4[%add3A_119] : memref<1605632xi32, #tpu.memory_space<hbm>> -> memref<4096xi32, #tpu.memory_space<hbm>>
      tpu.enqueue_dma source(%dma_start3A_127 : memref<4096xi32, #tpu.memory_space<hbm>>) target(%dma_start3A_126 : memref<4096xi32, #tpu.memory_space<vmem>>) target_semaphore(%arg9 : memref<!tpu.dma_semaphore, #tpu.memory_space<semaphore_mem>>)
    } else {
    }
    %scan3A = arith.constant 0 : i32
    %scan3A_86 = arith.constant 0 : i32
    %scan3A_87 = arith.constant 49 : i32
    %scan3A_88 = arith.addi %scan3A_86, %scan3A_87 : i32
    %scan3A_89 = arith.constant 1 : i32
    scf.for %scan3A_118 = %scan3A_86 to %scan3A_88 step %scan3A_89  : i32 {
      %mul3A_119 = arith.constant 2 : i32
      %mul3A_120 = arith.muli %mul3A_119, %scan3A_118 : i32
      %add3A_121 = arith.constant 0 : i32
      %add3A_122 = arith.addi %mul3A_120, %add3A_121 : i32
      %mul3A_123 = arith.constant 4096 : i32
      %mul3A_124 = arith.muli %add3A_122, %mul3A_123 : i32
      %add3A_125 = arith.addi %mul3A_75, %mul3A_124 : i32
      %dma_wait3A_126 = arith.constant 0 : i32
      %dma_wait3A_127 = arith.constant 0 : i32
      %dma_wait3A_128 = tpu.memref_slice %arg7[%dma_wait3A_126, %dma_wait3A_127] : memref<2x4096xi32, #tpu.memory_space<vmem>> -> memref<1x4096xi32, #tpu.memory_space<vmem>>
      %dma_wait3A_129 = tpu.memref_squeeze %dma_wait3A_128 : memref<1x4096xi32, #tpu.memory_space<vmem>> -> memref<4096xi32, #tpu.memory_space<vmem>>
      %dma_wait3A_130 = tpu.memref_slice %arg3[%add3A_125] : memref<1605632xi32, #tpu.memory_space<hbm>> -> memref<4096xi32, #tpu.memory_space<hbm>>
      %dma_wait3A_131 = arith.constant 0 : i32
      %dma_wait3A_132 = tpu.memref_slice %arg7[%dma_wait3A_126, %dma_wait3A_131] : memref<2x4096xi32, #tpu.memory_space<vmem>> -> memref<1x4096xi32, #tpu.memory_space<vmem>>
      %dma_wait3A_133 = tpu.memref_squeeze %dma_wait3A_132 : memref<1x4096xi32, #tpu.memory_space<vmem>> -> memref<4096xi32, #tpu.memory_space<vmem>>
      %dma_wait3A_134 = tpu.memref_slice %arg3[%add3A_125] : memref<1605632xi32, #tpu.memory_space<hbm>> -> memref<4096xi32, #tpu.memory_space<hbm>>
      tpu.wait_dma2 semaphore(%arg9 : memref<!tpu.dma_semaphore, #tpu.memory_space<semaphore_mem>>) src(%dma_wait3A_134 : memref<4096xi32, #tpu.memory_space<hbm>>) dst(%dma_wait3A_133 : memref<4096xi32, #tpu.memory_space<vmem>>)
      %add3A_135 = arith.constant 1 : i32
      %add3A_136 = arith.addi %add3A_122, %add3A_135 : i32
      %lt3A_137 = arith.constant 98 : i32
      %lt3A_138 = arith.cmpi slt, %add3A_136, %lt3A_137 : i32
      %convert_element_type3A_139 = arith.extui %lt3A_138 : i1 to i32
      %cond3A_140 = arith.constant 0 : i32
      %cond3A_141 = arith.cmpi ne, %convert_element_type3A_139, %cond3A_140 : i32
      scf.if %cond3A_141 {
        %add3A_215 = arith.constant 1 : i32
        %add3A_216 = arith.addi %add3A_122, %add3A_215 : i32
        %eq3A_217 = arith.constant 0 : i32
        %eq3A_218 = arith.cmpi eq, %select_n3A, %eq3A_217 : i32
        %convert_element_type3A_219 = arith.extui %eq3A_218 : i1 to i32
        %cond3A_220 = arith.constant 0 : i32
        %cond3A_221 = arith.cmpi ne, %convert_element_type3A_219, %cond3A_220 : i32
        scf.if %cond3A_221 {
          %mul3A_227 = arith.constant 4096 : i32
          %mul3A_228 = arith.muli %add3A_216, %mul3A_227 : i32
          %add3A_229 = arith.addi %mul3A_75, %mul3A_228 : i32
          %dma_start3A_230 = arith.constant 1 : i32
          %dma_start3A_231 = arith.constant 0 : i32
          %dma_start3A_232 = tpu.memref_slice %arg7[%dma_start3A_230, %dma_start3A_231] : memref<2x4096xi32, #tpu.memory_space<vmem>> -> memref<1x4096xi32, #tpu.memory_space<vmem>>
          %dma_start3A_233 = tpu.memref_squeeze %dma_start3A_232 : memref<1x4096xi32, #tpu.memory_space<vmem>> -> memref<4096xi32, #tpu.memory_space<vmem>>
          %dma_start3A_234 = tpu.memref_slice %arg3[%add3A_229] : memref<1605632xi32, #tpu.memory_space<hbm>> -> memref<4096xi32, #tpu.memory_space<hbm>>
          %dma_start3A_235 = arith.constant 0 : i32
          %dma_start3A_236 = tpu.memref_slice %arg7[%dma_start3A_230, %dma_start3A_235] : memref<2x4096xi32, #tpu.memory_space<vmem>> -> memref<1x4096xi32, #tpu.memory_space<vmem>>
          %dma_start3A_237 = tpu.memref_squeeze %dma_start3A_236 : memref<1x4096xi32, #tpu.memory_space<vmem>> -> memref<4096xi32, #tpu.memory_space<vmem>>
          %dma_start3A_238 = tpu.memref_slice %arg3[%add3A_229] : memref<1605632xi32, #tpu.memory_space<hbm>> -> memref<4096xi32, #tpu.memory_space<hbm>>
          tpu.enqueue_dma source(%dma_start3A_238 : memref<4096xi32, #tpu.memory_space<hbm>>) target(%dma_start3A_237 : memref<4096xi32, #tpu.memory_space<vmem>>) target_semaphore(%arg10 : memref<!tpu.dma_semaphore, #tpu.memory_space<semaphore_mem>>)
        } else {
        }
        %eq3A_222 = arith.constant 1 : i32
        %eq3A_223 = arith.cmpi eq, %select_n3A, %eq3A_222 : i32
        %convert_element_type3A_224 = arith.extui %eq3A_223 : i1 to i32
        %cond3A_225 = arith.constant 0 : i32
        %cond3A_226 = arith.cmpi ne, %convert_element_type3A_224, %cond3A_225 : i32
        scf.if %cond3A_226 {
          %mul3A_227 = arith.constant 4096 : i32
          %mul3A_228 = arith.muli %add3A_216, %mul3A_227 : i32
          %add3A_229 = arith.addi %mul3A_75, %mul3A_228 : i32
          %dma_start3A_230 = arith.constant 1 : i32
          %dma_start3A_231 = arith.constant 0 : i32
          %dma_start3A_232 = tpu.memref_slice %arg7[%dma_start3A_230, %dma_start3A_231] : memref<2x4096xi32, #tpu.memory_space<vmem>> -> memref<1x4096xi32, #tpu.memory_space<vmem>>
          %dma_start3A_233 = tpu.memref_squeeze %dma_start3A_232 : memref<1x4096xi32, #tpu.memory_space<vmem>> -> memref<4096xi32, #tpu.memory_space<vmem>>
          %dma_start3A_234 = tpu.memref_slice %arg4[%add3A_229] : memref<1605632xi32, #tpu.memory_space<hbm>> -> memref<4096xi32, #tpu.memory_space<hbm>>
          %dma_start3A_235 = arith.constant 0 : i32
          %dma_start3A_236 = tpu.memref_slice %arg7[%dma_start3A_230, %dma_start3A_235] : memref<2x4096xi32, #tpu.memory_space<vmem>> -> memref<1x4096xi32, #tpu.memory_space<vmem>>
          %dma_start3A_237 = tpu.memref_squeeze %dma_start3A_236 : memref<1x4096xi32, #tpu.memory_space<vmem>> -> memref<4096xi32, #tpu.memory_space<vmem>>
          %dma_start3A_238 = tpu.memref_slice %arg4[%add3A_229] : memref<1605632xi32, #tpu.memory_space<hbm>> -> memref<4096xi32, #tpu.memory_space<hbm>>
          tpu.enqueue_dma source(%dma_start3A_238 : memref<4096xi32, #tpu.memory_space<hbm>>) target(%dma_start3A_237 : memref<4096xi32, #tpu.memory_space<vmem>>) target_semaphore(%arg10 : memref<!tpu.dma_semaphore, #tpu.memory_space<semaphore_mem>>)
        } else {
        }
      } else {
      }
      %gt3A = arith.constant 0 : i32
      %gt3A_142 = arith.cmpi sgt, %scan3A_118, %gt3A : i32
      %convert_element_type3A_143 = arith.extui %gt3A_142 : i1 to i32
      %cond3A_144 = arith.constant 0 : i32
      %cond3A_145 = arith.cmpi ne, %convert_element_type3A_143, %cond3A_144 : i32
      scf.if %cond3A_145 {
        %sub3A_215 = arith.constant 2 : i32
        %sub3A_216 = arith.subi %add3A_122, %sub3A_215 : i32
        %mul3A_217 = arith.constant 1605632 : i32
        %mul3A_218 = arith.muli %add3A_73, %mul3A_217 : i32
        %add3A_219 = arith.addi %mul3A_218, %mul3A_75 : i32
        %mul3A_220 = arith.constant 4096 : i32
        %mul3A_221 = arith.muli %sub3A_216, %mul3A_220 : i32
        %add3A_222 = arith.addi %add3A_219, %mul3A_221 : i32
        %dma_wait3A_223 = arith.constant 0 : i32
        %dma_wait3A_224 = arith.constant 0 : i32
        %dma_wait3A_225 = tpu.memref_slice %arg8[%dma_wait3A_223, %dma_wait3A_224] : memref<2x4096xf32, #tpu.memory_space<vmem>> -> memref<1x4096xf32, #tpu.memory_space<vmem>>
        %dma_wait3A_226 = tpu.memref_squeeze %dma_wait3A_225 : memref<1x4096xf32, #tpu.memory_space<vmem>> -> memref<4096xf32, #tpu.memory_space<vmem>>
        %dma_wait3A_227 = tpu.memref_slice %arg5[%add3A_222] : memref<12845056xf32, #tpu.memory_space<hbm>> -> memref<4096xf32, #tpu.memory_space<hbm>>
        %dma_wait3A_228 = tpu.memref_slice %arg5[%add3A_222] : memref<12845056xf32, #tpu.memory_space<hbm>> -> memref<4096xf32, #tpu.memory_space<hbm>>
        %dma_wait3A_229 = arith.constant 0 : i32
        %dma_wait3A_230 = tpu.memref_slice %arg8[%dma_wait3A_223, %dma_wait3A_229] : memref<2x4096xf32, #tpu.memory_space<vmem>> -> memref<1x4096xf32, #tpu.memory_space<vmem>>
        %dma_wait3A_231 = tpu.memref_squeeze %dma_wait3A_230 : memref<1x4096xf32, #tpu.memory_space<vmem>> -> memref<4096xf32, #tpu.memory_space<vmem>>
        tpu.wait_dma2 semaphore(%arg11 : memref<!tpu.dma_semaphore, #tpu.memory_space<semaphore_mem>>) src(%dma_wait3A_231 : memref<4096xf32, #tpu.memory_space<vmem>>) dst(%dma_wait3A_228 : memref<4096xf32, #tpu.memory_space<hbm>>)
      } else {
      }
      %scan3A_146 = arith.constant 0 : i32
      %scan3A_147 = arith.constant 0 : i32
      %scan3A_148 = arith.constant 256 : i32
      %scan3A_149 = arith.addi %scan3A_147, %scan3A_148 : i32
      %scan3A_150 = arith.constant 8 : i32
      scf.for %scan3A_215 = %scan3A_147 to %scan3A_149 step %scan3A_150  : i32 {
        %mul3A_216 = arith.constant 16 : i32
        %mul3A_217 = arith.muli %scan3A_215, %mul3A_216 : i32
        %get3A = arith.constant 0 : i32
        %get3A_218 = arith.index_cast %get3A : i32 to index
        %get3A_219 = arith.index_cast %mul3A_217 : i32 to index
        %get3A_220 = tpu.vector_load %arg7[%get3A_218, %get3A_219] {strides = array<i32>} : memref<2x4096xi32, #tpu.memory_space<vmem>>, vector<16xi32>,
        %gather3A = tpu.vector_load_idx %arg6[%get3A_220] : memref<100352xf32, #tpu.memory_space<vmem>>[vector<16xi32>], vector<16xf32>,
        %swap3A = arith.constant 0 : i32
        %swap3A_221 = arith.index_cast %swap3A : i32 to index
        %swap3A_222 = arith.index_cast %mul3A_217 : i32 to index
        %swap3A_223 = tpu.vector_load %arg8[%swap3A_221, %swap3A_222] {strides = array<i32>} : memref<2x4096xf32, #tpu.memory_space<vmem>>, vector<16xf32>,
        tpu.vector_store %arg8[%swap3A_221, %swap3A_222], %gather3A {strides = array<i32>} : memref<2x4096xf32, #tpu.memory_space<vmem>>, vector<16xf32>,
        %scan3A_224 = arith.constant 1 : i32
        %scan3A_225 = arith.addi %scan3A_215, %scan3A_224 : i32
        %mul3A_226 = arith.constant 16 : i32
        %mul3A_227 = arith.muli %scan3A_225, %mul3A_226 : i32
        %get3A_228 = arith.constant 0 : i32
        %get3A_229 = arith.index_cast %get3A_228 : i32 to index
        %get3A_230 = arith.index_cast %mul3A_227 : i32 to index
        %get3A_231 = tpu.vector_load %arg7[%get3A_229, %get3A_230] {strides = array<i32>} : memref<2x4096xi32, #tpu.memory_space<vmem>>, vector<16xi32>,
        %gather3A_232 = tpu.vector_load_idx %arg6[%get3A_231] : memref<100352xf32, #tpu.memory_space<vmem>>[vector<16xi32>], vector<16xf32>,
        %swap3A_233 = arith.constant 0 : i32
        %swap3A_234 = arith.index_cast %swap3A_233 : i32 to index
        %swap3A_235 = arith.index_cast %mul3A_227 : i32 to index
        %swap3A_236 = tpu.vector_load %arg8[%swap3A_234, %swap3A_235] {strides = array<i32>} : memref<2x4096xf32, #tpu.memory_space<vmem>>, vector<16xf32>,
        tpu.vector_store %arg8[%swap3A_234, %swap3A_235], %gather3A_232 {strides = array<i32>} : memref<2x4096xf32, #tpu.memory_space<vmem>>, vector<16xf32>,
        %scan3A_237 = arith.constant 2 : i32
        %scan3A_238 = arith.addi %scan3A_215, %scan3A_237 : i32
        %mul3A_239 = arith.constant 16 : i32
        %mul3A_240 = arith.muli %scan3A_238, %mul3A_239 : i32
        %get3A_241 = arith.constant 0 : i32
        %get3A_242 = arith.index_cast %get3A_241 : i32 to index
        %get3A_243 = arith.index_cast %mul3A_240 : i32 to index
        %get3A_244 = tpu.vector_load %arg7[%get3A_242, %get3A_243] {strides = array<i32>} : memref<2x4096xi32, #tpu.memory_space<vmem>>, vector<16xi32>,
        %gather3A_245 = tpu.vector_load_idx %arg6[%get3A_244] : memref<100352xf32, #tpu.memory_space<vmem>>[vector<16xi32>], vector<16xf32>,
        %swap3A_246 = arith.constant 0 : i32
        %swap3A_247 = arith.index_cast %swap3A_246 : i32 to index
        %swap3A_248 = arith.index_cast %mul3A_240 : i32 to index
        %swap3A_249 = tpu.vector_load %arg8[%swap3A_247, %swap3A_248] {strides = array<i32>} : memref<2x4096xf32, #tpu.memory_space<vmem>>, vector<16xf32>,
        tpu.vector_store %arg8[%swap3A_247, %swap3A_248], %gather3A_245 {strides = array<i32>} : memref<2x4096xf32, #tpu.memory_space<vmem>>, vector<16xf32>,
        %scan3A_250 = arith.constant 3 : i32
        %scan3A_251 = arith.addi %scan3A_215, %scan3A_250 : i32
        %mul3A_252 = arith.constant 16 : i32
        %mul3A_253 = arith.muli %scan3A_251, %mul3A_252 : i32
        %get3A_254 = arith.constant 0 : i32
        %get3A_255 = arith.index_cast %get3A_254 : i32 to index
        %get3A_256 = arith.index_cast %mul3A_253 : i32 to index
        %get3A_257 = tpu.vector_load %arg7[%get3A_255, %get3A_256] {strides = array<i32>} : memref<2x4096xi32, #tpu.memory_space<vmem>>, vector<16xi32>,
        %gather3A_258 = tpu.vector_load_idx %arg6[%get3A_257] : memref<100352xf32, #tpu.memory_space<vmem>>[vector<16xi32>], vector<16xf32>,
        %swap3A_259 = arith.constant 0 : i32
        %swap3A_260 = arith.index_cast %swap3A_259 : i32 to index
        %swap3A_261 = arith.index_cast %mul3A_253 : i32 to index
        %swap3A_262 = tpu.vector_load %arg8[%swap3A_260, %swap3A_261] {strides = array<i32>} : memref<2x4096xf32, #tpu.memory_space<vmem>>, vector<16xf32>,
        tpu.vector_store %arg8[%swap3A_260, %swap3A_261], %gather3A_258 {strides = array<i32>} : memref<2x4096xf32, #tpu.memory_space<vmem>>, vector<16xf32>,
        %scan3A_263 = arith.constant 4 : i32
        %scan3A_264 = arith.addi %scan3A_215, %scan3A_263 : i32
        %mul3A_265 = arith.constant 16 : i32
        %mul3A_266 = arith.muli %scan3A_264, %mul3A_265 : i32
        %get3A_267 = arith.constant 0 : i32
        %get3A_268 = arith.index_cast %get3A_267 : i32 to index
        %get3A_269 = arith.index_cast %mul3A_266 : i32 to index
        %get3A_270 = tpu.vector_load %arg7[%get3A_268, %get3A_269] {strides = array<i32>} : memref<2x4096xi32, #tpu.memory_space<vmem>>, vector<16xi32>,
        %gather3A_271 = tpu.vector_load_idx %arg6[%get3A_270] : memref<100352xf32, #tpu.memory_space<vmem>>[vector<16xi32>], vector<16xf32>,
        %swap3A_272 = arith.constant 0 : i32
        %swap3A_273 = arith.index_cast %swap3A_272 : i32 to index
        %swap3A_274 = arith.index_cast %mul3A_266 : i32 to index
        %swap3A_275 = tpu.vector_load %arg8[%swap3A_273, %swap3A_274] {strides = array<i32>} : memref<2x4096xf32, #tpu.memory_space<vmem>>, vector<16xf32>,
        tpu.vector_store %arg8[%swap3A_273, %swap3A_274], %gather3A_271 {strides = array<i32>} : memref<2x4096xf32, #tpu.memory_space<vmem>>, vector<16xf32>,
        %scan3A_276 = arith.constant 5 : i32
        %scan3A_277 = arith.addi %scan3A_215, %scan3A_276 : i32
        %mul3A_278 = arith.constant 16 : i32
        %mul3A_279 = arith.muli %scan3A_277, %mul3A_278 : i32
        %get3A_280 = arith.constant 0 : i32
        %get3A_281 = arith.index_cast %get3A_280 : i32 to index
        %get3A_282 = arith.index_cast %mul3A_279 : i32 to index
        %get3A_283 = tpu.vector_load %arg7[%get3A_281, %get3A_282] {strides = array<i32>} : memref<2x4096xi32, #tpu.memory_space<vmem>>, vector<16xi32>,
        %gather3A_284 = tpu.vector_load_idx %arg6[%get3A_283] : memref<100352xf32, #tpu.memory_space<vmem>>[vector<16xi32>], vector<16xf32>,
        %swap3A_285 = arith.constant 0 : i32
        %swap3A_286 = arith.index_cast %swap3A_285 : i32 to index
        %swap3A_287 = arith.index_cast %mul3A_279 : i32 to index
        %swap3A_288 = tpu.vector_load %arg8[%swap3A_286, %swap3A_287] {strides = array<i32>} : memref<2x4096xf32, #tpu.memory_space<vmem>>, vector<16xf32>,
        tpu.vector_store %arg8[%swap3A_286, %swap3A_287], %gather3A_284 {strides = array<i32>} : memref<2x4096xf32, #tpu.memory_space<vmem>>, vector<16xf32>,
        %scan3A_289 = arith.constant 6 : i32
        %scan3A_290 = arith.addi %scan3A_215, %scan3A_289 : i32
        %mul3A_291 = arith.constant 16 : i32
        %mul3A_292 = arith.muli %scan3A_290, %mul3A_291 : i32
        %get3A_293 = arith.constant 0 : i32
        %get3A_294 = arith.index_cast %get3A_293 : i32 to index
        %get3A_295 = arith.index_cast %mul3A_292 : i32 to index
        %get3A_296 = tpu.vector_load %arg7[%get3A_294, %get3A_295] {strides = array<i32>} : memref<2x4096xi32, #tpu.memory_space<vmem>>, vector<16xi32>,
        %gather3A_297 = tpu.vector_load_idx %arg6[%get3A_296] : memref<100352xf32, #tpu.memory_space<vmem>>[vector<16xi32>], vector<16xf32>,
        %swap3A_298 = arith.constant 0 : i32
        %swap3A_299 = arith.index_cast %swap3A_298 : i32 to index
        %swap3A_300 = arith.index_cast %mul3A_292 : i32 to index
        %swap3A_301 = tpu.vector_load %arg8[%swap3A_299, %swap3A_300] {strides = array<i32>} : memref<2x4096xf32, #tpu.memory_space<vmem>>, vector<16xf32>,
        tpu.vector_store %arg8[%swap3A_299, %swap3A_300], %gather3A_297 {strides = array<i32>} : memref<2x4096xf32, #tpu.memory_space<vmem>>, vector<16xf32>,
        %scan3A_302 = arith.constant 7 : i32
        %scan3A_303 = arith.addi %scan3A_215, %scan3A_302 : i32
        %mul3A_304 = arith.constant 16 : i32
        %mul3A_305 = arith.muli %scan3A_303, %mul3A_304 : i32
        %get3A_306 = arith.constant 0 : i32
        %get3A_307 = arith.index_cast %get3A_306 : i32 to index
        %get3A_308 = arith.index_cast %mul3A_305 : i32 to index
        %get3A_309 = tpu.vector_load %arg7[%get3A_307, %get3A_308] {strides = array<i32>} : memref<2x4096xi32, #tpu.memory_space<vmem>>, vector<16xi32>,
        %gather3A_310 = tpu.vector_load_idx %arg6[%get3A_309] : memref<100352xf32, #tpu.memory_space<vmem>>[vector<16xi32>], vector<16xf32>,
        %swap3A_311 = arith.constant 0 : i32
        %swap3A_312 = arith.index_cast %swap3A_311 : i32 to index
        %swap3A_313 = arith.index_cast %mul3A_305 : i32 to index
        %swap3A_314 = tpu.vector_load %arg8[%swap3A_312, %swap3A_313] {strides = array<i32>} : memref<2x4096xf32, #tpu.memory_space<vmem>>, vector<16xf32>,
        tpu.vector_store %arg8[%swap3A_312, %swap3A_313], %gather3A_310 {strides = array<i32>} : memref<2x4096xf32, #tpu.memory_space<vmem>>, vector<16xf32>,
      }
      %scan3A_151 = arith.constant 256 : i32
      %mul3A_152 = arith.constant 1605632 : i32
      %mul3A_153 = arith.muli %add3A_73, %mul3A_152 : i32
      %add3A_154 = arith.addi %mul3A_153, %mul3A_75 : i32
      %mul3A_155 = arith.constant 4096 : i32
      %mul3A_156 = arith.muli %add3A_122, %mul3A_155 : i32
      %add3A_157 = arith.addi %add3A_154, %mul3A_156 : i32
      %dma_start3A = arith.constant 0 : i32
      %dma_start3A_158 = arith.constant 0 : i32
      %dma_start3A_159 = tpu.memref_slice %arg8[%dma_start3A, %dma_start3A_158] : memref<2x4096xf32, #tpu.memory_space<vmem>> -> memref<1x4096xf32, #tpu.memory_space<vmem>>
      %dma_start3A_160 = tpu.memref_squeeze %dma_start3A_159 : memref<1x4096xf32, #tpu.memory_space<vmem>> -> memref<4096xf32, #tpu.memory_space<vmem>>
      %dma_start3A_161 = tpu.memref_slice %arg5[%add3A_157] : memref<12845056xf32, #tpu.memory_space<hbm>> -> memref<4096xf32, #tpu.memory_space<hbm>>
      %dma_start3A_162 = tpu.memref_slice %arg5[%add3A_157] : memref<12845056xf32, #tpu.memory_space<hbm>> -> memref<4096xf32, #tpu.memory_space<hbm>>
      %dma_start3A_163 = arith.constant 0 : i32
      %dma_start3A_164 = tpu.memref_slice %arg8[%dma_start3A, %dma_start3A_163] : memref<2x4096xf32, #tpu.memory_space<vmem>> -> memref<1x4096xf32, #tpu.memory_space<vmem>>
      %dma_start3A_165 = tpu.memref_squeeze %dma_start3A_164 : memref<1x4096xf32, #tpu.memory_space<vmem>> -> memref<4096xf32, #tpu.memory_space<vmem>>
      tpu.enqueue_dma source(%dma_start3A_165 : memref<4096xf32, #tpu.memory_space<vmem>>) target(%dma_start3A_162 : memref<4096xf32, #tpu.memory_space<hbm>>) target_semaphore(%arg11 : memref<!tpu.dma_semaphore, #tpu.memory_space<semaphore_mem>>)
      %mul3A_166 = arith.constant 2 : i32
      %mul3A_167 = arith.muli %mul3A_166, %scan3A_118 : i32
      %add3A_168 = arith.constant 1 : i32
      %add3A_169 = arith.addi %mul3A_167, %add3A_168 : i32
      %mul3A_170 = arith.constant 4096 : i32
      %mul3A_171 = arith.muli %add3A_169, %mul3A_170 : i32
      %add3A_172 = arith.addi %mul3A_75, %mul3A_171 : i32
      %dma_wait3A_173 = arith.constant 1 : i32
      %dma_wait3A_174 = arith.constant 0 : i32
      %dma_wait3A_175 = tpu.memref_slice %arg7[%dma_wait3A_173, %dma_wait3A_174] : memref<2x4096xi32, #tpu.memory_space<vmem>> -> memref<1x4096xi32, #tpu.memory_space<vmem>>
      %dma_wait3A_176 = tpu.memref_squeeze %dma_wait3A_175 : memref<1x4096xi32, #tpu.memory_space<vmem>> -> memref<4096xi32, #tpu.memory_space<vmem>>
      %dma_wait3A_177 = tpu.memref_slice %arg3[%add3A_172] : memref<1605632xi32, #tpu.memory_space<hbm>> -> memref<4096xi32, #tpu.memory_space<hbm>>
      %dma_wait3A_178 = arith.constant 0 : i32
      %dma_wait3A_179 = tpu.memref_slice %arg7[%dma_wait3A_173, %dma_wait3A_178] : memref<2x4096xi32, #tpu.memory_space<vmem>> -> memref<1x4096xi32, #tpu.memory_space<vmem>>
      %dma_wait3A_180 = tpu.memref_squeeze %dma_wait3A_179 : memref<1x4096xi32, #tpu.memory_space<vmem>> -> memref<4096xi32, #tpu.memory_space<vmem>>
      %dma_wait3A_181 = tpu.memref_slice %arg3[%add3A_172] : memref<1605632xi32, #tpu.memory_space<hbm>> -> memref<4096xi32, #tpu.memory_space<hbm>>
      tpu.wait_dma2 semaphore(%arg10 : memref<!tpu.dma_semaphore, #tpu.memory_space<semaphore_mem>>) src(%dma_wait3A_181 : memref<4096xi32, #tpu.memory_space<hbm>>) dst(%dma_wait3A_180 : memref<4096xi32, #tpu.memory_space<vmem>>)
      %add3A_182 = arith.constant 1 : i32
      %add3A_183 = arith.addi %add3A_169, %add3A_182 : i32
      %lt3A_184 = arith.constant 98 : i32
      %lt3A_185 = arith.cmpi slt, %add3A_183, %lt3A_184 : i32
      %convert_element_type3A_186 = arith.extui %lt3A_185 : i1 to i32
      %cond3A_187 = arith.constant 0 : i32
      %cond3A_188 = arith.cmpi ne, %convert_element_type3A_186, %cond3A_187 : i32
      scf.if %cond3A_188 {
        %add3A_215 = arith.constant 1 : i32
        %add3A_216 = arith.addi %add3A_169, %add3A_215 : i32
        %eq3A_217 = arith.constant 0 : i32
        %eq3A_218 = arith.cmpi eq, %select_n3A, %eq3A_217 : i32
        %convert_element_type3A_219 = arith.extui %eq3A_218 : i1 to i32
        %cond3A_220 = arith.constant 0 : i32
        %cond3A_221 = arith.cmpi ne, %convert_element_type3A_219, %cond3A_220 : i32
        scf.if %cond3A_221 {
          %mul3A_227 = arith.constant 4096 : i32
          %mul3A_228 = arith.muli %add3A_216, %mul3A_227 : i32
          %add3A_229 = arith.addi %mul3A_75, %mul3A_228 : i32
          %dma_start3A_230 = arith.constant 0 : i32
          %dma_start3A_231 = arith.constant 0 : i32
          %dma_start3A_232 = tpu.memref_slice %arg7[%dma_start3A_230, %dma_start3A_231] : memref<2x4096xi32, #tpu.memory_space<vmem>> -> memref<1x4096xi32, #tpu.memory_space<vmem>>
          %dma_start3A_233 = tpu.memref_squeeze %dma_start3A_232 : memref<1x4096xi32, #tpu.memory_space<vmem>> -> memref<4096xi32, #tpu.memory_space<vmem>>
          %dma_start3A_234 = tpu.memref_slice %arg3[%add3A_229] : memref<1605632xi32, #tpu.memory_space<hbm>> -> memref<4096xi32, #tpu.memory_space<hbm>>
          %dma_start3A_235 = arith.constant 0 : i32
          %dma_start3A_236 = tpu.memref_slice %arg7[%dma_start3A_230, %dma_start3A_235] : memref<2x4096xi32, #tpu.memory_space<vmem>> -> memref<1x4096xi32, #tpu.memory_space<vmem>>
          %dma_start3A_237 = tpu.memref_squeeze %dma_start3A_236 : memref<1x4096xi32, #tpu.memory_space<vmem>> -> memref<4096xi32, #tpu.memory_space<vmem>>
          %dma_start3A_238 = tpu.memref_slice %arg3[%add3A_229] : memref<1605632xi32, #tpu.memory_space<hbm>> -> memref<4096xi32, #tpu.memory_space<hbm>>
          tpu.enqueue_dma source(%dma_start3A_238 : memref<4096xi32, #tpu.memory_space<hbm>>) target(%dma_start3A_237 : memref<4096xi32, #tpu.memory_space<vmem>>) target_semaphore(%arg9 : memref<!tpu.dma_semaphore, #tpu.memory_space<semaphore_mem>>)
        } else {
        }
        %eq3A_222 = arith.constant 1 : i32
        %eq3A_223 = arith.cmpi eq, %select_n3A, %eq3A_222 : i32
        %convert_element_type3A_224 = arith.extui %eq3A_223 : i1 to i32
        %cond3A_225 = arith.constant 0 : i32
        %cond3A_226 = arith.cmpi ne, %convert_element_type3A_224, %cond3A_225 : i32
        scf.if %cond3A_226 {
          %mul3A_227 = arith.constant 4096 : i32
          %mul3A_228 = arith.muli %add3A_216, %mul3A_227 : i32
          %add3A_229 = arith.addi %mul3A_75, %mul3A_228 : i32
          %dma_start3A_230 = arith.constant 0 : i32
          %dma_start3A_231 = arith.constant 0 : i32
          %dma_start3A_232 = tpu.memref_slice %arg7[%dma_start3A_230, %dma_start3A_231] : memref<2x4096xi32, #tpu.memory_space<vmem>> -> memref<1x4096xi32, #tpu.memory_space<vmem>>
          %dma_start3A_233 = tpu.memref_squeeze %dma_start3A_232 : memref<1x4096xi32, #tpu.memory_space<vmem>> -> memref<4096xi32, #tpu.memory_space<vmem>>
          %dma_start3A_234 = tpu.memref_slice %arg4[%add3A_229] : memref<1605632xi32, #tpu.memory_space<hbm>> -> memref<4096xi32, #tpu.memory_space<hbm>>
          %dma_start3A_235 = arith.constant 0 : i32
          %dma_start3A_236 = tpu.memref_slice %arg7[%dma_start3A_230, %dma_start3A_235] : memref<2x4096xi32, #tpu.memory_space<vmem>> -> memref<1x4096xi32, #tpu.memory_space<vmem>>
          %dma_start3A_237 = tpu.memref_squeeze %dma_start3A_236 : memref<1x4096xi32, #tpu.memory_space<vmem>> -> memref<4096xi32, #tpu.memory_space<vmem>>
          %dma_start3A_238 = tpu.memref_slice %arg4[%add3A_229] : memref<1605632xi32, #tpu.memory_space<hbm>> -> memref<4096xi32, #tpu.memory_space<hbm>>
          tpu.enqueue_dma source(%dma_start3A_238 : memref<4096xi32, #tpu.memory_space<hbm>>) target(%dma_start3A_237 : memref<4096xi32, #tpu.memory_space<vmem>>) target_semaphore(%arg9 : memref<!tpu.dma_semaphore, #tpu.memory_space<semaphore_mem>>)
        } else {
        }
      } else {
      }
      %gt3A_189 = arith.constant 0 : i32
      %gt3A_190 = arith.cmpi sgt, %scan3A_118, %gt3A_189 : i32
      %convert_element_type3A_191 = arith.extui %gt3A_190 : i1 to i32
      %cond3A_192 = arith.constant 0 : i32
      %cond3A_193 = arith.cmpi ne, %convert_element_type3A_191, %cond3A_192 : i32
      scf.if %cond3A_193 {
        %sub3A_215 = arith.constant 2 : i32
        %sub3A_216 = arith.subi %add3A_169, %sub3A_215 : i32
        %mul3A_217 = arith.constant 1605632 : i32
        %mul3A_218 = arith.muli %add3A_73, %mul3A_217 : i32
        %add3A_219 = arith.addi %mul3A_218, %mul3A_75 : i32
        %mul3A_220 = arith.constant 4096 : i32
        %mul3A_221 = arith.muli %sub3A_216, %mul3A_220 : i32
        %add3A_222 = arith.addi %add3A_219, %mul3A_221 : i32
        %dma_wait3A_223 = arith.constant 1 : i32
        %dma_wait3A_224 = arith.constant 0 : i32
        %dma_wait3A_225 = tpu.memref_slice %arg8[%dma_wait3A_223, %dma_wait3A_224] : memref<2x4096xf32, #tpu.memory_space<vmem>> -> memref<1x4096xf32, #tpu.memory_space<vmem>>
        %dma_wait3A_226 = tpu.memref_squeeze %dma_wait3A_225 : memref<1x4096xf32, #tpu.memory_space<vmem>> -> memref<4096xf32, #tpu.memory_space<vmem>>
        %dma_wait3A_227 = tpu.memref_slice %arg5[%add3A_222] : memref<12845056xf32, #tpu.memory_space<hbm>> -> memref<4096xf32, #tpu.memory_space<hbm>>
        %dma_wait3A_228 = tpu.memref_slice %arg5[%add3A_222] : memref<12845056xf32, #tpu.memory_space<hbm>> -> memref<4096xf32, #tpu.memory_space<hbm>>
        %dma_wait3A_229 = arith.constant 0 : i32
        %dma_wait3A_230 = tpu.memref_slice %arg8[%dma_wait3A_223, %dma_wait3A_229] : memref<2x4096xf32, #tpu.memory_space<vmem>> -> memref<1x4096xf32, #tpu.memory_space<vmem>>
        %dma_wait3A_231 = tpu.memref_squeeze %dma_wait3A_230 : memref<1x4096xf32, #tpu.memory_space<vmem>> -> memref<4096xf32, #tpu.memory_space<vmem>>
        tpu.wait_dma2 semaphore(%arg12 : memref<!tpu.dma_semaphore, #tpu.memory_space<semaphore_mem>>) src(%dma_wait3A_231 : memref<4096xf32, #tpu.memory_space<vmem>>) dst(%dma_wait3A_228 : memref<4096xf32, #tpu.memory_space<hbm>>)
      } else {
      }
      %scan3A_194 = arith.constant 0 : i32
      %scan3A_195 = arith.constant 0 : i32
      %scan3A_196 = arith.constant 256 : i32
      %scan3A_197 = arith.addi %scan3A_195, %scan3A_196 : i32
      %scan3A_198 = arith.constant 8 : i32
      scf.for %scan3A_215 = %scan3A_195 to %scan3A_197 step %scan3A_198  : i32 {
        %mul3A_216 = arith.constant 16 : i32
        %mul3A_217 = arith.muli %scan3A_215, %mul3A_216 : i32
        %get3A = arith.constant 1 : i32
        %get3A_218 = arith.index_cast %get3A : i32 to index
        %get3A_219 = arith.index_cast %mul3A_217 : i32 to index
        %get3A_220 = tpu.vector_load %arg7[%get3A_218, %get3A_219] {strides = array<i32>} : memref<2x4096xi32, #tpu.memory_space<vmem>>, vector<16xi32>,
        %gather3A = tpu.vector_load_idx %arg6[%get3A_220] : memref<100352xf32, #tpu.memory_space<vmem>>[vector<16xi32>], vector<16xf32>,
        %swap3A = arith.constant 1 : i32
        %swap3A_221 = arith.index_cast %swap3A : i32 to index
        %swap3A_222 = arith.index_cast %mul3A_217 : i32 to index
        %swap3A_223 = tpu.vector_load %arg8[%swap3A_221, %swap3A_222] {strides = array<i32>} : memref<2x4096xf32, #tpu.memory_space<vmem>>, vector<16xf32>,
        tpu.vector_store %arg8[%swap3A_221, %swap3A_222], %gather3A {strides = array<i32>} : memref<2x4096xf32, #tpu.memory_space<vmem>>, vector<16xf32>,
        %scan3A_224 = arith.constant 1 : i32
        %scan3A_225 = arith.addi %scan3A_215, %scan3A_224 : i32
        %mul3A_226 = arith.constant 16 : i32
        %mul3A_227 = arith.muli %scan3A_225, %mul3A_226 : i32
        %get3A_228 = arith.constant 1 : i32
        %get3A_229 = arith.index_cast %get3A_228 : i32 to index
        %get3A_230 = arith.index_cast %mul3A_227 : i32 to index
        %get3A_231 = tpu.vector_load %arg7[%get3A_229, %get3A_230] {strides = array<i32>} : memref<2x4096xi32, #tpu.memory_space<vmem>>, vector<16xi32>,
        %gather3A_232 = tpu.vector_load_idx %arg6[%get3A_231] : memref<100352xf32, #tpu.memory_space<vmem>>[vector<16xi32>], vector<16xf32>,
        %swap3A_233 = arith.constant 1 : i32
        %swap3A_234 = arith.index_cast %swap3A_233 : i32 to index
        %swap3A_235 = arith.index_cast %mul3A_227 : i32 to index
        %swap3A_236 = tpu.vector_load %arg8[%swap3A_234, %swap3A_235] {strides = array<i32>} : memref<2x4096xf32, #tpu.memory_space<vmem>>, vector<16xf32>,
        tpu.vector_store %arg8[%swap3A_234, %swap3A_235], %gather3A_232 {strides = array<i32>} : memref<2x4096xf32, #tpu.memory_space<vmem>>, vector<16xf32>,
        %scan3A_237 = arith.constant 2 : i32
        %scan3A_238 = arith.addi %scan3A_215, %scan3A_237 : i32
        %mul3A_239 = arith.constant 16 : i32
        %mul3A_240 = arith.muli %scan3A_238, %mul3A_239 : i32
        %get3A_241 = arith.constant 1 : i32
        %get3A_242 = arith.index_cast %get3A_241 : i32 to index
        %get3A_243 = arith.index_cast %mul3A_240 : i32 to index
        %get3A_244 = tpu.vector_load %arg7[%get3A_242, %get3A_243] {strides = array<i32>} : memref<2x4096xi32, #tpu.memory_space<vmem>>, vector<16xi32>,
        %gather3A_245 = tpu.vector_load_idx %arg6[%get3A_244] : memref<100352xf32, #tpu.memory_space<vmem>>[vector<16xi32>], vector<16xf32>,
        %swap3A_246 = arith.constant 1 : i32
        %swap3A_247 = arith.index_cast %swap3A_246 : i32 to index
        %swap3A_248 = arith.index_cast %mul3A_240 : i32 to index
        %swap3A_249 = tpu.vector_load %arg8[%swap3A_247, %swap3A_248] {strides = array<i32>} : memref<2x4096xf32, #tpu.memory_space<vmem>>, vector<16xf32>,
        tpu.vector_store %arg8[%swap3A_247, %swap3A_248], %gather3A_245 {strides = array<i32>} : memref<2x4096xf32, #tpu.memory_space<vmem>>, vector<16xf32>,
        %scan3A_250 = arith.constant 3 : i32
        %scan3A_251 = arith.addi %scan3A_215, %scan3A_250 : i32
        %mul3A_252 = arith.constant 16 : i32
        %mul3A_253 = arith.muli %scan3A_251, %mul3A_252 : i32
        %get3A_254 = arith.constant 1 : i32
        %get3A_255 = arith.index_cast %get3A_254 : i32 to index
        %get3A_256 = arith.index_cast %mul3A_253 : i32 to index
        %get3A_257 = tpu.vector_load %arg7[%get3A_255, %get3A_256] {strides = array<i32>} : memref<2x4096xi32, #tpu.memory_space<vmem>>, vector<16xi32>,
        %gather3A_258 = tpu.vector_load_idx %arg6[%get3A_257] : memref<100352xf32, #tpu.memory_space<vmem>>[vector<16xi32>], vector<16xf32>,
        %swap3A_259 = arith.constant 1 : i32
        %swap3A_260 = arith.index_cast %swap3A_259 : i32 to index
        %swap3A_261 = arith.index_cast %mul3A_253 : i32 to index
        %swap3A_262 = tpu.vector_load %arg8[%swap3A_260, %swap3A_261] {strides = array<i32>} : memref<2x4096xf32, #tpu.memory_space<vmem>>, vector<16xf32>,
        tpu.vector_store %arg8[%swap3A_260, %swap3A_261], %gather3A_258 {strides = array<i32>} : memref<2x4096xf32, #tpu.memory_space<vmem>>, vector<16xf32>,
        %scan3A_263 = arith.constant 4 : i32
        %scan3A_264 = arith.addi %scan3A_215, %scan3A_263 : i32
        %mul3A_265 = arith.constant 16 : i32
        %mul3A_266 = arith.muli %scan3A_264, %mul3A_265 : i32
        %get3A_267 = arith.constant 1 : i32
        %get3A_268 = arith.index_cast %get3A_267 : i32 to index
        %get3A_269 = arith.index_cast %mul3A_266 : i32 to index
        %get3A_270 = tpu.vector_load %arg7[%get3A_268, %get3A_269] {strides = array<i32>} : memref<2x4096xi32, #tpu.memory_space<vmem>>, vector<16xi32>,
        %gather3A_271 = tpu.vector_load_idx %arg6[%get3A_270] : memref<100352xf32, #tpu.memory_space<vmem>>[vector<16xi32>], vector<16xf32>,
        %swap3A_272 = arith.constant 1 : i32
        %swap3A_273 = arith.index_cast %swap3A_272 : i32 to index
        %swap3A_274 = arith.index_cast %mul3A_266 : i32 to index
        %swap3A_275 = tpu.vector_load %arg8[%swap3A_273, %swap3A_274] {strides = array<i32>} : memref<2x4096xf32, #tpu.memory_space<vmem>>, vector<16xf32>,
        tpu.vector_store %arg8[%swap3A_273, %swap3A_274], %gather3A_271 {strides = array<i32>} : memref<2x4096xf32, #tpu.memory_space<vmem>>, vector<16xf32>,
        %scan3A_276 = arith.constant 5 : i32
        %scan3A_277 = arith.addi %scan3A_215, %scan3A_276 : i32
        %mul3A_278 = arith.constant 16 : i32
        %mul3A_279 = arith.muli %scan3A_277, %mul3A_278 : i32
        %get3A_280 = arith.constant 1 : i32
        %get3A_281 = arith.index_cast %get3A_280 : i32 to index
        %get3A_282 = arith.index_cast %mul3A_279 : i32 to index
        %get3A_283 = tpu.vector_load %arg7[%get3A_281, %get3A_282] {strides = array<i32>} : memref<2x4096xi32, #tpu.memory_space<vmem>>, vector<16xi32>,
        %gather3A_284 = tpu.vector_load_idx %arg6[%get3A_283] : memref<100352xf32, #tpu.memory_space<vmem>>[vector<16xi32>], vector<16xf32>,
        %swap3A_285 = arith.constant 1 : i32
        %swap3A_286 = arith.index_cast %swap3A_285 : i32 to index
        %swap3A_287 = arith.index_cast %mul3A_279 : i32 to index
        %swap3A_288 = tpu.vector_load %arg8[%swap3A_286, %swap3A_287] {strides = array<i32>} : memref<2x4096xf32, #tpu.memory_space<vmem>>, vector<16xf32>,
        tpu.vector_store %arg8[%swap3A_286, %swap3A_287], %gather3A_284 {strides = array<i32>} : memref<2x4096xf32, #tpu.memory_space<vmem>>, vector<16xf32>,
        %scan3A_289 = arith.constant 6 : i32
        %scan3A_290 = arith.addi %scan3A_215, %scan3A_289 : i32
        %mul3A_291 = arith.constant 16 : i32
        %mul3A_292 = arith.muli %scan3A_290, %mul3A_291 : i32
        %get3A_293 = arith.constant 1 : i32
        %get3A_294 = arith.index_cast %get3A_293 : i32 to index
        %get3A_295 = arith.index_cast %mul3A_292 : i32 to index
        %get3A_296 = tpu.vector_load %arg7[%get3A_294, %get3A_295] {strides = array<i32>} : memref<2x4096xi32, #tpu.memory_space<vmem>>, vector<16xi32>,
        %gather3A_297 = tpu.vector_load_idx %arg6[%get3A_296] : memref<100352xf32, #tpu.memory_space<vmem>>[vector<16xi32>], vector<16xf32>,
        %swap3A_298 = arith.constant 1 : i32
        %swap3A_299 = arith.index_cast %swap3A_298 : i32 to index
        %swap3A_300 = arith.index_cast %mul3A_292 : i32 to index
        %swap3A_301 = tpu.vector_load %arg8[%swap3A_299, %swap3A_300] {strides = array<i32>} : memref<2x4096xf32, #tpu.memory_space<vmem>>, vector<16xf32>,
        tpu.vector_store %arg8[%swap3A_299, %swap3A_300], %gather3A_297 {strides = array<i32>} : memref<2x4096xf32, #tpu.memory_space<vmem>>, vector<16xf32>,
        %scan3A_302 = arith.constant 7 : i32
        %scan3A_303 = arith.addi %scan3A_215, %scan3A_302 : i32
        %mul3A_304 = arith.constant 16 : i32
        %mul3A_305 = arith.muli %scan3A_303, %mul3A_304 : i32
        %get3A_306 = arith.constant 1 : i32
        %get3A_307 = arith.index_cast %get3A_306 : i32 to index
        %get3A_308 = arith.index_cast %mul3A_305 : i32 to index
        %get3A_309 = tpu.vector_load %arg7[%get3A_307, %get3A_308] {strides = array<i32>} : memref<2x4096xi32, #tpu.memory_space<vmem>>, vector<16xi32>,
        %gather3A_310 = tpu.vector_load_idx %arg6[%get3A_309] : memref<100352xf32, #tpu.memory_space<vmem>>[vector<16xi32>], vector<16xf32>,
        %swap3A_311 = arith.constant 1 : i32
        %swap3A_312 = arith.index_cast %swap3A_311 : i32 to index
        %swap3A_313 = arith.index_cast %mul3A_305 : i32 to index
        %swap3A_314 = tpu.vector_load %arg8[%swap3A_312, %swap3A_313] {strides = array<i32>} : memref<2x4096xf32, #tpu.memory_space<vmem>>, vector<16xf32>,
        tpu.vector_store %arg8[%swap3A_312, %swap3A_313], %gather3A_310 {strides = array<i32>} : memref<2x4096xf32, #tpu.memory_space<vmem>>, vector<16xf32>,
      }
      %scan3A_199 = arith.constant 256 : i32
      %mul3A_200 = arith.constant 1605632 : i32
      %mul3A_201 = arith.muli %add3A_73, %mul3A_200 : i32
      %add3A_202 = arith.addi %mul3A_201, %mul3A_75 : i32
      %mul3A_203 = arith.constant 4096 : i32
      %mul3A_204 = arith.muli %add3A_169, %mul3A_203 : i32
      %add3A_205 = arith.addi %add3A_202, %mul3A_204 : i32
      %dma_start3A_206 = arith.constant 1 : i32
      %dma_start3A_207 = arith.constant 0 : i32
      %dma_start3A_208 = tpu.memref_slice %arg8[%dma_start3A_206, %dma_start3A_207] : memref<2x4096xf32, #tpu.memory_space<vmem>> -> memref<1x4096xf32, #tpu.memory_space<vmem>>
      %dma_start3A_209 = tpu.memref_squeeze %dma_start3A_208 : memref<1x4096xf32, #tpu.memory_space<vmem>> -> memref<4096xf32, #tpu.memory_space<vmem>>
      %dma_start3A_210 = tpu.memref_slice %arg5[%add3A_205] : memref<12845056xf32, #tpu.memory_space<hbm>> -> memref<4096xf32, #tpu.memory_space<hbm>>
      %dma_start3A_211 = tpu.memref_slice %arg5[%add3A_205] : memref<12845056xf32, #tpu.memory_space<hbm>> -> memref<4096xf32, #tpu.memory_space<hbm>>
      %dma_start3A_212 = arith.constant 0 : i32
      %dma_start3A_213 = tpu.memref_slice %arg8[%dma_start3A_206, %dma_start3A_212] : memref<2x4096xf32, #tpu.memory_space<vmem>> -> memref<1x4096xf32, #tpu.memory_space<vmem>>
      %dma_start3A_214 = tpu.memref_squeeze %dma_start3A_213 : memref<1x4096xf32, #tpu.memory_space<vmem>> -> memref<4096xf32, #tpu.memory_space<vmem>>
      tpu.enqueue_dma source(%dma_start3A_214 : memref<4096xf32, #tpu.memory_space<vmem>>) target(%dma_start3A_211 : memref<4096xf32, #tpu.memory_space<hbm>>) target_semaphore(%arg12 : memref<!tpu.dma_semaphore, #tpu.memory_space<semaphore_mem>>)
    }
    %scan3A_90 = arith.constant 49 : i32
    %mul3A_91 = arith.constant 1605632 : i32
    %mul3A_92 = arith.muli %add3A_73, %mul3A_91 : i32
    %add3A_93 = arith.addi %mul3A_92, %mul3A_75 : i32
    %add3A_94 = arith.constant 393216 : i32
    %add3A_95 = arith.addi %add3A_93, %add3A_94 : i32
    %dma_wait3A = arith.constant 0 : i32
    %dma_wait3A_96 = arith.constant 0 : i32
    %dma_wait3A_97 = tpu.memref_slice %arg8[%dma_wait3A, %dma_wait3A_96] : memref<2x4096xf32, #tpu.memory_space<vmem>> -> memref<1x4096xf32, #tpu.memory_space<vmem>>
    %dma_wait3A_98 = tpu.memref_squeeze %dma_wait3A_97 : memref<1x4096xf32, #tpu.memory_space<vmem>> -> memref<4096xf32, #tpu.memory_space<vmem>>
    %dma_wait3A_99 = tpu.memref_slice %arg5[%add3A_95] : memref<12845056xf32, #tpu.memory_space<hbm>> -> memref<4096xf32, #tpu.memory_space<hbm>>
    %dma_wait3A_100 = tpu.memref_slice %arg5[%add3A_95] : memref<12845056xf32, #tpu.memory_space<hbm>> -> memref<4096xf32, #tpu.memory_space<hbm>>
    %dma_wait3A_101 = arith.constant 0 : i32
    %dma_wait3A_102 = tpu.memref_slice %arg8[%dma_wait3A, %dma_wait3A_101] : memref<2x4096xf32, #tpu.memory_space<vmem>> -> memref<1x4096xf32, #tpu.memory_space<vmem>>
    %dma_wait3A_103 = tpu.memref_squeeze %dma_wait3A_102 : memref<1x4096xf32, #tpu.memory_space<vmem>> -> memref<4096xf32, #tpu.memory_space<vmem>>
    tpu.wait_dma2 semaphore(%arg11 : memref<!tpu.dma_semaphore, #tpu.memory_space<semaphore_mem>>) src(%dma_wait3A_103 : memref<4096xf32, #tpu.memory_space<vmem>>) dst(%dma_wait3A_100 : memref<4096xf32, #tpu.memory_space<hbm>>)
    %mul3A_104 = arith.constant 1605632 : i32
    %mul3A_105 = arith.muli %add3A_73, %mul3A_104 : i32
    %add3A_106 = arith.addi %mul3A_105, %mul3A_75 : i32
    %add3A_107 = arith.constant 397312 : i32
    %add3A_108 = arith.addi %add3A_106, %add3A_107 : i32
    %dma_wait3A_109 = arith.constant 1 : i32
    %dma_wait3A_110 = arith.constant 0 : i32
    %dma_wait3A_111 = tpu.memref_slice %arg8[%dma_wait3A_109, %dma_wait3A_110] : memref<2x4096xf32, #tpu.memory_space<vmem>> -> memref<1x4096xf32, #tpu.memory_space<vmem>>
    %dma_wait3A_112 = tpu.memref_squeeze %dma_wait3A_111 : memref<1x4096xf32, #tpu.memory_space<vmem>> -> memref<4096xf32, #tpu.memory_space<vmem>>
    %dma_wait3A_113 = tpu.memref_slice %arg5[%add3A_108] : memref<12845056xf32, #tpu.memory_space<hbm>> -> memref<4096xf32, #tpu.memory_space<hbm>>
    %dma_wait3A_114 = tpu.memref_slice %arg5[%add3A_108] : memref<12845056xf32, #tpu.memory_space<hbm>> -> memref<4096xf32, #tpu.memory_space<hbm>>
    %dma_wait3A_115 = arith.constant 0 : i32
    %dma_wait3A_116 = tpu.memref_slice %arg8[%dma_wait3A_109, %dma_wait3A_115] : memref<2x4096xf32, #tpu.memory_space<vmem>> -> memref<1x4096xf32, #tpu.memory_space<vmem>>
    %dma_wait3A_117 = tpu.memref_squeeze %dma_wait3A_116 : memref<1x4096xf32, #tpu.memory_space<vmem>> -> memref<4096xf32, #tpu.memory_space<vmem>>
    tpu.wait_dma2 semaphore(%arg12 : memref<!tpu.dma_semaphore, #tpu.memory_space<semaphore_mem>>) src(%dma_wait3A_117 : memref<4096xf32, #tpu.memory_space<vmem>>) dst(%dma_wait3A_114 : memref<4096xf32, #tpu.memory_space<hbm>>)
    return
  }
}

#map = affine_map<(d0, d1) -> (0)>
#map1 = affine_map<(d0, d1) -> (0, 0)>
module attributes {stable_mosaic.version = 14 : i64} {
  func.func @_stage3_body(%arg0: i32, %arg1: i32, %arg2: memref<1605632xi32, #tpu.memory_space<hbm>>, %arg3: memref<1605632xf32, #tpu.memory_space<hbm>>, %arg4: memref<100352xi32, #tpu.memory_space<hbm>>, %arg5: memref<100352xi32, #tpu.memory_space<hbm>>, %arg6: memref<16xf32, #tpu.memory_space<hbm>>, %arg7: memref<16xf32, #tpu.memory_space<hbm>>, %arg8: memref<2x16xf32, #tpu.memory_space<hbm>>, %arg9: memref<3584xi32, #tpu.memory_space<vmem>>, %arg10: memref<3584xf32, #tpu.memory_space<vmem>>, %arg11: memref<6272xf32, #tpu.memory_space<vmem>>, %arg12: memref<6272xi32, #tpu.memory_space<vmem>>, %arg13: memref<6272xi32, #tpu.memory_space<vmem>>, %arg14: memref<6272xf32, #tpu.memory_space<vmem>>, %arg15: memref<16xf32, #tpu.memory_space<vmem>>, %arg16: memref<16xf32, #tpu.memory_space<vmem>>, %arg17: memref<16xf32, #tpu.memory_space<vmem>>, %arg18: memref<16xf32, #tpu.memory_space<vmem>>, %arg19: memref<100352xf32, #tpu.memory_space<vmem_shared>>, %arg20: memref<16xf32, #tpu.memory_space<vmem_shared>>, %arg21: memref<!tpu.dma_semaphore, #tpu.memory_space<semaphore_mem>>) attributes {dimension_semantics = [#tpu.dimension_semantics<core_parallel>, #tpu.dimension_semantics<subcore_parallel>], iteration_bounds = array<i64: 2, 16>, scalar_prefetch = 0 : i64, scratch_operands = 13 : i64, tpu.core_type = #tpu.core_type<sc_vector_subcore>, window_params = [{transform_indices = #map}, {transform_indices = #map}, {transform_indices = #map}, {transform_indices = #map}, {transform_indices = #map}, {transform_indices = #map}, {transform_indices = #map1}]} {
    %mul3A = arith.constant 2 : i32
    %mul3A_0 = arith.muli %arg1, %mul3A : i32
    %add3A = arith.addi %mul3A_0, %arg0 : i32
    %iota3A = tpu.iota {dimensions = array<i32: 0>} : vector<16xi32>
    %scan3A = arith.constant 0 : i32
    %scan3A_1 = arith.constant 0 : i32
    %scan3A_2 = arith.constant 392 : i32
    %scan3A_3 = arith.addi %scan3A_1, %scan3A_2 : i32
    %scan3A_4 = arith.constant 1 : i32
    scf.for %scan3A_36 = %scan3A_1 to %scan3A_3 step %scan3A_4  : i32 {
      %broadcast_in_dim3A_37 = arith.constant 0.000000e+00 : f32
      %broadcast_in_dim3A_38 = vector.broadcast %broadcast_in_dim3A_37 : f32 to vector<16xf32>
      %mul3A_39 = arith.constant 16 : i32
      %mul3A_40 = arith.muli %scan3A_36, %mul3A_39 : i32
      %swap3A_41 = arith.index_cast %mul3A_40 : i32 to index
      %swap3A_42 = tpu.vector_load %arg14[%swap3A_41] {strides = array<i32>} : memref<6272xf32, #tpu.memory_space<vmem>>, vector<16xf32>,
      tpu.vector_store %arg14[%swap3A_41], %broadcast_in_dim3A_38 {strides = array<i32>} : memref<6272xf32, #tpu.memory_space<vmem>>, vector<16xf32>,
    }
    %scan3A_5 = arith.constant 392 : i32
    %mul3A_6 = arith.constant 6272 : i32
    %mul3A_7 = arith.muli %arg1, %mul3A_6 : i32
    "tpu.region"() ({
      %run_scoped3A = tpu.sem_alloc : memref<!tpu.dma_semaphore, #tpu.memory_space<semaphore_mem>>
      %dma_start3A = tpu.memref_slice %arg19[%mul3A_7] : memref<100352xf32, #tpu.memory_space<vmem_shared>> -> memref<6272xf32, #tpu.memory_space<vmem_shared>>
      %dma_start3A_36 = tpu.memref_slice %arg19[%mul3A_7] : memref<100352xf32, #tpu.memory_space<vmem_shared>> -> memref<6272xf32, #tpu.memory_space<vmem_shared>>
      tpu.enqueue_dma source(%arg14 : memref<6272xf32, #tpu.memory_space<vmem>>) target(%dma_start3A_36 : memref<6272xf32, #tpu.memory_space<vmem_shared>>) target_semaphore(%run_scoped3A : memref<!tpu.dma_semaphore, #tpu.memory_space<semaphore_mem>>)
      %dma_wait3A = tpu.memref_slice %arg19[%mul3A_7] : memref<100352xf32, #tpu.memory_space<vmem_shared>> -> memref<6272xf32, #tpu.memory_space<vmem_shared>>
      %dma_wait3A_37 = tpu.memref_slice %arg19[%mul3A_7] : memref<100352xf32, #tpu.memory_space<vmem_shared>> -> memref<6272xf32, #tpu.memory_space<vmem_shared>>
      tpu.wait_dma2 semaphore(%run_scoped3A : memref<!tpu.dma_semaphore, #tpu.memory_space<semaphore_mem>>) src(%arg14 : memref<6272xf32, #tpu.memory_space<vmem>>) dst(%dma_wait3A_37 : memref<6272xf32, #tpu.memory_space<vmem_shared>>)
      tpu.yield
    }) : () -> ()
    %eq3A = arith.constant 0 : i32
    %eq3A_8 = arith.cmpi eq, %arg1, %eq3A : i32
    %convert_element_type3A = arith.extui %eq3A_8 : i1 to i32
    %cond3A = arith.constant 0 : i32
    %cond3A_9 = arith.cmpi ne, %convert_element_type3A, %cond3A : i32
    scf.if %cond3A_9 {
      "tpu.region"() ({
        %run_scoped3A = tpu.sem_alloc : memref<!tpu.dma_semaphore, #tpu.memory_space<semaphore_mem>>
        %dma_start3A = arith.constant 0 : i32
        %dma_start3A_36 = tpu.memref_slice %arg14[%dma_start3A] : memref<6272xf32, #tpu.memory_space<vmem>> -> memref<16xf32, #tpu.memory_space<vmem>>
        %dma_start3A_37 = arith.constant 0 : i32
        %dma_start3A_38 = tpu.memref_slice %arg14[%dma_start3A_37] : memref<6272xf32, #tpu.memory_space<vmem>> -> memref<16xf32, #tpu.memory_space<vmem>>
        tpu.enqueue_dma source(%dma_start3A_38 : memref<16xf32, #tpu.memory_space<vmem>>) target(%arg20 : memref<16xf32, #tpu.memory_space<vmem_shared>>) target_semaphore(%run_scoped3A : memref<!tpu.dma_semaphore, #tpu.memory_space<semaphore_mem>>)
        %dma_wait3A = arith.constant 0 : i32
        %dma_wait3A_39 = tpu.memref_slice %arg14[%dma_wait3A] : memref<6272xf32, #tpu.memory_space<vmem>> -> memref<16xf32, #tpu.memory_space<vmem>>
        %dma_wait3A_40 = arith.constant 0 : i32
        %dma_wait3A_41 = tpu.memref_slice %arg14[%dma_wait3A_40] : memref<6272xf32, #tpu.memory_space<vmem>> -> memref<16xf32, #tpu.memory_space<vmem>>
        tpu.wait_dma2 semaphore(%run_scoped3A : memref<!tpu.dma_semaphore, #tpu.memory_space<semaphore_mem>>) src(%dma_wait3A_41 : memref<16xf32, #tpu.memory_space<vmem>>) dst(%arg20 : memref<16xf32, #tpu.memory_space<vmem_shared>>)
        tpu.yield
      }) : () -> ()
    } else {
    }
    %barrier3A = arith.constant 0 : index
    tpu.barrier barrier_id(%barrier3A)
    %scan3A_10 = arith.constant 0 : i32
    %scan3A_11 = arith.constant 0 : i32
    %scan3A_12 = arith.constant 14 : i32
    %scan3A_13 = arith.addi %scan3A_11, %scan3A_12 : i32
    %scan3A_14 = arith.constant 1 : i32
    scf.for %scan3A_36 = %scan3A_11 to %scan3A_13 step %scan3A_14  : i32 {
      %mul3A_37 = arith.constant 392 : i32
      %mul3A_38 = arith.muli %add3A, %mul3A_37 : i32
      %mul3A_39 = arith.constant 28 : i32
      %mul3A_40 = arith.muli %scan3A_36, %mul3A_39 : i32
      %add3A_41 = arith.addi %mul3A_38, %mul3A_40 : i32
      %mul3A_42 = arith.constant 128 : i32
      %mul3A_43 = arith.muli %add3A_41, %mul3A_42 : i32
      "tpu.region"() ({
        %run_scoped3A = tpu.sem_alloc : memref<!tpu.dma_semaphore, #tpu.memory_space<semaphore_mem>>
        %dma_start3A_378 = tpu.memref_slice %arg2[%mul3A_43] : memref<1605632xi32, #tpu.memory_space<hbm>> -> memref<3584xi32, #tpu.memory_space<hbm>>
        %dma_start3A_379 = tpu.memref_slice %arg2[%mul3A_43] : memref<1605632xi32, #tpu.memory_space<hbm>> -> memref<3584xi32, #tpu.memory_space<hbm>>
        tpu.enqueue_dma source(%dma_start3A_379 : memref<3584xi32, #tpu.memory_space<hbm>>) target(%arg9 : memref<3584xi32, #tpu.memory_space<vmem>>) target_semaphore(%run_scoped3A : memref<!tpu.dma_semaphore, #tpu.memory_space<semaphore_mem>>)
        %dma_wait3A_380 = tpu.memref_slice %arg2[%mul3A_43] : memref<1605632xi32, #tpu.memory_space<hbm>> -> memref<3584xi32, #tpu.memory_space<hbm>>
        %dma_wait3A_381 = tpu.memref_slice %arg2[%mul3A_43] : memref<1605632xi32, #tpu.memory_space<hbm>> -> memref<3584xi32, #tpu.memory_space<hbm>>
        tpu.wait_dma2 semaphore(%run_scoped3A : memref<!tpu.dma_semaphore, #tpu.memory_space<semaphore_mem>>) src(%dma_wait3A_381 : memref<3584xi32, #tpu.memory_space<hbm>>) dst(%arg9 : memref<3584xi32, #tpu.memory_space<vmem>>)
        tpu.yield
      }) : () -> ()
      "tpu.region"() ({
        %run_scoped3A = tpu.sem_alloc : memref<!tpu.dma_semaphore, #tpu.memory_space<semaphore_mem>>
        %dma_start3A_378 = tpu.memref_slice %arg3[%mul3A_43] : memref<1605632xf32, #tpu.memory_space<hbm>> -> memref<3584xf32, #tpu.memory_space<hbm>>
        %dma_start3A_379 = tpu.memref_slice %arg3[%mul3A_43] : memref<1605632xf32, #tpu.memory_space<hbm>> -> memref<3584xf32, #tpu.memory_space<hbm>>
        tpu.enqueue_dma source(%dma_start3A_379 : memref<3584xf32, #tpu.memory_space<hbm>>) target(%arg10 : memref<3584xf32, #tpu.memory_space<vmem>>) target_semaphore(%run_scoped3A : memref<!tpu.dma_semaphore, #tpu.memory_space<semaphore_mem>>)
        %dma_wait3A_380 = tpu.memref_slice %arg3[%mul3A_43] : memref<1605632xf32, #tpu.memory_space<hbm>> -> memref<3584xf32, #tpu.memory_space<hbm>>
        %dma_wait3A_381 = tpu.memref_slice %arg3[%mul3A_43] : memref<1605632xf32, #tpu.memory_space<hbm>> -> memref<3584xf32, #tpu.memory_space<hbm>>
        tpu.wait_dma2 semaphore(%run_scoped3A : memref<!tpu.dma_semaphore, #tpu.memory_space<semaphore_mem>>) src(%dma_wait3A_381 : memref<3584xf32, #tpu.memory_space<hbm>>) dst(%arg10 : memref<3584xf32, #tpu.memory_space<vmem>>)
        tpu.yield
      }) : () -> ()
      %dma_start3A = arith.constant 0 : i32
      %dma_start3A_44 = tpu.memref_slice %arg10[%dma_start3A] : memref<3584xf32, #tpu.memory_space<vmem>> -> memref<128xf32, #tpu.memory_space<vmem>>
      %dma_start3A_45 = arith.constant 0 : i32
      %dma_start3A_46 = tpu.memref_slice %arg9[%dma_start3A_45] : memref<3584xi32, #tpu.memory_space<vmem>> -> memref<128xi32, #tpu.memory_space<vmem>>
      %dma_start3A_47 = arith.constant 0 : i32
      %dma_start3A_48 = tpu.memref_slice %arg19[%dma_start3A_47] : memref<100352xf32, #tpu.memory_space<vmem_shared>> -> memref<100352xf32, #tpu.memory_space<vmem_shared>>
      tpu.enqueue_indirect_dma source(%dma_start3A_44 : memref<128xf32, #tpu.memory_space<vmem>>) target(%dma_start3A_48 : memref<100352xf32, #tpu.memory_space<vmem_shared>>) offsets(%dma_start3A_46 : memref<128xi32, #tpu.memory_space<vmem>>) semaphore(%arg21 : memref<!tpu.dma_semaphore, #tpu.memory_space<semaphore_mem>>) {add = true}
      %dma_start3A_49 = arith.constant 128 : i32
      %dma_start3A_50 = tpu.memref_slice %arg10[%dma_start3A_49] : memref<3584xf32, #tpu.memory_space<vmem>> -> memref<128xf32, #tpu.memory_space<vmem>>
      %dma_start3A_51 = arith.constant 128 : i32
      %dma_start3A_52 = tpu.memref_slice %arg9[%dma_start3A_51] : memref<3584xi32, #tpu.memory_space<vmem>> -> memref<128xi32, #tpu.memory_space<vmem>>
      %dma_start3A_53 = arith.constant 0 : i32
      %dma_start3A_54 = tpu.memref_slice %arg19[%dma_start3A_53] : memref<100352xf32, #tpu.memory_space<vmem_shared>> -> memref<100352xf32, #tpu.memory_space<vmem_shared>>
      tpu.enqueue_indirect_dma source(%dma_start3A_50 : memref<128xf32, #tpu.memory_space<vmem>>) target(%dma_start3A_54 : memref<100352xf32, #tpu.memory_space<vmem_shared>>) offsets(%dma_start3A_52 : memref<128xi32, #tpu.memory_space<vmem>>) semaphore(%arg21 : memref<!tpu.dma_semaphore, #tpu.memory_space<semaphore_mem>>) {add = true}
      %dma_start3A_55 = arith.constant 256 : i32
      %dma_start3A_56 = tpu.memref_slice %arg10[%dma_start3A_55] : memref<3584xf32, #tpu.memory_space<vmem>> -> memref<128xf32, #tpu.memory_space<vmem>>
      %dma_start3A_57 = arith.constant 256 : i32
      %dma_start3A_58 = tpu.memref_slice %arg9[%dma_start3A_57] : memref<3584xi32, #tpu.memory_space<vmem>> -> memref<128xi32, #tpu.memory_space<vmem>>
      %dma_start3A_59 = arith.constant 0 : i32
      %dma_start3A_60 = tpu.memref_slice %arg19[%dma_start3A_59] : memref<100352xf32, #tpu.memory_space<vmem_shared>> -> memref<100352xf32, #tpu.memory_space<vmem_shared>>
      tpu.enqueue_indirect_dma source(%dma_start3A_56 : memref<128xf32, #tpu.memory_space<vmem>>) target(%dma_start3A_60 : memref<100352xf32, #tpu.memory_space<vmem_shared>>) offsets(%dma_start3A_58 : memref<128xi32, #tpu.memory_space<vmem>>) semaphore(%arg21 : memref<!tpu.dma_semaphore, #tpu.memory_space<semaphore_mem>>) {add = true}
      %dma_start3A_61 = arith.constant 384 : i32
      %dma_start3A_62 = tpu.memref_slice %arg10[%dma_start3A_61] : memref<3584xf32, #tpu.memory_space<vmem>> -> memref<128xf32, #tpu.memory_space<vmem>>
      %dma_start3A_63 = arith.constant 384 : i32
      %dma_start3A_64 = tpu.memref_slice %arg9[%dma_start3A_63] : memref<3584xi32, #tpu.memory_space<vmem>> -> memref<128xi32, #tpu.memory_space<vmem>>
      %dma_start3A_65 = arith.constant 0 : i32
      %dma_start3A_66 = tpu.memref_slice %arg19[%dma_start3A_65] : memref<100352xf32, #tpu.memory_space<vmem_shared>> -> memref<100352xf32, #tpu.memory_space<vmem_shared>>
      tpu.enqueue_indirect_dma source(%dma_start3A_62 : memref<128xf32, #tpu.memory_space<vmem>>) target(%dma_start3A_66 : memref<100352xf32, #tpu.memory_space<vmem_shared>>) offsets(%dma_start3A_64 : memref<128xi32, #tpu.memory_space<vmem>>) semaphore(%arg21 : memref<!tpu.dma_semaphore, #tpu.memory_space<semaphore_mem>>) {add = true}
      %dma_start3A_67 = arith.constant 512 : i32
      %dma_start3A_68 = tpu.memref_slice %arg10[%dma_start3A_67] : memref<3584xf32, #tpu.memory_space<vmem>> -> memref<128xf32, #tpu.memory_space<vmem>>
      %dma_start3A_69 = arith.constant 512 : i32
      %dma_start3A_70 = tpu.memref_slice %arg9[%dma_start3A_69] : memref<3584xi32, #tpu.memory_space<vmem>> -> memref<128xi32, #tpu.memory_space<vmem>>
      %dma_start3A_71 = arith.constant 0 : i32
      %dma_start3A_72 = tpu.memref_slice %arg19[%dma_start3A_71] : memref<100352xf32, #tpu.memory_space<vmem_shared>> -> memref<100352xf32, #tpu.memory_space<vmem_shared>>
      tpu.enqueue_indirect_dma source(%dma_start3A_68 : memref<128xf32, #tpu.memory_space<vmem>>) target(%dma_start3A_72 : memref<100352xf32, #tpu.memory_space<vmem_shared>>) offsets(%dma_start3A_70 : memref<128xi32, #tpu.memory_space<vmem>>) semaphore(%arg21 : memref<!tpu.dma_semaphore, #tpu.memory_space<semaphore_mem>>) {add = true}
      %dma_start3A_73 = arith.constant 640 : i32
      %dma_start3A_74 = tpu.memref_slice %arg10[%dma_start3A_73] : memref<3584xf32, #tpu.memory_space<vmem>> -> memref<128xf32, #tpu.memory_space<vmem>>
      %dma_start3A_75 = arith.constant 640 : i32
      %dma_start3A_76 = tpu.memref_slice %arg9[%dma_start3A_75] : memref<3584xi32, #tpu.memory_space<vmem>> -> memref<128xi32, #tpu.memory_space<vmem>>
      %dma_start3A_77 = arith.constant 0 : i32
      %dma_start3A_78 = tpu.memref_slice %arg19[%dma_start3A_77] : memref<100352xf32, #tpu.memory_space<vmem_shared>> -> memref<100352xf32, #tpu.memory_space<vmem_shared>>
      tpu.enqueue_indirect_dma source(%dma_start3A_74 : memref<128xf32, #tpu.memory_space<vmem>>) target(%dma_start3A_78 : memref<100352xf32, #tpu.memory_space<vmem_shared>>) offsets(%dma_start3A_76 : memref<128xi32, #tpu.memory_space<vmem>>) semaphore(%arg21 : memref<!tpu.dma_semaphore, #tpu.memory_space<semaphore_mem>>) {add = true}
      %dma_start3A_79 = arith.constant 768 : i32
      %dma_start3A_80 = tpu.memref_slice %arg10[%dma_start3A_79] : memref<3584xf32, #tpu.memory_space<vmem>> -> memref<128xf32, #tpu.memory_space<vmem>>
      %dma_start3A_81 = arith.constant 768 : i32
      %dma_start3A_82 = tpu.memref_slice %arg9[%dma_start3A_81] : memref<3584xi32, #tpu.memory_space<vmem>> -> memref<128xi32, #tpu.memory_space<vmem>>
      %dma_start3A_83 = arith.constant 0 : i32
      %dma_start3A_84 = tpu.memref_slice %arg19[%dma_start3A_83] : memref<100352xf32, #tpu.memory_space<vmem_shared>> -> memref<100352xf32, #tpu.memory_space<vmem_shared>>
      tpu.enqueue_indirect_dma source(%dma_start3A_80 : memref<128xf32, #tpu.memory_space<vmem>>) target(%dma_start3A_84 : memref<100352xf32, #tpu.memory_space<vmem_shared>>) offsets(%dma_start3A_82 : memref<128xi32, #tpu.memory_space<vmem>>) semaphore(%arg21 : memref<!tpu.dma_semaphore, #tpu.memory_space<semaphore_mem>>) {add = true}
      %dma_start3A_85 = arith.constant 896 : i32
      %dma_start3A_86 = tpu.memref_slice %arg10[%dma_start3A_85] : memref<3584xf32, #tpu.memory_space<vmem>> -> memref<128xf32, #tpu.memory_space<vmem>>
      %dma_start3A_87 = arith.constant 896 : i32
      %dma_start3A_88 = tpu.memref_slice %arg9[%dma_start3A_87] : memref<3584xi32, #tpu.memory_space<vmem>> -> memref<128xi32, #tpu.memory_space<vmem>>
      %dma_start3A_89 = arith.constant 0 : i32
      %dma_start3A_90 = tpu.memref_slice %arg19[%dma_start3A_89] : memref<100352xf32, #tpu.memory_space<vmem_shared>> -> memref<100352xf32, #tpu.memory_space<vmem_shared>>
      tpu.enqueue_indirect_dma source(%dma_start3A_86 : memref<128xf32, #tpu.memory_space<vmem>>) target(%dma_start3A_90 : memref<100352xf32, #tpu.memory_space<vmem_shared>>) offsets(%dma_start3A_88 : memref<128xi32, #tpu.memory_space<vmem>>) semaphore(%arg21 : memref<!tpu.dma_semaphore, #tpu.memory_space<semaphore_mem>>) {add = true}
      %dma_start3A_91 = arith.constant 1024 : i32
      %dma_start3A_92 = tpu.memref_slice %arg10[%dma_start3A_91] : memref<3584xf32, #tpu.memory_space<vmem>> -> memref<128xf32, #tpu.memory_space<vmem>>
      %dma_start3A_93 = arith.constant 1024 : i32
      %dma_start3A_94 = tpu.memref_slice %arg9[%dma_start3A_93] : memref<3584xi32, #tpu.memory_space<vmem>> -> memref<128xi32, #tpu.memory_space<vmem>>
      %dma_start3A_95 = arith.constant 0 : i32
      %dma_start3A_96 = tpu.memref_slice %arg19[%dma_start3A_95] : memref<100352xf32, #tpu.memory_space<vmem_shared>> -> memref<100352xf32, #tpu.memory_space<vmem_shared>>
      tpu.enqueue_indirect_dma source(%dma_start3A_92 : memref<128xf32, #tpu.memory_space<vmem>>) target(%dma_start3A_96 : memref<100352xf32, #tpu.memory_space<vmem_shared>>) offsets(%dma_start3A_94 : memref<128xi32, #tpu.memory_space<vmem>>) semaphore(%arg21 : memref<!tpu.dma_semaphore, #tpu.memory_space<semaphore_mem>>) {add = true}
      %dma_start3A_97 = arith.constant 1152 : i32
      %dma_start3A_98 = tpu.memref_slice %arg10[%dma_start3A_97] : memref<3584xf32, #tpu.memory_space<vmem>> -> memref<128xf32, #tpu.memory_space<vmem>>
      %dma_start3A_99 = arith.constant 1152 : i32
      %dma_start3A_100 = tpu.memref_slice %arg9[%dma_start3A_99] : memref<3584xi32, #tpu.memory_space<vmem>> -> memref<128xi32, #tpu.memory_space<vmem>>
      %dma_start3A_101 = arith.constant 0 : i32
      %dma_start3A_102 = tpu.memref_slice %arg19[%dma_start3A_101] : memref<100352xf32, #tpu.memory_space<vmem_shared>> -> memref<100352xf32, #tpu.memory_space<vmem_shared>>
      tpu.enqueue_indirect_dma source(%dma_start3A_98 : memref<128xf32, #tpu.memory_space<vmem>>) target(%dma_start3A_102 : memref<100352xf32, #tpu.memory_space<vmem_shared>>) offsets(%dma_start3A_100 : memref<128xi32, #tpu.memory_space<vmem>>) semaphore(%arg21 : memref<!tpu.dma_semaphore, #tpu.memory_space<semaphore_mem>>) {add = true}
      %dma_start3A_103 = arith.constant 1280 : i32
      %dma_start3A_104 = tpu.memref_slice %arg10[%dma_start3A_103] : memref<3584xf32, #tpu.memory_space<vmem>> -> memref<128xf32, #tpu.memory_space<vmem>>
      %dma_start3A_105 = arith.constant 1280 : i32
      %dma_start3A_106 = tpu.memref_slice %arg9[%dma_start3A_105] : memref<3584xi32, #tpu.memory_space<vmem>> -> memref<128xi32, #tpu.memory_space<vmem>>
      %dma_start3A_107 = arith.constant 0 : i32
      %dma_start3A_108 = tpu.memref_slice %arg19[%dma_start3A_107] : memref<100352xf32, #tpu.memory_space<vmem_shared>> -> memref<100352xf32, #tpu.memory_space<vmem_shared>>
      tpu.enqueue_indirect_dma source(%dma_start3A_104 : memref<128xf32, #tpu.memory_space<vmem>>) target(%dma_start3A_108 : memref<100352xf32, #tpu.memory_space<vmem_shared>>) offsets(%dma_start3A_106 : memref<128xi32, #tpu.memory_space<vmem>>) semaphore(%arg21 : memref<!tpu.dma_semaphore, #tpu.memory_space<semaphore_mem>>) {add = true}
      %dma_start3A_109 = arith.constant 1408 : i32
      %dma_start3A_110 = tpu.memref_slice %arg10[%dma_start3A_109] : memref<3584xf32, #tpu.memory_space<vmem>> -> memref<128xf32, #tpu.memory_space<vmem>>
      %dma_start3A_111 = arith.constant 1408 : i32
      %dma_start3A_112 = tpu.memref_slice %arg9[%dma_start3A_111] : memref<3584xi32, #tpu.memory_space<vmem>> -> memref<128xi32, #tpu.memory_space<vmem>>
      %dma_start3A_113 = arith.constant 0 : i32
      %dma_start3A_114 = tpu.memref_slice %arg19[%dma_start3A_113] : memref<100352xf32, #tpu.memory_space<vmem_shared>> -> memref<100352xf32, #tpu.memory_space<vmem_shared>>
      tpu.enqueue_indirect_dma source(%dma_start3A_110 : memref<128xf32, #tpu.memory_space<vmem>>) target(%dma_start3A_114 : memref<100352xf32, #tpu.memory_space<vmem_shared>>) offsets(%dma_start3A_112 : memref<128xi32, #tpu.memory_space<vmem>>) semaphore(%arg21 : memref<!tpu.dma_semaphore, #tpu.memory_space<semaphore_mem>>) {add = true}
      %dma_start3A_115 = arith.constant 1536 : i32
      %dma_start3A_116 = tpu.memref_slice %arg10[%dma_start3A_115] : memref<3584xf32, #tpu.memory_space<vmem>> -> memref<128xf32, #tpu.memory_space<vmem>>
      %dma_start3A_117 = arith.constant 1536 : i32
      %dma_start3A_118 = tpu.memref_slice %arg9[%dma_start3A_117] : memref<3584xi32, #tpu.memory_space<vmem>> -> memref<128xi32, #tpu.memory_space<vmem>>
      %dma_start3A_119 = arith.constant 0 : i32
      %dma_start3A_120 = tpu.memref_slice %arg19[%dma_start3A_119] : memref<100352xf32, #tpu.memory_space<vmem_shared>> -> memref<100352xf32, #tpu.memory_space<vmem_shared>>
      tpu.enqueue_indirect_dma source(%dma_start3A_116 : memref<128xf32, #tpu.memory_space<vmem>>) target(%dma_start3A_120 : memref<100352xf32, #tpu.memory_space<vmem_shared>>) offsets(%dma_start3A_118 : memref<128xi32, #tpu.memory_space<vmem>>) semaphore(%arg21 : memref<!tpu.dma_semaphore, #tpu.memory_space<semaphore_mem>>) {add = true}
      %dma_start3A_121 = arith.constant 1664 : i32
      %dma_start3A_122 = tpu.memref_slice %arg10[%dma_start3A_121] : memref<3584xf32, #tpu.memory_space<vmem>> -> memref<128xf32, #tpu.memory_space<vmem>>
      %dma_start3A_123 = arith.constant 1664 : i32
      %dma_start3A_124 = tpu.memref_slice %arg9[%dma_start3A_123] : memref<3584xi32, #tpu.memory_space<vmem>> -> memref<128xi32, #tpu.memory_space<vmem>>
      %dma_start3A_125 = arith.constant 0 : i32
      %dma_start3A_126 = tpu.memref_slice %arg19[%dma_start3A_125] : memref<100352xf32, #tpu.memory_space<vmem_shared>> -> memref<100352xf32, #tpu.memory_space<vmem_shared>>
      tpu.enqueue_indirect_dma source(%dma_start3A_122 : memref<128xf32, #tpu.memory_space<vmem>>) target(%dma_start3A_126 : memref<100352xf32, #tpu.memory_space<vmem_shared>>) offsets(%dma_start3A_124 : memref<128xi32, #tpu.memory_space<vmem>>) semaphore(%arg21 : memref<!tpu.dma_semaphore, #tpu.memory_space<semaphore_mem>>) {add = true}
      %dma_start3A_127 = arith.constant 1792 : i32
      %dma_start3A_128 = tpu.memref_slice %arg10[%dma_start3A_127] : memref<3584xf32, #tpu.memory_space<vmem>> -> memref<128xf32, #tpu.memory_space<vmem>>
      %dma_start3A_129 = arith.constant 1792 : i32
      %dma_start3A_130 = tpu.memref_slice %arg9[%dma_start3A_129] : memref<3584xi32, #tpu.memory_space<vmem>> -> memref<128xi32, #tpu.memory_space<vmem>>
      %dma_start3A_131 = arith.constant 0 : i32
      %dma_start3A_132 = tpu.memref_slice %arg19[%dma_start3A_131] : memref<100352xf32, #tpu.memory_space<vmem_shared>> -> memref<100352xf32, #tpu.memory_space<vmem_shared>>
      tpu.enqueue_indirect_dma source(%dma_start3A_128 : memref<128xf32, #tpu.memory_space<vmem>>) target(%dma_start3A_132 : memref<100352xf32, #tpu.memory_space<vmem_shared>>) offsets(%dma_start3A_130 : memref<128xi32, #tpu.memory_space<vmem>>) semaphore(%arg21 : memref<!tpu.dma_semaphore, #tpu.memory_space<semaphore_mem>>) {add = true}
      %dma_start3A_133 = arith.constant 1920 : i32
      %dma_start3A_134 = tpu.memref_slice %arg10[%dma_start3A_133] : memref<3584xf32, #tpu.memory_space<vmem>> -> memref<128xf32, #tpu.memory_space<vmem>>
      %dma_start3A_135 = arith.constant 1920 : i32
      %dma_start3A_136 = tpu.memref_slice %arg9[%dma_start3A_135] : memref<3584xi32, #tpu.memory_space<vmem>> -> memref<128xi32, #tpu.memory_space<vmem>>
      %dma_start3A_137 = arith.constant 0 : i32
      %dma_start3A_138 = tpu.memref_slice %arg19[%dma_start3A_137] : memref<100352xf32, #tpu.memory_space<vmem_shared>> -> memref<100352xf32, #tpu.memory_space<vmem_shared>>
      tpu.enqueue_indirect_dma source(%dma_start3A_134 : memref<128xf32, #tpu.memory_space<vmem>>) target(%dma_start3A_138 : memref<100352xf32, #tpu.memory_space<vmem_shared>>) offsets(%dma_start3A_136 : memref<128xi32, #tpu.memory_space<vmem>>) semaphore(%arg21 : memref<!tpu.dma_semaphore, #tpu.memory_space<semaphore_mem>>) {add = true}
      %dma_start3A_139 = arith.constant 2048 : i32
      %dma_start3A_140 = tpu.memref_slice %arg10[%dma_start3A_139] : memref<3584xf32, #tpu.memory_space<vmem>> -> memref<128xf32, #tpu.memory_space<vmem>>
      %dma_start3A_141 = arith.constant 2048 : i32
      %dma_start3A_142 = tpu.memref_slice %arg9[%dma_start3A_141] : memref<3584xi32, #tpu.memory_space<vmem>> -> memref<128xi32, #tpu.memory_space<vmem>>
      %dma_start3A_143 = arith.constant 0 : i32
      %dma_start3A_144 = tpu.memref_slice %arg19[%dma_start3A_143] : memref<100352xf32, #tpu.memory_space<vmem_shared>> -> memref<100352xf32, #tpu.memory_space<vmem_shared>>
      tpu.enqueue_indirect_dma source(%dma_start3A_140 : memref<128xf32, #tpu.memory_space<vmem>>) target(%dma_start3A_144 : memref<100352xf32, #tpu.memory_space<vmem_shared>>) offsets(%dma_start3A_142 : memref<128xi32, #tpu.memory_space<vmem>>) semaphore(%arg21 : memref<!tpu.dma_semaphore, #tpu.memory_space<semaphore_mem>>) {add = true}
      %dma_start3A_145 = arith.constant 2176 : i32
      %dma_start3A_146 = tpu.memref_slice %arg10[%dma_start3A_145] : memref<3584xf32, #tpu.memory_space<vmem>> -> memref<128xf32, #tpu.memory_space<vmem>>
      %dma_start3A_147 = arith.constant 2176 : i32
      %dma_start3A_148 = tpu.memref_slice %arg9[%dma_start3A_147] : memref<3584xi32, #tpu.memory_space<vmem>> -> memref<128xi32, #tpu.memory_space<vmem>>
      %dma_start3A_149 = arith.constant 0 : i32
      %dma_start3A_150 = tpu.memref_slice %arg19[%dma_start3A_149] : memref<100352xf32, #tpu.memory_space<vmem_shared>> -> memref<100352xf32, #tpu.memory_space<vmem_shared>>
      tpu.enqueue_indirect_dma source(%dma_start3A_146 : memref<128xf32, #tpu.memory_space<vmem>>) target(%dma_start3A_150 : memref<100352xf32, #tpu.memory_space<vmem_shared>>) offsets(%dma_start3A_148 : memref<128xi32, #tpu.memory_space<vmem>>) semaphore(%arg21 : memref<!tpu.dma_semaphore, #tpu.memory_space<semaphore_mem>>) {add = true}
      %dma_start3A_151 = arith.constant 2304 : i32
      %dma_start3A_152 = tpu.memref_slice %arg10[%dma_start3A_151] : memref<3584xf32, #tpu.memory_space<vmem>> -> memref<128xf32, #tpu.memory_space<vmem>>
      %dma_start3A_153 = arith.constant 2304 : i32
      %dma_start3A_154 = tpu.memref_slice %arg9[%dma_start3A_153] : memref<3584xi32, #tpu.memory_space<vmem>> -> memref<128xi32, #tpu.memory_space<vmem>>
      %dma_start3A_155 = arith.constant 0 : i32
      %dma_start3A_156 = tpu.memref_slice %arg19[%dma_start3A_155] : memref<100352xf32, #tpu.memory_space<vmem_shared>> -> memref<100352xf32, #tpu.memory_space<vmem_shared>>
      tpu.enqueue_indirect_dma source(%dma_start3A_152 : memref<128xf32, #tpu.memory_space<vmem>>) target(%dma_start3A_156 : memref<100352xf32, #tpu.memory_space<vmem_shared>>) offsets(%dma_start3A_154 : memref<128xi32, #tpu.memory_space<vmem>>) semaphore(%arg21 : memref<!tpu.dma_semaphore, #tpu.memory_space<semaphore_mem>>) {add = true}
      %dma_start3A_157 = arith.constant 2432 : i32
      %dma_start3A_158 = tpu.memref_slice %arg10[%dma_start3A_157] : memref<3584xf32, #tpu.memory_space<vmem>> -> memref<128xf32, #tpu.memory_space<vmem>>
      %dma_start3A_159 = arith.constant 2432 : i32
      %dma_start3A_160 = tpu.memref_slice %arg9[%dma_start3A_159] : memref<3584xi32, #tpu.memory_space<vmem>> -> memref<128xi32, #tpu.memory_space<vmem>>
      %dma_start3A_161 = arith.constant 0 : i32
      %dma_start3A_162 = tpu.memref_slice %arg19[%dma_start3A_161] : memref<100352xf32, #tpu.memory_space<vmem_shared>> -> memref<100352xf32, #tpu.memory_space<vmem_shared>>
      tpu.enqueue_indirect_dma source(%dma_start3A_158 : memref<128xf32, #tpu.memory_space<vmem>>) target(%dma_start3A_162 : memref<100352xf32, #tpu.memory_space<vmem_shared>>) offsets(%dma_start3A_160 : memref<128xi32, #tpu.memory_space<vmem>>) semaphore(%arg21 : memref<!tpu.dma_semaphore, #tpu.memory_space<semaphore_mem>>) {add = true}
      %dma_start3A_163 = arith.constant 2560 : i32
      %dma_start3A_164 = tpu.memref_slice %arg10[%dma_start3A_163] : memref<3584xf32, #tpu.memory_space<vmem>> -> memref<128xf32, #tpu.memory_space<vmem>>
      %dma_start3A_165 = arith.constant 2560 : i32
      %dma_start3A_166 = tpu.memref_slice %arg9[%dma_start3A_165] : memref<3584xi32, #tpu.memory_space<vmem>> -> memref<128xi32, #tpu.memory_space<vmem>>
      %dma_start3A_167 = arith.constant 0 : i32
      %dma_start3A_168 = tpu.memref_slice %arg19[%dma_start3A_167] : memref<100352xf32, #tpu.memory_space<vmem_shared>> -> memref<100352xf32, #tpu.memory_space<vmem_shared>>
      tpu.enqueue_indirect_dma source(%dma_start3A_164 : memref<128xf32, #tpu.memory_space<vmem>>) target(%dma_start3A_168 : memref<100352xf32, #tpu.memory_space<vmem_shared>>) offsets(%dma_start3A_166 : memref<128xi32, #tpu.memory_space<vmem>>) semaphore(%arg21 : memref<!tpu.dma_semaphore, #tpu.memory_space<semaphore_mem>>) {add = true}
      %dma_start3A_169 = arith.constant 2688 : i32
      %dma_start3A_170 = tpu.memref_slice %arg10[%dma_start3A_169] : memref<3584xf32, #tpu.memory_space<vmem>> -> memref<128xf32, #tpu.memory_space<vmem>>
      %dma_start3A_171 = arith.constant 2688 : i32
      %dma_start3A_172 = tpu.memref_slice %arg9[%dma_start3A_171] : memref<3584xi32, #tpu.memory_space<vmem>> -> memref<128xi32, #tpu.memory_space<vmem>>
      %dma_start3A_173 = arith.constant 0 : i32
      %dma_start3A_174 = tpu.memref_slice %arg19[%dma_start3A_173] : memref<100352xf32, #tpu.memory_space<vmem_shared>> -> memref<100352xf32, #tpu.memory_space<vmem_shared>>
      tpu.enqueue_indirect_dma source(%dma_start3A_170 : memref<128xf32, #tpu.memory_space<vmem>>) target(%dma_start3A_174 : memref<100352xf32, #tpu.memory_space<vmem_shared>>) offsets(%dma_start3A_172 : memref<128xi32, #tpu.memory_space<vmem>>) semaphore(%arg21 : memref<!tpu.dma_semaphore, #tpu.memory_space<semaphore_mem>>) {add = true}
      %dma_start3A_175 = arith.constant 2816 : i32
      %dma_start3A_176 = tpu.memref_slice %arg10[%dma_start3A_175] : memref<3584xf32, #tpu.memory_space<vmem>> -> memref<128xf32, #tpu.memory_space<vmem>>
      %dma_start3A_177 = arith.constant 2816 : i32
      %dma_start3A_178 = tpu.memref_slice %arg9[%dma_start3A_177] : memref<3584xi32, #tpu.memory_space<vmem>> -> memref<128xi32, #tpu.memory_space<vmem>>
      %dma_start3A_179 = arith.constant 0 : i32
      %dma_start3A_180 = tpu.memref_slice %arg19[%dma_start3A_179] : memref<100352xf32, #tpu.memory_space<vmem_shared>> -> memref<100352xf32, #tpu.memory_space<vmem_shared>>
      tpu.enqueue_indirect_dma source(%dma_start3A_176 : memref<128xf32, #tpu.memory_space<vmem>>) target(%dma_start3A_180 : memref<100352xf32, #tpu.memory_space<vmem_shared>>) offsets(%dma_start3A_178 : memref<128xi32, #tpu.memory_space<vmem>>) semaphore(%arg21 : memref<!tpu.dma_semaphore, #tpu.memory_space<semaphore_mem>>) {add = true}
      %dma_start3A_181 = arith.constant 2944 : i32
      %dma_start3A_182 = tpu.memref_slice %arg10[%dma_start3A_181] : memref<3584xf32, #tpu.memory_space<vmem>> -> memref<128xf32, #tpu.memory_space<vmem>>
      %dma_start3A_183 = arith.constant 2944 : i32
      %dma_start3A_184 = tpu.memref_slice %arg9[%dma_start3A_183] : memref<3584xi32, #tpu.memory_space<vmem>> -> memref<128xi32, #tpu.memory_space<vmem>>
      %dma_start3A_185 = arith.constant 0 : i32
      %dma_start3A_186 = tpu.memref_slice %arg19[%dma_start3A_185] : memref<100352xf32, #tpu.memory_space<vmem_shared>> -> memref<100352xf32, #tpu.memory_space<vmem_shared>>
      tpu.enqueue_indirect_dma source(%dma_start3A_182 : memref<128xf32, #tpu.memory_space<vmem>>) target(%dma_start3A_186 : memref<100352xf32, #tpu.memory_space<vmem_shared>>) offsets(%dma_start3A_184 : memref<128xi32, #tpu.memory_space<vmem>>) semaphore(%arg21 : memref<!tpu.dma_semaphore, #tpu.memory_space<semaphore_mem>>) {add = true}
      %dma_start3A_187 = arith.constant 3072 : i32
      %dma_start3A_188 = tpu.memref_slice %arg10[%dma_start3A_187] : memref<3584xf32, #tpu.memory_space<vmem>> -> memref<128xf32, #tpu.memory_space<vmem>>
      %dma_start3A_189 = arith.constant 3072 : i32
      %dma_start3A_190 = tpu.memref_slice %arg9[%dma_start3A_189] : memref<3584xi32, #tpu.memory_space<vmem>> -> memref<128xi32, #tpu.memory_space<vmem>>
      %dma_start3A_191 = arith.constant 0 : i32
      %dma_start3A_192 = tpu.memref_slice %arg19[%dma_start3A_191] : memref<100352xf32, #tpu.memory_space<vmem_shared>> -> memref<100352xf32, #tpu.memory_space<vmem_shared>>
      tpu.enqueue_indirect_dma source(%dma_start3A_188 : memref<128xf32, #tpu.memory_space<vmem>>) target(%dma_start3A_192 : memref<100352xf32, #tpu.memory_space<vmem_shared>>) offsets(%dma_start3A_190 : memref<128xi32, #tpu.memory_space<vmem>>) semaphore(%arg21 : memref<!tpu.dma_semaphore, #tpu.memory_space<semaphore_mem>>) {add = true}
      %dma_start3A_193 = arith.constant 3200 : i32
      %dma_start3A_194 = tpu.memref_slice %arg10[%dma_start3A_193] : memref<3584xf32, #tpu.memory_space<vmem>> -> memref<128xf32, #tpu.memory_space<vmem>>
      %dma_start3A_195 = arith.constant 3200 : i32
      %dma_start3A_196 = tpu.memref_slice %arg9[%dma_start3A_195] : memref<3584xi32, #tpu.memory_space<vmem>> -> memref<128xi32, #tpu.memory_space<vmem>>
      %dma_start3A_197 = arith.constant 0 : i32
      %dma_start3A_198 = tpu.memref_slice %arg19[%dma_start3A_197] : memref<100352xf32, #tpu.memory_space<vmem_shared>> -> memref<100352xf32, #tpu.memory_space<vmem_shared>>
      tpu.enqueue_indirect_dma source(%dma_start3A_194 : memref<128xf32, #tpu.memory_space<vmem>>) target(%dma_start3A_198 : memref<100352xf32, #tpu.memory_space<vmem_shared>>) offsets(%dma_start3A_196 : memref<128xi32, #tpu.memory_space<vmem>>) semaphore(%arg21 : memref<!tpu.dma_semaphore, #tpu.memory_space<semaphore_mem>>) {add = true}
      %dma_start3A_199 = arith.constant 3328 : i32
      %dma_start3A_200 = tpu.memref_slice %arg10[%dma_start3A_199] : memref<3584xf32, #tpu.memory_space<vmem>> -> memref<128xf32, #tpu.memory_space<vmem>>
      %dma_start3A_201 = arith.constant 3328 : i32
      %dma_start3A_202 = tpu.memref_slice %arg9[%dma_start3A_201] : memref<3584xi32, #tpu.memory_space<vmem>> -> memref<128xi32, #tpu.memory_space<vmem>>
      %dma_start3A_203 = arith.constant 0 : i32
      %dma_start3A_204 = tpu.memref_slice %arg19[%dma_start3A_203] : memref<100352xf32, #tpu.memory_space<vmem_shared>> -> memref<100352xf32, #tpu.memory_space<vmem_shared>>
      tpu.enqueue_indirect_dma source(%dma_start3A_200 : memref<128xf32, #tpu.memory_space<vmem>>) target(%dma_start3A_204 : memref<100352xf32, #tpu.memory_space<vmem_shared>>) offsets(%dma_start3A_202 : memref<128xi32, #tpu.memory_space<vmem>>) semaphore(%arg21 : memref<!tpu.dma_semaphore, #tpu.memory_space<semaphore_mem>>) {add = true}
      %dma_start3A_205 = arith.constant 3456 : i32
      %dma_start3A_206 = tpu.memref_slice %arg10[%dma_start3A_205] : memref<3584xf32, #tpu.memory_space<vmem>> -> memref<128xf32, #tpu.memory_space<vmem>>
      %dma_start3A_207 = arith.constant 3456 : i32
      %dma_start3A_208 = tpu.memref_slice %arg9[%dma_start3A_207] : memref<3584xi32, #tpu.memory_space<vmem>> -> memref<128xi32, #tpu.memory_space<vmem>>
      %dma_start3A_209 = arith.constant 0 : i32
      %dma_start3A_210 = tpu.memref_slice %arg19[%dma_start3A_209] : memref<100352xf32, #tpu.memory_space<vmem_shared>> -> memref<100352xf32, #tpu.memory_space<vmem_shared>>
      tpu.enqueue_indirect_dma source(%dma_start3A_206 : memref<128xf32, #tpu.memory_space<vmem>>) target(%dma_start3A_210 : memref<100352xf32, #tpu.memory_space<vmem_shared>>) offsets(%dma_start3A_208 : memref<128xi32, #tpu.memory_space<vmem>>) semaphore(%arg21 : memref<!tpu.dma_semaphore, #tpu.memory_space<semaphore_mem>>) {add = true}
      %dma_wait3A = arith.constant 0 : i32
      %dma_wait3A_211 = tpu.memref_slice %arg10[%dma_wait3A] : memref<3584xf32, #tpu.memory_space<vmem>> -> memref<128xf32, #tpu.memory_space<vmem>>
      %dma_wait3A_212 = arith.constant 0 : i32
      %dma_wait3A_213 = tpu.memref_slice %arg9[%dma_wait3A_212] : memref<3584xi32, #tpu.memory_space<vmem>> -> memref<128xi32, #tpu.memory_space<vmem>>
      %dma_wait3A_214 = arith.constant 0 : i32
      %dma_wait3A_215 = tpu.memref_slice %arg19[%dma_wait3A_214] : memref<100352xf32, #tpu.memory_space<vmem_shared>> -> memref<100352xf32, #tpu.memory_space<vmem_shared>>
      tpu.wait_indirect_dma semaphore(%arg21 : memref<!tpu.dma_semaphore, #tpu.memory_space<semaphore_mem>>) src(%dma_wait3A_211 : memref<128xf32, #tpu.memory_space<vmem>>) dst(%dma_wait3A_215 : memref<100352xf32, #tpu.memory_space<vmem_shared>>)
      %dma_wait3A_216 = arith.constant 128 : i32
      %dma_wait3A_217 = tpu.memref_slice %arg10[%dma_wait3A_216] : memref<3584xf32, #tpu.memory_space<vmem>> -> memref<128xf32, #tpu.memory_space<vmem>>
      %dma_wait3A_218 = arith.constant 128 : i32
      %dma_wait3A_219 = tpu.memref_slice %arg9[%dma_wait3A_218] : memref<3584xi32, #tpu.memory_space<vmem>> -> memref<128xi32, #tpu.memory_space<vmem>>
      %dma_wait3A_220 = arith.constant 0 : i32
      %dma_wait3A_221 = tpu.memref_slice %arg19[%dma_wait3A_220] : memref<100352xf32, #tpu.memory_space<vmem_shared>> -> memref<100352xf32, #tpu.memory_space<vmem_shared>>
      tpu.wait_indirect_dma semaphore(%arg21 : memref<!tpu.dma_semaphore, #tpu.memory_space<semaphore_mem>>) src(%dma_wait3A_217 : memref<128xf32, #tpu.memory_space<vmem>>) dst(%dma_wait3A_221 : memref<100352xf32, #tpu.memory_space<vmem_shared>>)
      %dma_wait3A_222 = arith.constant 256 : i32
      %dma_wait3A_223 = tpu.memref_slice %arg10[%dma_wait3A_222] : memref<3584xf32, #tpu.memory_space<vmem>> -> memref<128xf32, #tpu.memory_space<vmem>>
      %dma_wait3A_224 = arith.constant 256 : i32
      %dma_wait3A_225 = tpu.memref_slice %arg9[%dma_wait3A_224] : memref<3584xi32, #tpu.memory_space<vmem>> -> memref<128xi32, #tpu.memory_space<vmem>>
      %dma_wait3A_226 = arith.constant 0 : i32
      %dma_wait3A_227 = tpu.memref_slice %arg19[%dma_wait3A_226] : memref<100352xf32, #tpu.memory_space<vmem_shared>> -> memref<100352xf32, #tpu.memory_space<vmem_shared>>
      tpu.wait_indirect_dma semaphore(%arg21 : memref<!tpu.dma_semaphore, #tpu.memory_space<semaphore_mem>>) src(%dma_wait3A_223 : memref<128xf32, #tpu.memory_space<vmem>>) dst(%dma_wait3A_227 : memref<100352xf32, #tpu.memory_space<vmem_shared>>)
      %dma_wait3A_228 = arith.constant 384 : i32
      %dma_wait3A_229 = tpu.memref_slice %arg10[%dma_wait3A_228] : memref<3584xf32, #tpu.memory_space<vmem>> -> memref<128xf32, #tpu.memory_space<vmem>>
      %dma_wait3A_230 = arith.constant 384 : i32
      %dma_wait3A_231 = tpu.memref_slice %arg9[%dma_wait3A_230] : memref<3584xi32, #tpu.memory_space<vmem>> -> memref<128xi32, #tpu.memory_space<vmem>>
      %dma_wait3A_232 = arith.constant 0 : i32
      %dma_wait3A_233 = tpu.memref_slice %arg19[%dma_wait3A_232] : memref<100352xf32, #tpu.memory_space<vmem_shared>> -> memref<100352xf32, #tpu.memory_space<vmem_shared>>
      tpu.wait_indirect_dma semaphore(%arg21 : memref<!tpu.dma_semaphore, #tpu.memory_space<semaphore_mem>>) src(%dma_wait3A_229 : memref<128xf32, #tpu.memory_space<vmem>>) dst(%dma_wait3A_233 : memref<100352xf32, #tpu.memory_space<vmem_shared>>)
      %dma_wait3A_234 = arith.constant 512 : i32
      %dma_wait3A_235 = tpu.memref_slice %arg10[%dma_wait3A_234] : memref<3584xf32, #tpu.memory_space<vmem>> -> memref<128xf32, #tpu.memory_space<vmem>>
      %dma_wait3A_236 = arith.constant 512 : i32
      %dma_wait3A_237 = tpu.memref_slice %arg9[%dma_wait3A_236] : memref<3584xi32, #tpu.memory_space<vmem>> -> memref<128xi32, #tpu.memory_space<vmem>>
      %dma_wait3A_238 = arith.constant 0 : i32
      %dma_wait3A_239 = tpu.memref_slice %arg19[%dma_wait3A_238] : memref<100352xf32, #tpu.memory_space<vmem_shared>> -> memref<100352xf32, #tpu.memory_space<vmem_shared>>
      tpu.wait_indirect_dma semaphore(%arg21 : memref<!tpu.dma_semaphore, #tpu.memory_space<semaphore_mem>>) src(%dma_wait3A_235 : memref<128xf32, #tpu.memory_space<vmem>>) dst(%dma_wait3A_239 : memref<100352xf32, #tpu.memory_space<vmem_shared>>)
      %dma_wait3A_240 = arith.constant 640 : i32
      %dma_wait3A_241 = tpu.memref_slice %arg10[%dma_wait3A_240] : memref<3584xf32, #tpu.memory_space<vmem>> -> memref<128xf32, #tpu.memory_space<vmem>>
      %dma_wait3A_242 = arith.constant 640 : i32
      %dma_wait3A_243 = tpu.memref_slice %arg9[%dma_wait3A_242] : memref<3584xi32, #tpu.memory_space<vmem>> -> memref<128xi32, #tpu.memory_space<vmem>>
      %dma_wait3A_244 = arith.constant 0 : i32
      %dma_wait3A_245 = tpu.memref_slice %arg19[%dma_wait3A_244] : memref<100352xf32, #tpu.memory_space<vmem_shared>> -> memref<100352xf32, #tpu.memory_space<vmem_shared>>
      tpu.wait_indirect_dma semaphore(%arg21 : memref<!tpu.dma_semaphore, #tpu.memory_space<semaphore_mem>>) src(%dma_wait3A_241 : memref<128xf32, #tpu.memory_space<vmem>>) dst(%dma_wait3A_245 : memref<100352xf32, #tpu.memory_space<vmem_shared>>)
      %dma_wait3A_246 = arith.constant 768 : i32
      %dma_wait3A_247 = tpu.memref_slice %arg10[%dma_wait3A_246] : memref<3584xf32, #tpu.memory_space<vmem>> -> memref<128xf32, #tpu.memory_space<vmem>>
      %dma_wait3A_248 = arith.constant 768 : i32
      %dma_wait3A_249 = tpu.memref_slice %arg9[%dma_wait3A_248] : memref<3584xi32, #tpu.memory_space<vmem>> -> memref<128xi32, #tpu.memory_space<vmem>>
      %dma_wait3A_250 = arith.constant 0 : i32
      %dma_wait3A_251 = tpu.memref_slice %arg19[%dma_wait3A_250] : memref<100352xf32, #tpu.memory_space<vmem_shared>> -> memref<100352xf32, #tpu.memory_space<vmem_shared>>
      tpu.wait_indirect_dma semaphore(%arg21 : memref<!tpu.dma_semaphore, #tpu.memory_space<semaphore_mem>>) src(%dma_wait3A_247 : memref<128xf32, #tpu.memory_space<vmem>>) dst(%dma_wait3A_251 : memref<100352xf32, #tpu.memory_space<vmem_shared>>)
      %dma_wait3A_252 = arith.constant 896 : i32
      %dma_wait3A_253 = tpu.memref_slice %arg10[%dma_wait3A_252] : memref<3584xf32, #tpu.memory_space<vmem>> -> memref<128xf32, #tpu.memory_space<vmem>>
      %dma_wait3A_254 = arith.constant 896 : i32
      %dma_wait3A_255 = tpu.memref_slice %arg9[%dma_wait3A_254] : memref<3584xi32, #tpu.memory_space<vmem>> -> memref<128xi32, #tpu.memory_space<vmem>>
      %dma_wait3A_256 = arith.constant 0 : i32
      %dma_wait3A_257 = tpu.memref_slice %arg19[%dma_wait3A_256] : memref<100352xf32, #tpu.memory_space<vmem_shared>> -> memref<100352xf32, #tpu.memory_space<vmem_shared>>
      tpu.wait_indirect_dma semaphore(%arg21 : memref<!tpu.dma_semaphore, #tpu.memory_space<semaphore_mem>>) src(%dma_wait3A_253 : memref<128xf32, #tpu.memory_space<vmem>>) dst(%dma_wait3A_257 : memref<100352xf32, #tpu.memory_space<vmem_shared>>)
      %dma_wait3A_258 = arith.constant 1024 : i32
      %dma_wait3A_259 = tpu.memref_slice %arg10[%dma_wait3A_258] : memref<3584xf32, #tpu.memory_space<vmem>> -> memref<128xf32, #tpu.memory_space<vmem>>
      %dma_wait3A_260 = arith.constant 1024 : i32
      %dma_wait3A_261 = tpu.memref_slice %arg9[%dma_wait3A_260] : memref<3584xi32, #tpu.memory_space<vmem>> -> memref<128xi32, #tpu.memory_space<vmem>>
      %dma_wait3A_262 = arith.constant 0 : i32
      %dma_wait3A_263 = tpu.memref_slice %arg19[%dma_wait3A_262] : memref<100352xf32, #tpu.memory_space<vmem_shared>> -> memref<100352xf32, #tpu.memory_space<vmem_shared>>
      tpu.wait_indirect_dma semaphore(%arg21 : memref<!tpu.dma_semaphore, #tpu.memory_space<semaphore_mem>>) src(%dma_wait3A_259 : memref<128xf32, #tpu.memory_space<vmem>>) dst(%dma_wait3A_263 : memref<100352xf32, #tpu.memory_space<vmem_shared>>)
      %dma_wait3A_264 = arith.constant 1152 : i32
      %dma_wait3A_265 = tpu.memref_slice %arg10[%dma_wait3A_264] : memref<3584xf32, #tpu.memory_space<vmem>> -> memref<128xf32, #tpu.memory_space<vmem>>
      %dma_wait3A_266 = arith.constant 1152 : i32
      %dma_wait3A_267 = tpu.memref_slice %arg9[%dma_wait3A_266] : memref<3584xi32, #tpu.memory_space<vmem>> -> memref<128xi32, #tpu.memory_space<vmem>>
      %dma_wait3A_268 = arith.constant 0 : i32
      %dma_wait3A_269 = tpu.memref_slice %arg19[%dma_wait3A_268] : memref<100352xf32, #tpu.memory_space<vmem_shared>> -> memref<100352xf32, #tpu.memory_space<vmem_shared>>
      tpu.wait_indirect_dma semaphore(%arg21 : memref<!tpu.dma_semaphore, #tpu.memory_space<semaphore_mem>>) src(%dma_wait3A_265 : memref<128xf32, #tpu.memory_space<vmem>>) dst(%dma_wait3A_269 : memref<100352xf32, #tpu.memory_space<vmem_shared>>)
      %dma_wait3A_270 = arith.constant 1280 : i32
      %dma_wait3A_271 = tpu.memref_slice %arg10[%dma_wait3A_270] : memref<3584xf32, #tpu.memory_space<vmem>> -> memref<128xf32, #tpu.memory_space<vmem>>
      %dma_wait3A_272 = arith.constant 1280 : i32
      %dma_wait3A_273 = tpu.memref_slice %arg9[%dma_wait3A_272] : memref<3584xi32, #tpu.memory_space<vmem>> -> memref<128xi32, #tpu.memory_space<vmem>>
      %dma_wait3A_274 = arith.constant 0 : i32
      %dma_wait3A_275 = tpu.memref_slice %arg19[%dma_wait3A_274] : memref<100352xf32, #tpu.memory_space<vmem_shared>> -> memref<100352xf32, #tpu.memory_space<vmem_shared>>
      tpu.wait_indirect_dma semaphore(%arg21 : memref<!tpu.dma_semaphore, #tpu.memory_space<semaphore_mem>>) src(%dma_wait3A_271 : memref<128xf32, #tpu.memory_space<vmem>>) dst(%dma_wait3A_275 : memref<100352xf32, #tpu.memory_space<vmem_shared>>)
      %dma_wait3A_276 = arith.constant 1408 : i32
      %dma_wait3A_277 = tpu.memref_slice %arg10[%dma_wait3A_276] : memref<3584xf32, #tpu.memory_space<vmem>> -> memref<128xf32, #tpu.memory_space<vmem>>
      %dma_wait3A_278 = arith.constant 1408 : i32
      %dma_wait3A_279 = tpu.memref_slice %arg9[%dma_wait3A_278] : memref<3584xi32, #tpu.memory_space<vmem>> -> memref<128xi32, #tpu.memory_space<vmem>>
      %dma_wait3A_280 = arith.constant 0 : i32
      %dma_wait3A_281 = tpu.memref_slice %arg19[%dma_wait3A_280] : memref<100352xf32, #tpu.memory_space<vmem_shared>> -> memref<100352xf32, #tpu.memory_space<vmem_shared>>
      tpu.wait_indirect_dma semaphore(%arg21 : memref<!tpu.dma_semaphore, #tpu.memory_space<semaphore_mem>>) src(%dma_wait3A_277 : memref<128xf32, #tpu.memory_space<vmem>>) dst(%dma_wait3A_281 : memref<100352xf32, #tpu.memory_space<vmem_shared>>)
      %dma_wait3A_282 = arith.constant 1536 : i32
      %dma_wait3A_283 = tpu.memref_slice %arg10[%dma_wait3A_282] : memref<3584xf32, #tpu.memory_space<vmem>> -> memref<128xf32, #tpu.memory_space<vmem>>
      %dma_wait3A_284 = arith.constant 1536 : i32
      %dma_wait3A_285 = tpu.memref_slice %arg9[%dma_wait3A_284] : memref<3584xi32, #tpu.memory_space<vmem>> -> memref<128xi32, #tpu.memory_space<vmem>>
      %dma_wait3A_286 = arith.constant 0 : i32
      %dma_wait3A_287 = tpu.memref_slice %arg19[%dma_wait3A_286] : memref<100352xf32, #tpu.memory_space<vmem_shared>> -> memref<100352xf32, #tpu.memory_space<vmem_shared>>
      tpu.wait_indirect_dma semaphore(%arg21 : memref<!tpu.dma_semaphore, #tpu.memory_space<semaphore_mem>>) src(%dma_wait3A_283 : memref<128xf32, #tpu.memory_space<vmem>>) dst(%dma_wait3A_287 : memref<100352xf32, #tpu.memory_space<vmem_shared>>)
      %dma_wait3A_288 = arith.constant 1664 : i32
      %dma_wait3A_289 = tpu.memref_slice %arg10[%dma_wait3A_288] : memref<3584xf32, #tpu.memory_space<vmem>> -> memref<128xf32, #tpu.memory_space<vmem>>
      %dma_wait3A_290 = arith.constant 1664 : i32
      %dma_wait3A_291 = tpu.memref_slice %arg9[%dma_wait3A_290] : memref<3584xi32, #tpu.memory_space<vmem>> -> memref<128xi32, #tpu.memory_space<vmem>>
      %dma_wait3A_292 = arith.constant 0 : i32
      %dma_wait3A_293 = tpu.memref_slice %arg19[%dma_wait3A_292] : memref<100352xf32, #tpu.memory_space<vmem_shared>> -> memref<100352xf32, #tpu.memory_space<vmem_shared>>
      tpu.wait_indirect_dma semaphore(%arg21 : memref<!tpu.dma_semaphore, #tpu.memory_space<semaphore_mem>>) src(%dma_wait3A_289 : memref<128xf32, #tpu.memory_space<vmem>>) dst(%dma_wait3A_293 : memref<100352xf32, #tpu.memory_space<vmem_shared>>)
      %dma_wait3A_294 = arith.constant 1792 : i32
      %dma_wait3A_295 = tpu.memref_slice %arg10[%dma_wait3A_294] : memref<3584xf32, #tpu.memory_space<vmem>> -> memref<128xf32, #tpu.memory_space<vmem>>
      %dma_wait3A_296 = arith.constant 1792 : i32
      %dma_wait3A_297 = tpu.memref_slice %arg9[%dma_wait3A_296] : memref<3584xi32, #tpu.memory_space<vmem>> -> memref<128xi32, #tpu.memory_space<vmem>>
      %dma_wait3A_298 = arith.constant 0 : i32
      %dma_wait3A_299 = tpu.memref_slice %arg19[%dma_wait3A_298] : memref<100352xf32, #tpu.memory_space<vmem_shared>> -> memref<100352xf32, #tpu.memory_space<vmem_shared>>
      tpu.wait_indirect_dma semaphore(%arg21 : memref<!tpu.dma_semaphore, #tpu.memory_space<semaphore_mem>>) src(%dma_wait3A_295 : memref<128xf32, #tpu.memory_space<vmem>>) dst(%dma_wait3A_299 : memref<100352xf32, #tpu.memory_space<vmem_shared>>)
      %dma_wait3A_300 = arith.constant 1920 : i32
      %dma_wait3A_301 = tpu.memref_slice %arg10[%dma_wait3A_300] : memref<3584xf32, #tpu.memory_space<vmem>> -> memref<128xf32, #tpu.memory_space<vmem>>
      %dma_wait3A_302 = arith.constant 1920 : i32
      %dma_wait3A_303 = tpu.memref_slice %arg9[%dma_wait3A_302] : memref<3584xi32, #tpu.memory_space<vmem>> -> memref<128xi32, #tpu.memory_space<vmem>>
      %dma_wait3A_304 = arith.constant 0 : i32
      %dma_wait3A_305 = tpu.memref_slice %arg19[%dma_wait3A_304] : memref<100352xf32, #tpu.memory_space<vmem_shared>> -> memref<100352xf32, #tpu.memory_space<vmem_shared>>
      tpu.wait_indirect_dma semaphore(%arg21 : memref<!tpu.dma_semaphore, #tpu.memory_space<semaphore_mem>>) src(%dma_wait3A_301 : memref<128xf32, #tpu.memory_space<vmem>>) dst(%dma_wait3A_305 : memref<100352xf32, #tpu.memory_space<vmem_shared>>)
      %dma_wait3A_306 = arith.constant 2048 : i32
      %dma_wait3A_307 = tpu.memref_slice %arg10[%dma_wait3A_306] : memref<3584xf32, #tpu.memory_space<vmem>> -> memref<128xf32, #tpu.memory_space<vmem>>
      %dma_wait3A_308 = arith.constant 2048 : i32
      %dma_wait3A_309 = tpu.memref_slice %arg9[%dma_wait3A_308] : memref<3584xi32, #tpu.memory_space<vmem>> -> memref<128xi32, #tpu.memory_space<vmem>>
      %dma_wait3A_310 = arith.constant 0 : i32
      %dma_wait3A_311 = tpu.memref_slice %arg19[%dma_wait3A_310] : memref<100352xf32, #tpu.memory_space<vmem_shared>> -> memref<100352xf32, #tpu.memory_space<vmem_shared>>
      tpu.wait_indirect_dma semaphore(%arg21 : memref<!tpu.dma_semaphore, #tpu.memory_space<semaphore_mem>>) src(%dma_wait3A_307 : memref<128xf32, #tpu.memory_space<vmem>>) dst(%dma_wait3A_311 : memref<100352xf32, #tpu.memory_space<vmem_shared>>)
      %dma_wait3A_312 = arith.constant 2176 : i32
      %dma_wait3A_313 = tpu.memref_slice %arg10[%dma_wait3A_312] : memref<3584xf32, #tpu.memory_space<vmem>> -> memref<128xf32, #tpu.memory_space<vmem>>
      %dma_wait3A_314 = arith.constant 2176 : i32
      %dma_wait3A_315 = tpu.memref_slice %arg9[%dma_wait3A_314] : memref<3584xi32, #tpu.memory_space<vmem>> -> memref<128xi32, #tpu.memory_space<vmem>>
      %dma_wait3A_316 = arith.constant 0 : i32
      %dma_wait3A_317 = tpu.memref_slice %arg19[%dma_wait3A_316] : memref<100352xf32, #tpu.memory_space<vmem_shared>> -> memref<100352xf32, #tpu.memory_space<vmem_shared>>
      tpu.wait_indirect_dma semaphore(%arg21 : memref<!tpu.dma_semaphore, #tpu.memory_space<semaphore_mem>>) src(%dma_wait3A_313 : memref<128xf32, #tpu.memory_space<vmem>>) dst(%dma_wait3A_317 : memref<100352xf32, #tpu.memory_space<vmem_shared>>)
      %dma_wait3A_318 = arith.constant 2304 : i32
      %dma_wait3A_319 = tpu.memref_slice %arg10[%dma_wait3A_318] : memref<3584xf32, #tpu.memory_space<vmem>> -> memref<128xf32, #tpu.memory_space<vmem>>
      %dma_wait3A_320 = arith.constant 2304 : i32
      %dma_wait3A_321 = tpu.memref_slice %arg9[%dma_wait3A_320] : memref<3584xi32, #tpu.memory_space<vmem>> -> memref<128xi32, #tpu.memory_space<vmem>>
      %dma_wait3A_322 = arith.constant 0 : i32
      %dma_wait3A_323 = tpu.memref_slice %arg19[%dma_wait3A_322] : memref<100352xf32, #tpu.memory_space<vmem_shared>> -> memref<100352xf32, #tpu.memory_space<vmem_shared>>
      tpu.wait_indirect_dma semaphore(%arg21 : memref<!tpu.dma_semaphore, #tpu.memory_space<semaphore_mem>>) src(%dma_wait3A_319 : memref<128xf32, #tpu.memory_space<vmem>>) dst(%dma_wait3A_323 : memref<100352xf32, #tpu.memory_space<vmem_shared>>)
      %dma_wait3A_324 = arith.constant 2432 : i32
      %dma_wait3A_325 = tpu.memref_slice %arg10[%dma_wait3A_324] : memref<3584xf32, #tpu.memory_space<vmem>> -> memref<128xf32, #tpu.memory_space<vmem>>
      %dma_wait3A_326 = arith.constant 2432 : i32
      %dma_wait3A_327 = tpu.memref_slice %arg9[%dma_wait3A_326] : memref<3584xi32, #tpu.memory_space<vmem>> -> memref<128xi32, #tpu.memory_space<vmem>>
      %dma_wait3A_328 = arith.constant 0 : i32
      %dma_wait3A_329 = tpu.memref_slice %arg19[%dma_wait3A_328] : memref<100352xf32, #tpu.memory_space<vmem_shared>> -> memref<100352xf32, #tpu.memory_space<vmem_shared>>
      tpu.wait_indirect_dma semaphore(%arg21 : memref<!tpu.dma_semaphore, #tpu.memory_space<semaphore_mem>>) src(%dma_wait3A_325 : memref<128xf32, #tpu.memory_space<vmem>>) dst(%dma_wait3A_329 : memref<100352xf32, #tpu.memory_space<vmem_shared>>)
      %dma_wait3A_330 = arith.constant 2560 : i32
      %dma_wait3A_331 = tpu.memref_slice %arg10[%dma_wait3A_330] : memref<3584xf32, #tpu.memory_space<vmem>> -> memref<128xf32, #tpu.memory_space<vmem>>
      %dma_wait3A_332 = arith.constant 2560 : i32
      %dma_wait3A_333 = tpu.memref_slice %arg9[%dma_wait3A_332] : memref<3584xi32, #tpu.memory_space<vmem>> -> memref<128xi32, #tpu.memory_space<vmem>>
      %dma_wait3A_334 = arith.constant 0 : i32
      %dma_wait3A_335 = tpu.memref_slice %arg19[%dma_wait3A_334] : memref<100352xf32, #tpu.memory_space<vmem_shared>> -> memref<100352xf32, #tpu.memory_space<vmem_shared>>
      tpu.wait_indirect_dma semaphore(%arg21 : memref<!tpu.dma_semaphore, #tpu.memory_space<semaphore_mem>>) src(%dma_wait3A_331 : memref<128xf32, #tpu.memory_space<vmem>>) dst(%dma_wait3A_335 : memref<100352xf32, #tpu.memory_space<vmem_shared>>)
      %dma_wait3A_336 = arith.constant 2688 : i32
      %dma_wait3A_337 = tpu.memref_slice %arg10[%dma_wait3A_336] : memref<3584xf32, #tpu.memory_space<vmem>> -> memref<128xf32, #tpu.memory_space<vmem>>
      %dma_wait3A_338 = arith.constant 2688 : i32
      %dma_wait3A_339 = tpu.memref_slice %arg9[%dma_wait3A_338] : memref<3584xi32, #tpu.memory_space<vmem>> -> memref<128xi32, #tpu.memory_space<vmem>>
      %dma_wait3A_340 = arith.constant 0 : i32
      %dma_wait3A_341 = tpu.memref_slice %arg19[%dma_wait3A_340] : memref<100352xf32, #tpu.memory_space<vmem_shared>> -> memref<100352xf32, #tpu.memory_space<vmem_shared>>
      tpu.wait_indirect_dma semaphore(%arg21 : memref<!tpu.dma_semaphore, #tpu.memory_space<semaphore_mem>>) src(%dma_wait3A_337 : memref<128xf32, #tpu.memory_space<vmem>>) dst(%dma_wait3A_341 : memref<100352xf32, #tpu.memory_space<vmem_shared>>)
      %dma_wait3A_342 = arith.constant 2816 : i32
      %dma_wait3A_343 = tpu.memref_slice %arg10[%dma_wait3A_342] : memref<3584xf32, #tpu.memory_space<vmem>> -> memref<128xf32, #tpu.memory_space<vmem>>
      %dma_wait3A_344 = arith.constant 2816 : i32
      %dma_wait3A_345 = tpu.memref_slice %arg9[%dma_wait3A_344] : memref<3584xi32, #tpu.memory_space<vmem>> -> memref<128xi32, #tpu.memory_space<vmem>>
      %dma_wait3A_346 = arith.constant 0 : i32
      %dma_wait3A_347 = tpu.memref_slice %arg19[%dma_wait3A_346] : memref<100352xf32, #tpu.memory_space<vmem_shared>> -> memref<100352xf32, #tpu.memory_space<vmem_shared>>
      tpu.wait_indirect_dma semaphore(%arg21 : memref<!tpu.dma_semaphore, #tpu.memory_space<semaphore_mem>>) src(%dma_wait3A_343 : memref<128xf32, #tpu.memory_space<vmem>>) dst(%dma_wait3A_347 : memref<100352xf32, #tpu.memory_space<vmem_shared>>)
      %dma_wait3A_348 = arith.constant 2944 : i32
      %dma_wait3A_349 = tpu.memref_slice %arg10[%dma_wait3A_348] : memref<3584xf32, #tpu.memory_space<vmem>> -> memref<128xf32, #tpu.memory_space<vmem>>
      %dma_wait3A_350 = arith.constant 2944 : i32
      %dma_wait3A_351 = tpu.memref_slice %arg9[%dma_wait3A_350] : memref<3584xi32, #tpu.memory_space<vmem>> -> memref<128xi32, #tpu.memory_space<vmem>>
      %dma_wait3A_352 = arith.constant 0 : i32
      %dma_wait3A_353 = tpu.memref_slice %arg19[%dma_wait3A_352] : memref<100352xf32, #tpu.memory_space<vmem_shared>> -> memref<100352xf32, #tpu.memory_space<vmem_shared>>
      tpu.wait_indirect_dma semaphore(%arg21 : memref<!tpu.dma_semaphore, #tpu.memory_space<semaphore_mem>>) src(%dma_wait3A_349 : memref<128xf32, #tpu.memory_space<vmem>>) dst(%dma_wait3A_353 : memref<100352xf32, #tpu.memory_space<vmem_shared>>)
      %dma_wait3A_354 = arith.constant 3072 : i32
      %dma_wait3A_355 = tpu.memref_slice %arg10[%dma_wait3A_354] : memref<3584xf32, #tpu.memory_space<vmem>> -> memref<128xf32, #tpu.memory_space<vmem>>
      %dma_wait3A_356 = arith.constant 3072 : i32
      %dma_wait3A_357 = tpu.memref_slice %arg9[%dma_wait3A_356] : memref<3584xi32, #tpu.memory_space<vmem>> -> memref<128xi32, #tpu.memory_space<vmem>>
      %dma_wait3A_358 = arith.constant 0 : i32
      %dma_wait3A_359 = tpu.memref_slice %arg19[%dma_wait3A_358] : memref<100352xf32, #tpu.memory_space<vmem_shared>> -> memref<100352xf32, #tpu.memory_space<vmem_shared>>
      tpu.wait_indirect_dma semaphore(%arg21 : memref<!tpu.dma_semaphore, #tpu.memory_space<semaphore_mem>>) src(%dma_wait3A_355 : memref<128xf32, #tpu.memory_space<vmem>>) dst(%dma_wait3A_359 : memref<100352xf32, #tpu.memory_space<vmem_shared>>)
      %dma_wait3A_360 = arith.constant 3200 : i32
      %dma_wait3A_361 = tpu.memref_slice %arg10[%dma_wait3A_360] : memref<3584xf32, #tpu.memory_space<vmem>> -> memref<128xf32, #tpu.memory_space<vmem>>
      %dma_wait3A_362 = arith.constant 3200 : i32
      %dma_wait3A_363 = tpu.memref_slice %arg9[%dma_wait3A_362] : memref<3584xi32, #tpu.memory_space<vmem>> -> memref<128xi32, #tpu.memory_space<vmem>>
      %dma_wait3A_364 = arith.constant 0 : i32
      %dma_wait3A_365 = tpu.memref_slice %arg19[%dma_wait3A_364] : memref<100352xf32, #tpu.memory_space<vmem_shared>> -> memref<100352xf32, #tpu.memory_space<vmem_shared>>
      tpu.wait_indirect_dma semaphore(%arg21 : memref<!tpu.dma_semaphore, #tpu.memory_space<semaphore_mem>>) src(%dma_wait3A_361 : memref<128xf32, #tpu.memory_space<vmem>>) dst(%dma_wait3A_365 : memref<100352xf32, #tpu.memory_space<vmem_shared>>)
      %dma_wait3A_366 = arith.constant 3328 : i32
      %dma_wait3A_367 = tpu.memref_slice %arg10[%dma_wait3A_366] : memref<3584xf32, #tpu.memory_space<vmem>> -> memref<128xf32, #tpu.memory_space<vmem>>
      %dma_wait3A_368 = arith.constant 3328 : i32
      %dma_wait3A_369 = tpu.memref_slice %arg9[%dma_wait3A_368] : memref<3584xi32, #tpu.memory_space<vmem>> -> memref<128xi32, #tpu.memory_space<vmem>>
      %dma_wait3A_370 = arith.constant 0 : i32
      %dma_wait3A_371 = tpu.memref_slice %arg19[%dma_wait3A_370] : memref<100352xf32, #tpu.memory_space<vmem_shared>> -> memref<100352xf32, #tpu.memory_space<vmem_shared>>
      tpu.wait_indirect_dma semaphore(%arg21 : memref<!tpu.dma_semaphore, #tpu.memory_space<semaphore_mem>>) src(%dma_wait3A_367 : memref<128xf32, #tpu.memory_space<vmem>>) dst(%dma_wait3A_371 : memref<100352xf32, #tpu.memory_space<vmem_shared>>)
      %dma_wait3A_372 = arith.constant 3456 : i32
      %dma_wait3A_373 = tpu.memref_slice %arg10[%dma_wait3A_372] : memref<3584xf32, #tpu.memory_space<vmem>> -> memref<128xf32, #tpu.memory_space<vmem>>
      %dma_wait3A_374 = arith.constant 3456 : i32
      %dma_wait3A_375 = tpu.memref_slice %arg9[%dma_wait3A_374] : memref<3584xi32, #tpu.memory_space<vmem>> -> memref<128xi32, #tpu.memory_space<vmem>>
      %dma_wait3A_376 = arith.constant 0 : i32
      %dma_wait3A_377 = tpu.memref_slice %arg19[%dma_wait3A_376] : memref<100352xf32, #tpu.memory_space<vmem_shared>> -> memref<100352xf32, #tpu.memory_space<vmem_shared>>
      tpu.wait_indirect_dma semaphore(%arg21 : memref<!tpu.dma_semaphore, #tpu.memory_space<semaphore_mem>>) src(%dma_wait3A_373 : memref<128xf32, #tpu.memory_space<vmem>>) dst(%dma_wait3A_377 : memref<100352xf32, #tpu.memory_space<vmem_shared>>)
    }
    %scan3A_15 = arith.constant 14 : i32
    %barrier3A_16 = arith.constant 0 : index
    tpu.barrier barrier_id(%barrier3A_16)
    "tpu.region"() ({
      %run_scoped3A = tpu.sem_alloc : memref<!tpu.dma_semaphore, #tpu.memory_space<semaphore_mem>>
      tpu.enqueue_dma source(%arg6 : memref<16xf32, #tpu.memory_space<hbm>>) target(%arg15 : memref<16xf32, #tpu.memory_space<vmem>>) target_semaphore(%run_scoped3A : memref<!tpu.dma_semaphore, #tpu.memory_space<semaphore_mem>>)
      tpu.wait_dma2 semaphore(%run_scoped3A : memref<!tpu.dma_semaphore, #tpu.memory_space<semaphore_mem>>) src(%arg6 : memref<16xf32, #tpu.memory_space<hbm>>) dst(%arg15 : memref<16xf32, #tpu.memory_space<vmem>>)
      tpu.yield
    }) : () -> ()
    "tpu.region"() ({
      %run_scoped3A = tpu.sem_alloc : memref<!tpu.dma_semaphore, #tpu.memory_space<semaphore_mem>>
      tpu.enqueue_dma source(%arg7 : memref<16xf32, #tpu.memory_space<hbm>>) target(%arg16 : memref<16xf32, #tpu.memory_space<vmem>>) target_semaphore(%run_scoped3A : memref<!tpu.dma_semaphore, #tpu.memory_space<semaphore_mem>>)
      tpu.wait_dma2 semaphore(%run_scoped3A : memref<!tpu.dma_semaphore, #tpu.memory_space<semaphore_mem>>) src(%arg7 : memref<16xf32, #tpu.memory_space<hbm>>) dst(%arg16 : memref<16xf32, #tpu.memory_space<vmem>>)
      tpu.yield
    }) : () -> ()
    %eq3A_17 = arith.constant 0 : i32
    %eq3A_18 = arith.cmpi eq, %arg0, %eq3A_17 : i32
    %jit3A = arith.constant 1.000000e+00 : f32
    %jit3A_19 = arith.constant 0.000000e+00 : f32
    %select_n3A = arith.select %eq3A_18, %jit3A, %jit3A_19 : f32
    %broadcast_in_dim3A = arith.constant 0.000000e+00 : f32
    %broadcast_in_dim3A_20 = vector.broadcast %broadcast_in_dim3A : f32 to vector<16xf32>
    %swap3A = arith.constant 0 : index
    %swap3A_21 = tpu.vector_load %arg17[%swap3A] {strides = array<i32>} : memref<16xf32, #tpu.memory_space<vmem>>, vector<16xf32>,
    tpu.vector_store %arg17[%swap3A], %broadcast_in_dim3A_20 {strides = array<i32>} : memref<16xf32, #tpu.memory_space<vmem>>, vector<16xf32>,
    %mul3A_22 = arith.constant 6272 : i32
    %mul3A_23 = arith.muli %arg1, %mul3A_22 : i32
    "tpu.region"() ({
      %run_scoped3A = tpu.sem_alloc : memref<!tpu.dma_semaphore, #tpu.memory_space<semaphore_mem>>
      %dma_start3A = tpu.memref_slice %arg19[%mul3A_23] : memref<100352xf32, #tpu.memory_space<vmem_shared>> -> memref<6272xf32, #tpu.memory_space<vmem_shared>>
      %dma_start3A_36 = tpu.memref_slice %arg19[%mul3A_23] : memref<100352xf32, #tpu.memory_space<vmem_shared>> -> memref<6272xf32, #tpu.memory_space<vmem_shared>>
      tpu.enqueue_dma source(%dma_start3A_36 : memref<6272xf32, #tpu.memory_space<vmem_shared>>) target(%arg11 : memref<6272xf32, #tpu.memory_space<vmem>>) target_semaphore(%run_scoped3A : memref<!tpu.dma_semaphore, #tpu.memory_space<semaphore_mem>>)
      %dma_wait3A = tpu.memref_slice %arg19[%mul3A_23] : memref<100352xf32, #tpu.memory_space<vmem_shared>> -> memref<6272xf32, #tpu.memory_space<vmem_shared>>
      %dma_wait3A_37 = tpu.memref_slice %arg19[%mul3A_23] : memref<100352xf32, #tpu.memory_space<vmem_shared>> -> memref<6272xf32, #tpu.memory_space<vmem_shared>>
      tpu.wait_dma2 semaphore(%run_scoped3A : memref<!tpu.dma_semaphore, #tpu.memory_space<semaphore_mem>>) src(%dma_wait3A_37 : memref<6272xf32, #tpu.memory_space<vmem_shared>>) dst(%arg11 : memref<6272xf32, #tpu.memory_space<vmem>>)
      tpu.yield
    }) : () -> ()
    "tpu.region"() ({
      %run_scoped3A = tpu.sem_alloc : memref<!tpu.dma_semaphore, #tpu.memory_space<semaphore_mem>>
      %dma_start3A = tpu.memref_slice %arg4[%mul3A_23] : memref<100352xi32, #tpu.memory_space<hbm>> -> memref<6272xi32, #tpu.memory_space<hbm>>
      %dma_start3A_36 = tpu.memref_slice %arg4[%mul3A_23] : memref<100352xi32, #tpu.memory_space<hbm>> -> memref<6272xi32, #tpu.memory_space<hbm>>
      tpu.enqueue_dma source(%dma_start3A_36 : memref<6272xi32, #tpu.memory_space<hbm>>) target(%arg12 : memref<6272xi32, #tpu.memory_space<vmem>>) target_semaphore(%run_scoped3A : memref<!tpu.dma_semaphore, #tpu.memory_space<semaphore_mem>>)
      %dma_wait3A = tpu.memref_slice %arg4[%mul3A_23] : memref<100352xi32, #tpu.memory_space<hbm>> -> memref<6272xi32, #tpu.memory_space<hbm>>
      %dma_wait3A_37 = tpu.memref_slice %arg4[%mul3A_23] : memref<100352xi32, #tpu.memory_space<hbm>> -> memref<6272xi32, #tpu.memory_space<hbm>>
      tpu.wait_dma2 semaphore(%run_scoped3A : memref<!tpu.dma_semaphore, #tpu.memory_space<semaphore_mem>>) src(%dma_wait3A_37 : memref<6272xi32, #tpu.memory_space<hbm>>) dst(%arg12 : memref<6272xi32, #tpu.memory_space<vmem>>)
      tpu.yield
    }) : () -> ()
    "tpu.region"() ({
      %run_scoped3A = tpu.sem_alloc : memref<!tpu.dma_semaphore, #tpu.memory_space<semaphore_mem>>
      %dma_start3A = tpu.memref_slice %arg5[%mul3A_23] : memref<100352xi32, #tpu.memory_space<hbm>> -> memref<6272xi32, #tpu.memory_space<hbm>>
      %dma_start3A_36 = tpu.memref_slice %arg5[%mul3A_23] : memref<100352xi32, #tpu.memory_space<hbm>> -> memref<6272xi32, #tpu.memory_space<hbm>>
      tpu.enqueue_dma source(%dma_start3A_36 : memref<6272xi32, #tpu.memory_space<hbm>>) target(%arg13 : memref<6272xi32, #tpu.memory_space<vmem>>) target_semaphore(%run_scoped3A : memref<!tpu.dma_semaphore, #tpu.memory_space<semaphore_mem>>)
      %dma_wait3A = tpu.memref_slice %arg5[%mul3A_23] : memref<100352xi32, #tpu.memory_space<hbm>> -> memref<6272xi32, #tpu.memory_space<hbm>>
      %dma_wait3A_37 = tpu.memref_slice %arg5[%mul3A_23] : memref<100352xi32, #tpu.memory_space<hbm>> -> memref<6272xi32, #tpu.memory_space<hbm>>
      tpu.wait_dma2 semaphore(%run_scoped3A : memref<!tpu.dma_semaphore, #tpu.memory_space<semaphore_mem>>) src(%dma_wait3A_37 : memref<6272xi32, #tpu.memory_space<hbm>>) dst(%arg13 : memref<6272xi32, #tpu.memory_space<vmem>>)
      tpu.yield
    }) : () -> ()
    %scan3A_24 = arith.constant 0 : i32
    %scan3A_25 = arith.constant 0 : i32
    %scan3A_26 = arith.constant 392 : i32
    %scan3A_27 = arith.addi %scan3A_25, %scan3A_26 : i32
    %scan3A_28 = arith.constant 1 : i32
    scf.for %scan3A_36 = %scan3A_25 to %scan3A_27 step %scan3A_28  : i32 {
      %mul3A_37 = arith.constant 16 : i32
      %mul3A_38 = arith.muli %scan3A_36, %mul3A_37 : i32
      %get3A = arith.index_cast %mul3A_38 : i32 to index
      %get3A_39 = tpu.vector_load %arg12[%get3A] {strides = array<i32>} : memref<6272xi32, #tpu.memory_space<vmem>>, vector<16xi32>,
      %get3A_40 = arith.index_cast %mul3A_38 : i32 to index
      %get3A_41 = tpu.vector_load %arg13[%get3A_40] {strides = array<i32>} : memref<6272xi32, #tpu.memory_space<vmem>>, vector<16xi32>,
      %gather3A = tpu.vector_load_idx %arg15[%get3A_39] : memref<16xf32, #tpu.memory_space<vmem>>[vector<16xi32>], vector<16xf32>,
      %gather3A_42 = tpu.vector_load_idx %arg16[%get3A_39] : memref<16xf32, #tpu.memory_space<vmem>>[vector<16xi32>], vector<16xf32>,
      %get3A_43 = arith.index_cast %mul3A_38 : i32 to index
      %get3A_44 = tpu.vector_load %arg11[%get3A_43] {strides = array<i32>} : memref<6272xf32, #tpu.memory_space<vmem>>, vector<16xf32>,
      %mul3A_45 = arith.mulf %get3A_44, %gather3A : vector<16xf32>
      %mul3A_46 = vector.broadcast %select_n3A : f32 to vector<16xf32>
      %mul3A_47 = arith.mulf %gather3A_42, %mul3A_46 : vector<16xf32>
      %add3A_48 = arith.addf %mul3A_45, %mul3A_47 : vector<16xf32>
      tpu.vector_store_idx %arg17[%get3A_41], %add3A_48 {add = true} : memref<16xf32, #tpu.memory_space<vmem>>[vector<16xi32>], vector<16xf32>,
    }
    %scan3A_29 = arith.constant 392 : i32
    "tpu.region"() ({
      %run_scoped3A = tpu.sem_alloc : memref<!tpu.dma_semaphore, #tpu.memory_space<semaphore_mem>>
      %dma_start3A = arith.constant 0 : i32
      %dma_start3A_36 = tpu.memref_slice %arg20[%dma_start3A] : memref<16xf32, #tpu.memory_space<vmem_shared>> -> memref<16xf32, #tpu.memory_space<vmem_shared>>
      tpu.enqueue_indirect_dma source(%arg17 : memref<16xf32, #tpu.memory_space<vmem>>) target(%dma_start3A_36 : memref<16xf32, #tpu.memory_space<vmem_shared>>) offsets(%iota3A : vector<16xi32>) semaphore(%run_scoped3A : memref<!tpu.dma_semaphore, #tpu.memory_space<semaphore_mem>>) {add = true}
      %dma_wait3A = arith.constant 0 : i32
      %dma_wait3A_37 = tpu.memref_slice %arg20[%dma_wait3A] : memref<16xf32, #tpu.memory_space<vmem_shared>> -> memref<16xf32, #tpu.memory_space<vmem_shared>>
      tpu.wait_indirect_dma semaphore(%run_scoped3A : memref<!tpu.dma_semaphore, #tpu.memory_space<semaphore_mem>>) src(%arg17 : memref<16xf32, #tpu.memory_space<vmem>>) dst(%dma_wait3A_37 : memref<16xf32, #tpu.memory_space<vmem_shared>>)
      tpu.yield
    }) : () -> ()
    %barrier3A_30 = arith.constant 0 : index
    tpu.barrier barrier_id(%barrier3A_30)
    %eq3A_31 = arith.constant 0 : i32
    %eq3A_32 = arith.cmpi eq, %arg1, %eq3A_31 : i32
    %convert_element_type3A_33 = arith.extui %eq3A_32 : i1 to i32
    %cond3A_34 = arith.constant 0 : i32
    %cond3A_35 = arith.cmpi ne, %convert_element_type3A_33, %cond3A_34 : i32
    scf.if %cond3A_35 {
      "tpu.region"() ({
        %run_scoped3A = tpu.sem_alloc : memref<!tpu.dma_semaphore, #tpu.memory_space<semaphore_mem>>
        tpu.enqueue_dma source(%arg20 : memref<16xf32, #tpu.memory_space<vmem_shared>>) target(%arg18 : memref<16xf32, #tpu.memory_space<vmem>>) target_semaphore(%run_scoped3A : memref<!tpu.dma_semaphore, #tpu.memory_space<semaphore_mem>>)
        tpu.wait_dma2 semaphore(%run_scoped3A : memref<!tpu.dma_semaphore, #tpu.memory_space<semaphore_mem>>) src(%arg20 : memref<16xf32, #tpu.memory_space<vmem_shared>>) dst(%arg18 : memref<16xf32, #tpu.memory_space<vmem>>)
        tpu.yield
      }) : () -> ()
      "tpu.region"() ({
        %run_scoped3A = tpu.sem_alloc : memref<!tpu.dma_semaphore, #tpu.memory_space<semaphore_mem>>
        %dma_start3A = arith.constant 0 : i32
        %dma_start3A_36 = tpu.memref_slice %arg8[%arg0, %dma_start3A] : memref<2x16xf32, #tpu.memory_space<hbm>> -> memref<1x16xf32, #tpu.memory_space<hbm>>
        %dma_start3A_37 = tpu.memref_squeeze %dma_start3A_36 : memref<1x16xf32, #tpu.memory_space<hbm>> -> memref<16xf32, #tpu.memory_space<hbm>>
        %dma_start3A_38 = arith.constant 0 : i32
        %dma_start3A_39 = tpu.memref_slice %arg8[%arg0, %dma_start3A_38] : memref<2x16xf32, #tpu.memory_space<hbm>> -> memref<1x16xf32, #tpu.memory_space<hbm>>
        %dma_start3A_40 = tpu.memref_squeeze %dma_start3A_39 : memref<1x16xf32, #tpu.memory_space<hbm>> -> memref<16xf32, #tpu.memory_space<hbm>>
        tpu.enqueue_dma source(%arg18 : memref<16xf32, #tpu.memory_space<vmem>>) target(%dma_start3A_40 : memref<16xf32, #tpu.memory_space<hbm>>) target_semaphore(%run_scoped3A : memref<!tpu.dma_semaphore, #tpu.memory_space<semaphore_mem>>)
        %dma_wait3A = arith.constant 0 : i32
        %dma_wait3A_41 = tpu.memref_slice %arg8[%arg0, %dma_wait3A] : memref<2x16xf32, #tpu.memory_space<hbm>> -> memref<1x16xf32, #tpu.memory_space<hbm>>
        %dma_wait3A_42 = tpu.memref_squeeze %dma_wait3A_41 : memref<1x16xf32, #tpu.memory_space<hbm>> -> memref<16xf32, #tpu.memory_space<hbm>>
        %dma_wait3A_43 = arith.constant 0 : i32
        %dma_wait3A_44 = tpu.memref_slice %arg8[%arg0, %dma_wait3A_43] : memref<2x16xf32, #tpu.memory_space<hbm>> -> memref<1x16xf32, #tpu.memory_space<hbm>>
        %dma_wait3A_45 = tpu.memref_squeeze %dma_wait3A_44 : memref<1x16xf32, #tpu.memory_space<hbm>> -> memref<16xf32, #tpu.memory_space<hbm>>
        tpu.wait_dma2 semaphore(%run_scoped3A : memref<!tpu.dma_semaphore, #tpu.memory_space<semaphore_mem>>) src(%arg18 : memref<16xf32, #tpu.memory_space<vmem>>) dst(%dma_wait3A_45 : memref<16xf32, #tpu.memory_space<hbm>>)
        tpu.yield
      }) : () -> ()
    } else {
    }
    return
  }
}

module attributes {stable_mosaic.version = 14 : i64} {
  func.func @_mlp_body(%arg0: i32, %arg1: memref<8192xf32, #tpu.memory_space<vmem>>, %arg2: memref<8192xf32, #tpu.memory_space<vmem>>, %arg3: memref<8192xf32, #tpu.memory_space<vmem>>, %arg4: memref<8192xf32, #tpu.memory_space<vmem>>, %arg5: memref<8192xf32, #tpu.memory_space<vmem>>, %arg6: memref<8192xf32, #tpu.memory_space<vmem>>, %arg7: memref<8192xf32, #tpu.memory_space<vmem>>, %arg8: memref<8192xf32, #tpu.memory_space<vmem>>, %arg9: memref<64x26xbf16, #tpu.memory_space<vmem>>, %arg10: memref<64x64xbf16, #tpu.memory_space<vmem>>, %arg11: memref<1x64xf32, #tpu.memory_space<vmem>>, %arg12: memref<9x9xf32, #tpu.memory_space<vmem>>, %arg13: memref<8192xf32, #tpu.memory_space<vmem>>) attributes {dimension_semantics = [#tpu.dimension_semantics<arbitrary>], iteration_bounds = array<i64: 196>, scalar_prefetch = 0 : i64, scratch_operands = 0 : i64, tpu.core_type = #tpu.core_type<tc>, window_params = [{transform_indices = @transform_0, window_bounds = array<i64: 8192>}, {transform_indices = @transform_1, window_bounds = array<i64: 8192>}, {transform_indices = @transform_2, window_bounds = array<i64: 8192>}, {transform_indices = @transform_3, window_bounds = array<i64: 8192>}, {transform_indices = @transform_4, window_bounds = array<i64: 8192>}, {transform_indices = @transform_5, window_bounds = array<i64: 8192>}, {transform_indices = @transform_6, window_bounds = array<i64: 8192>}, {transform_indices = @transform_7, window_bounds = array<i64: 8192>}, {pipeline_mode = #tpu.pipeline_mode<synchronous>, transform_indices = @transform_8, window_bounds = array<i64: 64, 26>}, {pipeline_mode = #tpu.pipeline_mode<synchronous>, transform_indices = @transform_9, window_bounds = array<i64: 64, 64>}, {pipeline_mode = #tpu.pipeline_mode<synchronous>, transform_indices = @transform_10, window_bounds = array<i64: 1, 64>}, {pipeline_mode = #tpu.pipeline_mode<synchronous>, transform_indices = @transform_11, window_bounds = array<i64: 9, 9>}, {transform_indices = @transform_12, window_bounds = array<i64: 8192>}]} {
    %get3A = arith.constant 0 : index
    %get3A_0 = vector.load %arg5[%get3A] : memref<8192xf32, #tpu.memory_space<vmem>>, vector<8192xf32>
    %get3A_1 = arith.constant 0 : index
    %get3A_2 = vector.load %arg1[%get3A_1] : memref<8192xf32, #tpu.memory_space<vmem>>, vector<8192xf32>
    %sub3A = arith.subf %get3A_0, %get3A_2 : vector<8192xf32>
    %get3A_3 = arith.constant 0 : index
    %get3A_4 = vector.load %arg6[%get3A_3] : memref<8192xf32, #tpu.memory_space<vmem>>, vector<8192xf32>
    %get3A_5 = arith.constant 0 : index
    %get3A_6 = vector.load %arg2[%get3A_5] : memref<8192xf32, #tpu.memory_space<vmem>>, vector<8192xf32>
    %sub3A_7 = arith.subf %get3A_4, %get3A_6 : vector<8192xf32>
    %get3A_8 = arith.constant 0 : index
    %get3A_9 = vector.load %arg7[%get3A_8] : memref<8192xf32, #tpu.memory_space<vmem>>, vector<8192xf32>
    %get3A_10 = arith.constant 0 : index
    %get3A_11 = vector.load %arg3[%get3A_10] : memref<8192xf32, #tpu.memory_space<vmem>>, vector<8192xf32>
    %sub3A_12 = arith.subf %get3A_9, %get3A_11 : vector<8192xf32>
    %mul3A = arith.mulf %sub3A, %sub3A : vector<8192xf32>
    %mul3A_13 = arith.mulf %sub3A_7, %sub3A_7 : vector<8192xf32>
    %add3A = arith.addf %mul3A, %mul3A_13 : vector<8192xf32>
    %mul3A_14 = arith.mulf %sub3A_12, %sub3A_12 : vector<8192xf32>
    %add3A_15 = arith.addf %add3A, %mul3A_14 : vector<8192xf32>
    %reshape3A = vector.shape_cast %add3A_15 : vector<8192xf32> to vector<1x8192xf32>
    %get3A_16 = arith.constant 0 : index
    %get3A_17 = vector.load %arg4[%get3A_16] : memref<8192xf32, #tpu.memory_space<vmem>>, vector<8192xf32>
    %reshape3A_18 = vector.shape_cast %get3A_17 : vector<8192xf32> to vector<1x8192xf32>
    %get3A_19 = arith.constant 0 : index
    %get3A_20 = vector.load %arg8[%get3A_19] : memref<8192xf32, #tpu.memory_space<vmem>>, vector<8192xf32>
    %reshape3A_21 = vector.shape_cast %get3A_20 : vector<8192xf32> to vector<1x8192xf32>
    %add3A_22 = arith.constant 9.99999996E-13 : f32
    %add3A_23 = vector.broadcast %add3A_22 : f32 to vector<1x8192xf32>
    %add3A_24 = arith.addf %reshape3A, %add3A_23 : vector<1x8192xf32>
    %sqrt3A = math.sqrt %add3A_24 : vector<1x8192xf32>
    %mul3A_25 = arith.constant 1.000000e-01 : f32
    %mul3A_26 = vector.broadcast %mul3A_25 : f32 to vector<1x8192xf32>
    %mul3A_27 = arith.mulf %sqrt3A, %mul3A_26 : vector<1x8192xf32>
    %mul3A_28 = arith.mulf %mul3A_27, %mul3A_27 : vector<1x8192xf32>
    %mul3A_29 = arith.mulf %mul3A_28, %mul3A_27 : vector<1x8192xf32>
    %mul3A_30 = arith.mulf %mul3A_29, %mul3A_29 : vector<1x8192xf32>
    %mul3A_31 = arith.mulf %mul3A_30, %mul3A_27 : vector<1x8192xf32>
    %mul3A_32 = arith.mulf %mul3A_31, %mul3A_27 : vector<1x8192xf32>
    %mul3A_33 = arith.constant 2.800000e+01 : f32
    %mul3A_34 = vector.broadcast %mul3A_33 : f32 to vector<1x8192xf32>
    %mul3A_35 = arith.mulf %mul3A_34, %mul3A_30 : vector<1x8192xf32>
    %sub3A_36 = arith.constant 1.000000e+00 : f32
    %sub3A_37 = vector.broadcast %sub3A_36 : f32 to vector<1x8192xf32>
    %sub3A_38 = arith.subf %sub3A_37, %mul3A_35 : vector<1x8192xf32>
    %mul3A_39 = arith.constant 4.800000e+01 : f32
    %mul3A_40 = vector.broadcast %mul3A_39 : f32 to vector<1x8192xf32>
    %mul3A_41 = arith.mulf %mul3A_40, %mul3A_31 : vector<1x8192xf32>
    %add3A_42 = arith.addf %sub3A_38, %mul3A_41 : vector<1x8192xf32>
    %mul3A_43 = arith.constant 2.100000e+01 : f32
    %mul3A_44 = vector.broadcast %mul3A_43 : f32 to vector<1x8192xf32>
    %mul3A_45 = arith.mulf %mul3A_44, %mul3A_32 : vector<1x8192xf32>
    %sub3A_46 = arith.subf %add3A_42, %mul3A_45 : vector<1x8192xf32>
    %lt3A = arith.constant 1.000000e+00 : f32
    %lt3A_47 = vector.broadcast %lt3A : f32 to vector<1x8192xf32>
    %lt3A_48 = arith.cmpf olt, %mul3A_27, %lt3A_47 : vector<1x8192xf32>
    %jit3A = arith.constant 0.000000e+00 : f32
    %broadcast_in_dim3A = vector.broadcast %jit3A : f32 to vector<1x8192xf32>
    %select_n3A = arith.select %lt3A_48, %sub3A_46, %broadcast_in_dim3A : vector<1x8192xi1>, vector<1x8192xf32>
    %iota3A = tpu.iota {dimensions = array<i32: 0>} : vector<8x1xi32>
    %add3A_49 = arith.constant 1 : i32
    %add3A_50 = vector.broadcast %add3A_49 : i32 to vector<8x1xi32>
    %add3A_51 = arith.addi %iota3A, %add3A_50 : vector<8x1xi32>
    %convert_element_type3A = arith.sitofp %add3A_51 : vector<8x1xi32> to vector<8x1xf32>
    %mul3A_52 = arith.constant 3.14159274 : f32
    %mul3A_53 = vector.broadcast %mul3A_52 : f32 to vector<8x1xf32>
    %mul3A_54 = arith.mulf %convert_element_type3A, %mul3A_53 : vector<8x1xf32>
    %mul3A_55 = vector.broadcast %mul3A_54 : vector<8x1xf32> to vector<8x8192xf32>
    %mul3A_56 = vector.broadcast %mul3A_27 : vector<1x8192xf32> to vector<8x8192xf32>
    %mul3A_57 = arith.mulf %mul3A_55, %mul3A_56 : vector<8x8192xf32>
    %sin3A = math.sin %mul3A_57 : vector<8x8192xf32>
    %add3A_58 = arith.constant 9.99999993E-9 : f32
    %add3A_59 = vector.broadcast %add3A_58 : f32 to vector<1x8192xf32>
    %add3A_60 = arith.addf %sqrt3A, %add3A_59 : vector<1x8192xf32>
    %div3A = arith.constant 0.44721359 : f32
    %div3A_61 = vector.broadcast %div3A : f32 to vector<1x8192xf32>
    %div3A_62 = arith.divf %div3A_61, %add3A_60 : vector<1x8192xf32>
    %mul3A_63 = arith.mulf %div3A_62, %select_n3A : vector<1x8192xf32>
    %mul3A_64 = vector.broadcast %mul3A_63 : vector<1x8192xf32> to vector<8x8192xf32>
    %mul3A_65 = arith.mulf %mul3A_64, %sin3A : vector<8x8192xf32>
    %iota3A_66 = tpu.iota {dimensions = array<i32: 0>} : vector<9x1xi32>
    %convert_element_type3A_67 = arith.sitofp %iota3A_66 : vector<9x1xi32> to vector<9x1xf32>
    %eq3A = vector.broadcast %reshape3A_18 : vector<1x8192xf32> to vector<9x8192xf32>
    %eq3A_68 = vector.broadcast %convert_element_type3A_67 : vector<9x1xf32> to vector<9x8192xf32>
    %eq3A_69 = arith.cmpf oeq, %eq3A, %eq3A_68 : vector<9x8192xf32>
    %convert_element_type3A_70 = arith.extui %eq3A_69 : vector<9x8192xi1> to vector<9x8192xi32>
    %convert_element_type3A_71 = arith.sitofp %convert_element_type3A_70 : vector<9x8192xi32> to vector<9x8192xf32>
    %eq3A_72 = vector.broadcast %reshape3A_21 : vector<1x8192xf32> to vector<9x8192xf32>
    %eq3A_73 = vector.broadcast %convert_element_type3A_67 : vector<9x1xf32> to vector<9x8192xf32>
    %eq3A_74 = arith.cmpf oeq, %eq3A_72, %eq3A_73 : vector<9x8192xf32>
    %convert_element_type3A_75 = arith.extui %eq3A_74 : vector<9x8192xi1> to vector<9x8192xi32>
    %convert_element_type3A_76 = arith.sitofp %convert_element_type3A_75 : vector<9x8192xi32> to vector<9x8192xf32>
    %concatenate3A = tpu.concatenate %mul3A_65, %convert_element_type3A_71, %convert_element_type3A_76 in 0 : vector<8x8192xf32>, vector<9x8192xf32>, vector<9x8192xf32> -> vector<26x8192xf32>
    %get3A_77 = arith.constant 0 : index
    %get3A_78 = arith.constant 0 : index
    %get3A_79 = vector.load %arg9[%get3A_77, %get3A_78] : memref<64x26xbf16, #tpu.memory_space<vmem>>, vector<64x26xbf16>
    %convert_element_type3A_80 = arith.truncf %concatenate3A : vector<26x8192xf32> to vector<26x8192xbf16>
    %dot_general3A = arith.constant dense<0.000000e+00> : vector<64x8192xf32>
    %dot_general3A_81 = tpu.matmul %get3A_79, %convert_element_type3A_80, %dot_general3A {dimension_numbers = #tpu.dot_dimension_numbers<[1], [0], [0], [1], [0, 0, 1, 1], [], []>, transpose_lhs_hint = false} : vector<64x26xbf16>, vector<26x8192xbf16>, vector<64x8192xf32> -> vector<64x8192xf32>
    %mul3A_82 = arith.constant 5.000000e-01 : f32
    %mul3A_83 = vector.broadcast %mul3A_82 : f32 to vector<64x8192xf32>
    %mul3A_84 = arith.mulf %mul3A_83, %dot_general3A_81 : vector<64x8192xf32>
    %mul3A_85 = arith.constant 5.000000e-01 : f32
    %mul3A_86 = vector.broadcast %mul3A_85 : f32 to vector<64x8192xf32>
    %mul3A_87 = arith.mulf %mul3A_86, %dot_general3A_81 : vector<64x8192xf32>
    %tanh3A = math.tanh %mul3A_87 : vector<64x8192xf32>
    %mul3A_88 = arith.mulf %mul3A_84, %tanh3A : vector<64x8192xf32>
    %mul3A_89 = arith.constant 5.000000e-01 : f32
    %mul3A_90 = vector.broadcast %mul3A_89 : f32 to vector<64x8192xf32>
    %mul3A_91 = arith.mulf %mul3A_90, %dot_general3A_81 : vector<64x8192xf32>
    %add3A_92 = arith.addf %mul3A_88, %mul3A_91 : vector<64x8192xf32>
    %get3A_93 = arith.constant 0 : index
    %get3A_94 = arith.constant 0 : index
    %get3A_95 = vector.load %arg10[%get3A_93, %get3A_94] : memref<64x64xbf16, #tpu.memory_space<vmem>>, vector<64x64xbf16>
    %convert_element_type3A_96 = arith.truncf %add3A_92 : vector<64x8192xf32> to vector<64x8192xbf16>
    %dot_general3A_97 = arith.constant dense<0.000000e+00> : vector<64x8192xf32>
    %dot_general3A_98 = tpu.matmul %get3A_95, %convert_element_type3A_96, %dot_general3A_97 {dimension_numbers = #tpu.dot_dimension_numbers<[1], [0], [0], [1], [0, 0, 1, 1], [], []>, transpose_lhs_hint = false} : vector<64x64xbf16>, vector<64x8192xbf16>, vector<64x8192xf32> -> vector<64x8192xf32>
    %mul3A_99 = arith.constant 5.000000e-01 : f32
    %mul3A_100 = vector.broadcast %mul3A_99 : f32 to vector<64x8192xf32>
    %mul3A_101 = arith.mulf %mul3A_100, %dot_general3A_98 : vector<64x8192xf32>
    %mul3A_102 = arith.constant 5.000000e-01 : f32
    %mul3A_103 = vector.broadcast %mul3A_102 : f32 to vector<64x8192xf32>
    %mul3A_104 = arith.mulf %mul3A_103, %dot_general3A_98 : vector<64x8192xf32>
    %tanh3A_105 = math.tanh %mul3A_104 : vector<64x8192xf32>
    %mul3A_106 = arith.mulf %mul3A_101, %tanh3A_105 : vector<64x8192xf32>
    %mul3A_107 = arith.constant 5.000000e-01 : f32
    %mul3A_108 = vector.broadcast %mul3A_107 : f32 to vector<64x8192xf32>
    %mul3A_109 = arith.mulf %mul3A_108, %dot_general3A_98 : vector<64x8192xf32>
    %add3A_110 = arith.addf %mul3A_106, %mul3A_109 : vector<64x8192xf32>
    %get3A_111 = arith.constant 0 : index
    %get3A_112 = arith.constant 0 : index
    %get3A_113 = vector.load %arg11[%get3A_111, %get3A_112] : memref<1x64xf32, #tpu.memory_space<vmem>>, vector<1x64xf32>
    %dot_general3A_114 = arith.constant dense<0.000000e+00> : vector<1x8192xf32>
    %dot_general3A_115 = tpu.matmul %get3A_113, %add3A_110, %dot_general3A_114 {dimension_numbers = #tpu.dot_dimension_numbers<[1], [0], [0], [1], [0, 0, 1, 1], [], []>, transpose_lhs_hint = false} : vector<1x64xf32>, vector<64x8192xf32>, vector<1x8192xf32> -> vector<1x8192xf32>
    %get3A_116 = arith.constant 0 : index
    %get3A_117 = arith.constant 0 : index
    %get3A_118 = vector.load %arg12[%get3A_116, %get3A_117] : memref<9x9xf32, #tpu.memory_space<vmem>>, vector<9x9xf32>
    %dot_general3A_119 = arith.constant dense<0.000000e+00> : vector<9x8192xf32>
    %dot_general3A_120 = tpu.matmul %get3A_118, %convert_element_type3A_71, %dot_general3A_119 {dimension_numbers = #tpu.dot_dimension_numbers<[1], [0], [0], [1], [0, 0, 1, 1], [], []>, transpose_lhs_hint = false} : vector<9x9xf32>, vector<9x8192xf32>, vector<9x8192xf32> -> vector<9x8192xf32>
    %mul3A_121 = arith.mulf %dot_general3A_120, %convert_element_type3A_76 : vector<9x8192xf32>
    %reduce_sum3A = arith.constant dense<0.000000e+00> : vector<8192xf32>
    %reduce_sum3A_122 = vector.multi_reduction <add>, %mul3A_121, %reduce_sum3A [0] : vector<9x8192xf32> to vector<8192xf32>
    %broadcast_in_dim3A_123 = vector.shape_cast %reduce_sum3A_122 : vector<8192xf32> to vector<1x8192xf32>
    %mul3A_124 = arith.mulf %dot_general3A_115, %broadcast_in_dim3A_123 : vector<1x8192xf32>
    %mul3A_125 = arith.constant 2.500000e-01 : f32
    %mul3A_126 = vector.broadcast %mul3A_125 : f32 to vector<1x8192xf32>
    %mul3A_127 = arith.mulf %mul3A_124, %mul3A_126 : vector<1x8192xf32>
    %reshape3A_128 = vector.shape_cast %mul3A_127 : vector<1x8192xf32> to vector<8192xf32>
    %swap3A = arith.constant 0 : index
    %swap3A_129 = vector.load %arg13[%swap3A] : memref<8192xf32, #tpu.memory_space<vmem>>, vector<8192xf32>
    tpu.vector_store %arg13[%swap3A], %reshape3A_128 {strides = array<i32>} : memref<8192xf32, #tpu.memory_space<vmem>>, vector<8192xf32>,
    return
  }
  func.func @transform_0(%arg0: i32) -> i32 {
    %add3A = arith.constant 0 : i32
    %add3A_0 = arith.addi %add3A, %arg0 : i32
    %c0_i32 = arith.constant 0 : i32
    return %add3A_0 : i32
  }
  func.func @transform_1(%arg0: i32) -> i32 {
    %add3A = arith.constant 196 : i32
    %add3A_0 = arith.addi %add3A, %arg0 : i32
    %c0_i32 = arith.constant 0 : i32
    return %add3A_0 : i32
  }
  func.func @transform_2(%arg0: i32) -> i32 {
    %add3A = arith.constant 392 : i32
    %add3A_0 = arith.addi %add3A, %arg0 : i32
    %c0_i32 = arith.constant 0 : i32
    return %add3A_0 : i32
  }
  func.func @transform_3(%arg0: i32) -> i32 {
    %add3A = arith.constant 588 : i32
    %add3A_0 = arith.addi %add3A, %arg0 : i32
    %c0_i32 = arith.constant 0 : i32
    return %add3A_0 : i32
  }
  func.func @transform_4(%arg0: i32) -> i32 {
    %add3A = arith.constant 784 : i32
    %add3A_0 = arith.addi %add3A, %arg0 : i32
    %c0_i32 = arith.constant 0 : i32
    return %add3A_0 : i32
  }
  func.func @transform_5(%arg0: i32) -> i32 {
    %add3A = arith.constant 980 : i32
    %add3A_0 = arith.addi %add3A, %arg0 : i32
    %c0_i32 = arith.constant 0 : i32
    return %add3A_0 : i32
  }
  func.func @transform_6(%arg0: i32) -> i32 {
    %add3A = arith.constant 1176 : i32
    %add3A_0 = arith.addi %add3A, %arg0 : i32
    %c0_i32 = arith.constant 0 : i32
    return %add3A_0 : i32
  }
  func.func @transform_7(%arg0: i32) -> i32 {
    %add3A = arith.constant 1372 : i32
    %add3A_0 = arith.addi %add3A, %arg0 : i32
    %c0_i32 = arith.constant 0 : i32
    return %add3A_0 : i32
  }
  func.func @transform_8(%arg0: i32) -> (i32, i32) {
    %c0_i32 = arith.constant 0 : i32
    %c0_i32_0 = arith.constant 0 : i32
    %c0_i32_1 = arith.constant 0 : i32
    return %c0_i32, %c0_i32_0 : i32, i32
  }
  func.func @transform_9(%arg0: i32) -> (i32, i32) {
    %c0_i32 = arith.constant 0 : i32
    %c0_i32_0 = arith.constant 0 : i32
    %c0_i32_1 = arith.constant 0 : i32
    return %c0_i32, %c0_i32_0 : i32, i32
  }
  func.func @transform_10(%arg0: i32) -> (i32, i32) {
    %c0_i32 = arith.constant 0 : i32
    %c0_i32_0 = arith.constant 0 : i32
    %c0_i32_1 = arith.constant 0 : i32
    return %c0_i32, %c0_i32_0 : i32, i32
  }
  func.func @transform_11(%arg0: i32) -> (i32, i32) {
    %c0_i32 = arith.constant 0 : i32
    %c0_i32_0 = arith.constant 0 : i32
    %c0_i32_1 = arith.constant 0 : i32
    return %c0_i32, %c0_i32_0 : i32, i32
  }
  func.func @transform_12(%arg0: i32) -> i32 {
    %c0_i32 = arith.constant 0 : i32
    return %arg0 : i32
  }
}

</mosaic_0001>

<sc_bundles>
// kernel: kernel.5.cloned.1.call-start
scs
__scs_entry_jumppad:
0x0: {  	(pc) =	sbr.rel $0x88, $3  }
0x1: {  	(tag) =	ssettag $0x0;
	lr =	simm.s32 $0x1  }
0x2: {  	[smem:$0x3F96] =	sst lr;
	_ =	strace $0xD0000000  }
0x3: {  	_ = 	snop  }
0x4: {  	_ = 	snop  }
0x5: {  	_ = 	snop  }
0x6: {  	_ = 	snop  }
0x7: {  	_ = 	snop  }
__scs_overlays_trampoline_lowered:
0x8: {  	[smem:$0x3FA5] =	sst s0  }
0x9: {  	[smem:$0x3FA6] =	sst s1  }
0xa: {  	[smem:$0x3FA7] =	sst s2  }
0xb: {  	[smem:$0x3FA8] =	sst s3  }
0xc: {  	[smem:$0x3FA9] =	sst s4  }
0xd: {  	[smem:$0x3FAA] =	sst s5  }
0xe: {  	[smem:$0x3FAB] =	sst s6  }
0xf: {  	[smem:$0x3FAC] =	sst s7  }
0x10: {  	[smem:$0x3FAD] =	sst s8  }
0x11: {  	[smem:$0x3FAE] =	sst s9;
	s0 =	simm.s32 @!p0 $0x0  }
0x12: {  	s1 =	sld [smem:$0x3F94];
	s0 =	simm.s32 @p0 $0x1  }
0x13: {  	[smem:$0x3FAF] =	sst s0;
	s0 =	simm.s32 @!p1 $0x0  }
0x14: {  	s2 =	sld [smem:$0x3F93];
	s0 =	simm.s32 @p1 $0x1  }
0x15: {  	[smem:$0x3FB0] =	sst s0;
	s0 =	simm.s32 @!p2 $0x0  }
0x16: {  	s3 =	sld [smem:$0x3FDB];
	s0 =	simm.s32 @p2 $0x1  }
0x17: {  	s4 =	simm.s32 $0x1BF5;
	[smem:$0x3FB2] =	sst s0  }
0x18: {  	s0 =	sld [smem:$0x3F95];
	_ =	swait.ge [sflag:s4], $0x0  }
0x19: {  	s7 =	sld [smem:$0x3F96]  }
0x1a: {  	s8 =	sadd.s32 $0xFFFFE003, lr  }
0x1b: {  	s9 =	sadd.s32 $0xFFFFFEF7, lr;
	s5 =	simm.s32 $0xFFFFFFFF;
	p2 =	slt.u32 s8, $0xFFFFF086  }
0x1c: {  	p1 =	slt.u32 s9, $0xF7A;
	s5 =	simm.s32 @!p2 $0x0  }
0x1d: {  	s5 =	simm.s32 @p1 $0x1;
	p0 =	seq.s32 s7, s2  }
0x1e: {  	s7 =	smul.u32 @!p0 $0xF7A, s2;
	p2 =	seq.s32 @!p0 s5, $0x0  }
0x1f: {  	s9 =	smul.u32 $0xF7A, s1;
	s8 =	simm.s32 @!p0 $0x1BF5;
	p2 =	por !p2, p0  }
0x20: {  	[sflag:s8] =	ssyncset.s32 @!p0 $0xFFFFF086;
	s6 =	sadd.s32 @!p0 s3, s7;
	s7 =	simm.s32 @!p0 $0x108  }
0x21: {  	s3 =	sadd.s32 s3, s9;
	s6 =	sadd.s32 @!p0 $0x88, s6;
	s7 =	simm.s32 @p2 $0x1082  }
0x22: {  	[simem:s7], [sflag:s8] =	dma.local @!p0 [hbm:s6], $0xF7A  }
0x23: {  	s9 =	sor.u32 $0xD0000000, s2;
	s6 =	simm.s32 $0x108;
	_ =	swait.ge @!p0 [sflag:s8], $0x0  }
0x24: {  	s3 =	sadd.s32 $0x88, s3;
	s6 =	simm.s32 @!p1 $0x1082;
	[sflag:s4] =	ssyncset.s32 $0xFFFFF086  }
0x25: {  	[simem:s6], [sflag:s4] =	dma.local [hbm:s3], $0xF7A  }
0x26: {  	[smem:$0x3F96] =	sst s1;
	(tag) =	ssettag s2;
	_ =	strace s9  }
0x27: {  	s1 =	sld [smem:$0x3FA6]  }
0x28: {  	s2 =	sld [smem:$0x3FA7]  }
0x29: {  	s4 =	sld [smem:$0x3FA9]  }
0x2a: {  	p0 =	seq.s32 s5, $0x0;
	s5 =	sld [smem:$0x3FAA]  }
0x2b: {  	s6 =	sld [smem:$0x3FAB]  }
0x2c: {  	s7 =	sld [smem:$0x3FAC]  }
0x2d: {  	s3 =	simm.s32 $0x108;
	s8 =	sld [smem:$0x3FAD]  }
0x2e: {  	s3 =	simm.s32 @!p0 $0x1082;
	s9 =	sld [smem:$0x3FAE]  }
0x2f: {  	lr =	sadd.s32 s0, s3;
	s0 =	sld [smem:$0x3FA5]  }
0x30: {  	s3 =	sld [smem:$0x3FA8]  }
0x31: {  	[smem:$0x3FB1] =	sst s10  }
0x32: {  	s10 =	sld [smem:$0x3FAF];
	_ =	sdelay $0x3  }
0x33: {  	p0 =	seq.s32 s10, $0x1;
	s10 =	sld [smem:$0x3FB1];
	_ =	sdelay $0x3  }
0x34: {  	[smem:$0x3FB1] =	sst s10  }
0x35: {  	s10 =	sld [smem:$0x3FB0];
	_ =	sdelay $0x3  }
0x36: {  	p1 =	seq.s32 s10, $0x1;
	s10 =	sld [smem:$0x3FB1];
	_ =	sdelay $0x3  }
0x37: {  	[smem:$0x3FB1] =	sst s10  }
0x38: {  	s10 =	sld [smem:$0x3FB2]  }
0x39: {  	_ = 	snop;
	(pc) =	sbr.ind lr, $3  }
0x3a: {  	_ = 	snop  }
0x3b: {  	_ = 	snop  }
0x3c: {  	p2 =	seq.s32 s10, $0x1;
	s10 =	sld [smem:$0x3FB1]  }
0x3d: {  	_ =	shalt  }
0x3e: {  	_ =	shalt  }
0x3f: {  	_ =	shalt  }
0x40: {  	_ =	shalt  }
0x41: {  	_ =	shalt  }
0x42: {  	_ =	shalt  }
0x43: {  	_ =	shalt  }
0x44: {  	_ =	shalt  }
0x45: {  	_ =	shalt  }
0x46: {  	_ =	shalt  }
0x47: {  	_ =	shalt  }
0x48: {  	_ =	shalt  }
0x49: {  	_ =	shalt  }
0x4a: {  	_ =	shalt  }
0x4b: {  	_ =	shalt  }
0x4c: {  	_ =	shalt  }
0x4d: {  	_ =	shalt  }
0x4e: {  	_ =	shalt  }
0x4f: {  	_ =	shalt  }
0x50: {  	_ =	shalt  }
0x51: {  	_ =	shalt  }
0x52: {  	_ =	shalt  }
0x53: {  	_ =	shalt  }
0x54: {  	_ =	shalt  }
0x55: {  	_ =	shalt  }
0x56: {  	_ =	shalt  }
0x57: {  	_ =	shalt  }
0x58: {  	_ =	shalt  }
0x59: {  	_ =	shalt  }
0x5a: {  	_ =	shalt  }
0x5b: {  	_ =	shalt  }
0x5c: {  	_ =	shalt  }
0x5d: {  	_ =	shalt  }
0x5e: {  	_ =	shalt  }
0x5f: {  	_ =	shalt  }
0x60: {  	_ =	shalt  }
0x61: {  	_ =	shalt  }
0x62: {  	_ =	shalt  }
0x63: {  	_ =	shalt  }
0x64: {  	_ =	shalt  }
0x65: {  	_ =	shalt  }
0x66: {  	_ =	shalt  }
0x67: {  	_ =	shalt  }
0x68: {  	_ =	shalt  }
0x69: {  	_ =	shalt  }
0x6a: {  	_ =	shalt  }
0x6b: {  	_ =	shalt  }
0x6c: {  	_ =	shalt  }
0x6d: {  	_ =	shalt  }
0x6e: {  	_ =	shalt  }
0x6f: {  	_ =	shalt  }
0x70: {  	_ =	shalt  }
0x71: {  	_ =	shalt  }
0x72: {  	_ =	shalt  }
0x73: {  	_ =	shalt  }
0x74: {  	_ =	shalt  }
0x75: {  	_ =	shalt  }
0x76: {  	_ =	shalt  }
0x77: {  	_ =	shalt  }
0x78: {  	_ =	shalt  }
0x79: {  	_ =	shalt  }
0x7a: {  	_ =	shalt  }
0x7b: {  	_ =	shalt  }
0x7c: {  	_ =	shalt  }
0x7d: {  	_ =	shalt  }
0x7e: {  	_ =	shalt  }
0x7f: {  	_ =	shalt  }
0x80: {  	_ =	shalt  }
0x81: {  	_ =	shalt  }
0x82: {  	_ =	shalt  }
0x83: {  	_ =	shalt  }
0x84: {  	_ =	shalt  }
0x85: {  	_ =	shalt  }
0x86: {  	_ =	shalt  }
0x87: {  	_ =	shalt  }
.Lfunc_end0:
.L_simem_size_0:
called_computation_lowered:
.L_overlay_start_0:
0x88: {  	s2 =	sld [smem:$0x3FD9]  }
0x89: {  	s3 =	sld [smem:$0x3FFE];
	_ =	sdelay $0x1  }
0x8a: {  	s1 =	srdreg.scid  }
0x8b: {  	s0 =	sand.u32 $0x1, s1  }
0x8c: {  	s16 =	sshll.u32 s0, $0xA;
	s2 =	sadd.s32 s3, s2  }
0x8d: {  	s2 =	sadd.s32 s2, s16  }
0x8e: {  	[smem:$0x3FBD] =	sst s2  }
0x8f: {  	_ = 	snop  }
0x90: {  	(tm) =	ssettm $0x1  }
0x91: {  	s17 =	sld [smem:$0x3FFB];
	_ =	sdelay $0x3  }
0x92: {  	_ =	strace s17  }
0x93: {  	s2 =	sld [smem:$0x3FFC];
	_ =	sdelay $0x3  }
0x94: {  	_ =	strace s2  }
0x95: {  	s2 =	sld [smem:$0x3FFD];
	_ =	sdelay $0x3  }
0x96: {  	_ =	strace s2  }
0x97: {  	_ =	strace $0x8FFFFFFF  }
0x98: {  	s18 =	sld [smem:$0x3FDB];
	_ =	sdelay $0x1  }
0x99: {  	s19 =	simm.s32 $_scs_section_size  }
0x9a: {  	s4 =	simm.s32 $_size__tile_overlayer_lowered;
	s5 =	simm.s32 $_tile_overlayer_lowered  }
0x9b: {  	s22 =	simm.s32 $0x1BFF;
	s21 =	sshll.u32 s5, $0x1;
	s2 =	sadd.s32 s19, s18  }
0x9c: {  	s6 =	simm.s32 $0x0;
	s20 =	sshll.u32 s4, $0x1;
	s4 =	sadd.s32 s21, s2  }
0x9d: {  	[timem:s6], [sflag:s22] =	dma.local [hbm:s4], s20  }
0x9e: {  	_ =	swait.ge [sflag:s22], s20  }
0x9f: {  	s3 =	ssub.s32 $0x0, s20;
	[sflag:s22] =	ssyncset.done $0x0  }
0xa0: {  	[sflag:s22] =	ssyncadd.s32 s3;
	_ =	sdelay $0x1  }
0xa1: {  	s23 =	simm.s32 $0x1B8B  }
0xa2: {  	_ =	swait.ge [sflag:s23], $0x1  }
0xa3: {  	[sflag:s23] =	ssyncset.done $0x0  }
0xa4: {  	s25 =	simm.s32 $0x1B8E;
	s24 =	sld [smem:$0x3FFE];
	[sflag:s23] =	ssyncadd.s32 $0xFFFFFFFF  }
0xa5: {  	s26 =	simm.s32 $execute0_lowered;
	[smem:$0x3FD2] =	sst s25  }
0xa6: {  	s4 =	sshll.u32 s26, $0x1;
	_ =	strace $0x80000046;
	[dreg:$0x1] =	wrdreg $0xFFFFFFFF  }
0xa7: {  	s28 =	simm.s32 $_size_execute0_lowered;
	s2 =	sadd.s32 s2, s4;
	[dreg:$0x0] =	wrdreg $0x0  }
0xa8: {  	s4 =	sshll.u32 s28, $0x1;
	[dreg:$0x2] =	wrdreg s2  }
0xa9: {  	[dreg:$0x3] =	wrdreg s4  }
0xaa: {  	[dreg:$0x4] =	wrdreg $0xC0  }
0xab: {  	_ =	task [dreg:s6], $0x5FFFF  }
0xac: {  	[dreg:$0x1] =	wrdreg $0xFFFFFFFF  }
0xad: {  	[dreg:$0x0] =	wrdreg $0x60  }
0xae: {  	[dreg:$0x2] =	wrdreg s24  }
0xaf: {  	[dreg:$0x3] =	wrdreg $0x9  }
0xb0: {  	_ =	task.clear_ibuf [dreg:s6], $0x4FFFF;
	_ =	strace $0x90000046  }
0xb1: {  	s29 =	simm.s32 $0x9;
	_ =	strace $0x80000048  }
0xb2: {  	_ =	swait.ge [sflag:s29], $0x1  }
0xb3: {  	[sflag:s29] =	ssyncadd.s32 $0xFFFFFFFF  }
0xb4: {  	_ =	strace $0x90000048  }
0xb5: {  	_ =	sfence  }
0xb6: {  	s30 =	sld [smem:$0x0];
	_ =	sdelay $0x2  }
0xb7: {  	s31 =	sshll.u32 s1, $0xD;
	s1 =	sshrl.u32 s1, $0x2  }
0xb8: {  	s3 =	sand.u32 $0x4000, s31;
	s1 =	sadd.s32 s1, s30  }
0xb9: {  	s0 =	sor.u32 s3, s0;
	s1 =	sshll.u32 s1, $0x11  }
0xba: {  	s0 =	sor.u32 s1, s0  }
0xbb: {  	s0 =	sadd.s32 $0x8F2B, s0  }
0xbc: {  	[sflag:s0] =	ssyncadd.remote.s32 $0x1  }
0xbd: {  	_ =	sfence.sel $0xFFFF  }
0xbe: {  	[dreg:$0x0] =	wrdreg $0xFFFFFFFF;
	(pc) =	sbr.abs _section_cstart, $3  }
0xbf: {  	[dreg:$0x1] =	wrdreg $0xFFFFFFFF  }
0xc0: {  	_ =	task.clear_ibuf [dreg:s6], $0x2FFFF;
	_ =	strace $0x9FFFFFFF  }
0xc1: {  	(tm) =	ssettm $0x7FFFFFFF  }
tec
execute0_lowered:
.L_overlay_start_1:
0x0: {  	(tag) =	ssettag $0x1  }
0x1: {  	s0 =	stileid.u32;
	s8 =	rddreg [dreg:$0x0]  }
0x2: {  	s2 =	simm.s32 $0x0;
	s6 =	srdreg.scid;
	s12 =	simm.s32 $0x18800  }
0x3: {  	s13 =	simm.s32 $0x1;
	s14 =	simm.s32 $0x19800;
	s15 =	simm.s32 $0x1A800  }
0x4: {  	s16 =	simm.s32 $0x2;
	s17 =	simm.s32 $0x1B800;
	s18 =	simm.s32 $0x3  }
0x5: {  	s19 =	simm.s32 $0x4;
	s20 =	simm.s32 $0x0;
	s1 =	sshrl.u32 s0, $0x1  }
0x6: {  	[smem:$0x7FF] =	sst s2;
	s6 =	sand.u32 $0x1, s6;
	s7 =	sshll.u32 s0, $0x1  }
0x7: {  	s10 =	sshrl.u32 s0, $0x3;
	s4 =	sand.u32 $0x3, s1;
	s1 =	rddreg [dreg:$0x1]  }
0x8: {  	_ =	strace $0x80000047;
	s9 =	ssub.s32 $0x2, s6;
	s7 =	sand.u32 $0x2, s7  }
0x9: {  	s30 =	sshll.u32 s10, $0x2;
	s3 =	smul.u32 $0x3100, s4;
	s6 =	sor.u32 s6, s7  }
0xa: {  	p0 =	seq.s32 s10, $0x0;
	s7 =	sor.u32 s4, s30;
	s4 =	smul.u32 $0x62000, s6  }
0xb: {  	s10 =	simm.s32 $0x1E00;
	s11 =	sshrl.u32 s9, $0x1;
	s7 =	smul.u32 $0x188000, s7  }
0xc: {  	s10 =	simm.s32 @!p0 $0x32E00;
	s9 =	ssub.s32 s9, s11;
	s31 =	smul.u32 $0xC400, s6  }
0xd: {  	s11 =	simm.s32 $0x5;
	s5 =	sadd.s32 s3, s8;
	s3 =	sadd.s32 $0x70200, s8  }
0xe: {  	s8 =	sadd.s32 s10, s8;
	s5 =	sadd.s32 $0x63E00, s5;
	s6 =	sadd.s32 s4, s7  }
0xf: {  	s7 =	smax.u32 s9, $0x1;
	s9 =	sadd.s32 s8, s31;
	s10 =	sadd.s32 $0x2000, s4  }
.LBB2_1:
0x10: {  	[tilespmem:s2], [sflag:$0x5] =	stream.linear.gather [hbm4b:s5+s2], $0x18800, $0x38;
	[tilespmem:$0x1C800] =	vst v63  }
0x11: {  	_ =	swait.ge [sflag:s11], $0x18800  }
0x12: {  	[sflag:s11] =	ssyncset.done $0x0  }
0x13: {  	s21 =	simm.s32 $0x0;
	[sflag:s11] =	ssyncadd.s32 $0xFFFE7800  }
0x14: {  	[tilespmem:s12], [sflag:$0x1] =	stream.linear.gather [hbm4b:s9+s2], $0x1000, $0x38;
	[tilespmem:$0x1C800] =	vst v63  }
.LBB2_2:
0x15: {  	s23 =	sshll.u32 s21, $0xD  }
0x16: {  	s22 =	sor.u32 $0x1000, s23  }
0x17: {  	_ =	swait.ge [sflag:s13], $0x1000;
	s24 =	sadd.s32 s4, s22  }
0x18: {  	[sflag:s13] =	ssyncset.done $0x0;
	s24 =	sshrl.u32 s24, $0x3  }
0x19: {  	p0 =	seq.s32 s21, $0x0;
	[sflag:s13] =	ssyncadd.s32 $0xFFFFF000;
	s24 =	sadd.s32 s8, s24  }
0x1a: {  	[tilespmem:s14], [sflag:$0x2] =	stream.linear.gather [hbm4b:s24+s2], $0x1000, $0x38;
	[tilespmem:$0x1C800] =	vst v63  }
0x1b: {  	s24 =	simm.s32 @!p0 $0x3  }
0x1c: {  	_ =	swait.ge @!p0 [sflag:s24], $0x1000  }
0x1d: {  	s25 =	simm.s32 $0x18840;
	[sflag:s24] =	ssyncset.done @!p0 $0x0  }
0x1e: {  	s26 =	simm.s32 $0x1A840;
	[sflag:s24] =	ssyncadd.s32 @!p0 $0xFFFFF000;
	s24 =	simm.s32 $0xFFFFFFF8  }
.LBB2_3:
0x1f: {  	v0 =	vld [tilespmem:s25+$0xFFFFFFC0];
	_ =	sdelay $0x7  }
0x20: {  	v0 =	vld.idx.msk [tilespmem:v0+s2+$0x0], $0xffff;
	_ =	sdelay $0x4  }
0x21: {  	[tilespmem:s26+$0xFFFFFFC0] =	vst v0  }
0x22: {  	v0 =	vld [tilespmem:s25+$0xFFFFFFD0];
	_ =	sdelay $0x7  }
0x23: {  	v0 =	vld.idx.msk [tilespmem:v0+s2+$0x0], $0xffff;
	_ =	sdelay $0x4  }
0x24: {  	[tilespmem:s26+$0xFFFFFFD0] =	vst v0  }
0x25: {  	v0 =	vld [tilespmem:s25+$0xFFFFFFE0];
	_ =	sdelay $0x7  }
0x26: {  	v0 =	vld.idx.msk [tilespmem:v0+s2+$0x0], $0xffff;
	_ =	sdelay $0x4  }
0x27: {  	[tilespmem:s26+$0xFFFFFFE0] =	vst v0  }
0x28: {  	v0 =	vld [tilespmem:s25+$0xFFFFFFF0];
	_ =	sdelay $0x7  }
0x29: {  	v0 =	vld.idx.msk [tilespmem:v0+s2+$0x0], $0xffff;
	_ =	sdelay $0x4  }
0x2a: {  	[tilespmem:s26+$0xFFFFFFF0] =	vst v0  }
0x2b: {  	v0 =	vld [tilespmem:s25+$0x0];
	_ =	sdelay $0x7  }
0x2c: {  	v0 =	vld.idx.msk [tilespmem:v0+s2+$0x0], $0xffff;
	_ =	sdelay $0x4  }
0x2d: {  	[tilespmem:s26+$0x0] =	vst v0  }
0x2e: {  	v0 =	vld [tilespmem:s25+$0x10];
	_ =	sdelay $0x7  }
0x2f: {  	v0 =	vld.idx.msk [tilespmem:v0+s2+$0x0], $0xffff;
	_ =	sdelay $0x4  }
0x30: {  	[tilespmem:s26+$0x10] =	vst v0  }
0x31: {  	v0 =	vld [tilespmem:s25+$0x20];
	_ =	sdelay $0x7  }
0x32: {  	v0 =	vld.idx.msk [tilespmem:v0+s2+$0x0], $0xffff;
	_ =	sdelay $0x4  }
0x33: {  	[tilespmem:s26+$0x20] =	vst v0  }
0x34: {  	v0 =	vld [tilespmem:s25+$0x30];
	_ =	sdelay $0x6  }
0x35: {  	s24 =	sadd.s32 $0x8, s24  }
0x36: {  	p0 =	slt.u32 s24, $0xF8;
	v0 =	vld.idx.msk [tilespmem:v0+s2+$0x0], $0xffff  }
.Ltmp0:
0x37: {  	_ = 	snop;
	(pc) =	sbr.rel @p0 .LBB2_3-.Ltmp0, $2  }
0x38: {  	_ =	sdelay $0x2  }
0x39: {  	s25 =	sadd.s32 $0x80, s25;
	[tilespmem:s26+$0x30] =	vst v0;
	s26 =	sadd.s32 $0x80, s26  }
0x3a: {  	s24 =	sadd.s32 s6, s23  }
0x3b: {  	s24 =	sshrl.u32 s24, $0x3  }
0x3c: {  	p0 =	seq.s32 s21, $0x30;
	s24 =	sadd.s32 s3, s24  }
0x3d: {  	[hbm4b:s24+s2] =	stream.linear.scatter [tilespmem:s15], [sflag:$0x3], $0x1000, $0x38;
	[tilespmem:$0x1C800] =	vst v63  }
0x3e: {  	s23 =	sadd.s32 @!p0 s10, s23;
	p1 =	seq.s32 @!p0 s21, $0x0;
	_ =	swait.ge [sflag:s16], $0x1000  }
0x3f: {  	s25 =	simm.s32 @!p0 $0x18800;
	s23 =	sshrl.u32 @!p0 s23, $0x3;
	[sflag:s16] =	ssyncset.done $0x0  }
0x40: {  	s23 =	sadd.s32 @!p0 s8, s23;
	s24 =	simm.s32 @!p0 $0x0;
	[sflag:s16] =	ssyncadd.s32 $0xFFFFF000  }
0x41: {  	[tilespmem:s25], [sflag:$0x1] =	stream.linear.gather @!p0 [hbm4b:s23+s24], $0x1000, $0x38;
	[tilespmem:$0x1C800] =	vst v63  }
0x42: {  	p0 =	por p0, !p1  }
0x43: {  	_ =	swait.ge @p0 [sflag:s19], $0x1000  }
0x44: {  	s23 =	simm.s32 $0xFFFFFFF8;
	[sflag:s19] =	ssyncset.done @p0 $0x0  }
0x45: {  	s24 =	simm.s32 $0x1B870;
	s25 =	simm.s32 $0x19870;
	[sflag:s19] =	ssyncadd.s32 @p0 $0xFFFFF000  }
.LBB2_5:
0x46: {  	v0 =	vld [tilespmem:s25+$0xFFFFFF90];
	_ =	sdelay $0x7  }
0x47: {  	v0 =	vld.idx.msk [tilespmem:v0+s2+$0x0], $0xffff;
	_ =	sdelay $0x4  }
0x48: {  	[tilespmem:s24+$0xFFFFFF90] =	vst v0  }
0x49: {  	v0 =	vld [tilespmem:s25+$0xFFFFFFA0];
	_ =	sdelay $0x7  }
0x4a: {  	v0 =	vld.idx.msk [tilespmem:v0+s2+$0x0], $0xffff;
	_ =	sdelay $0x4  }
0x4b: {  	[tilespmem:s24+$0xFFFFFFA0] =	vst v0  }
0x4c: {  	v0 =	vld [tilespmem:s25+$0xFFFFFFB0];
	_ =	sdelay $0x7  }
0x4d: {  	v0 =	vld.idx.msk [tilespmem:v0+s2+$0x0], $0xffff;
	_ =	sdelay $0x4  }
0x4e: {  	[tilespmem:s24+$0xFFFFFFB0] =	vst v0  }
0x4f: {  	v0 =	vld [tilespmem:s25+$0xFFFFFFC0];
	_ =	sdelay $0x7  }
0x50: {  	v0 =	vld.idx.msk [tilespmem:v0+s2+$0x0], $0xffff;
	_ =	sdelay $0x4  }
0x51: {  	[tilespmem:s24+$0xFFFFFFC0] =	vst v0  }
0x52: {  	v0 =	vld [tilespmem:s25+$0xFFFFFFD0];
	_ =	sdelay $0x7  }
0x53: {  	v0 =	vld.idx.msk [tilespmem:v0+s2+$0x0], $0xffff;
	_ =	sdelay $0x4  }
0x54: {  	[tilespmem:s24+$0xFFFFFFD0] =	vst v0  }
0x55: {  	v0 =	vld [tilespmem:s25+$0xFFFFFFE0];
	_ =	sdelay $0x7  }
0x56: {  	v0 =	vld.idx.msk [tilespmem:v0+s2+$0x0], $0xffff;
	_ =	sdelay $0x4  }
0x57: {  	[tilespmem:s24+$0xFFFFFFE0] =	vst v0  }
0x58: {  	v0 =	vld [tilespmem:s25+$0xFFFFFFF0];
	_ =	sdelay $0x7  }
0x59: {  	v0 =	vld.idx.msk [tilespmem:v0+s2+$0x0], $0xffff;
	_ =	sdelay $0x4  }
0x5a: {  	[tilespmem:s24+$0xFFFFFFF0] =	vst v0  }
0x5b: {  	v0 =	vld [tilespmem:s25+$0x0];
	_ =	sdelay $0x6  }
0x5c: {  	s23 =	sadd.s32 $0x8, s23  }
0x5d: {  	p0 =	slt.u32 s23, $0xF8;
	v0 =	vld.idx.msk [tilespmem:v0+s2+$0x0], $0xffff  }
.Ltmp1:
0x5e: {  	_ = 	snop;
	(pc) =	sbr.rel @p0 .LBB2_5-.Ltmp1, $2  }
0x5f: {  	_ =	sdelay $0x2  }
0x60: {  	s25 =	sadd.s32 $0x80, s25;
	[tilespmem:s24+$0x0] =	vst v0;
	s24 =	sadd.s32 $0x80, s24  }
0x61: {  	s21 =	sadd.s32 $0x1, s21  }
0x62: {  	p0 =	sne.s32 s21, $0x31  }
.Ltmp2:
0x63: {  	_ = 	snop;
	(pc) =	sbr.rel @p0 .LBB2_2-.Ltmp2, $4  }
0x64: {  	s22 =	sadd.s32 s6, s22  }
0x65: {  	s22 =	sshrl.u32 s22, $0x3  }
0x66: {  	s22 =	sadd.s32 s3, s22  }
0x67: {  	[hbm4b:s22+s2] =	stream.linear.scatter [tilespmem:s17], [sflag:$0x4], $0x1000, $0x38;
	[tilespmem:$0x1C800] =	vst v63  }
0x68: {  	s20 =	sadd.s32 $0x1, s20  }
0x69: {  	_ =	swait.ge [sflag:s18], $0x1000;
	p0 =	sne.s32 s20, s7  }
.Ltmp3:
0x6a: {  	[sflag:s18] =	ssyncset.done $0x0;
	(pc) =	sbr.rel @p0 .LBB2_1-.Ltmp3, $4  }
0x6b: {  	[sflag:s18] =	ssyncadd.s32 $0xFFFFF000  }
0x6c: {  	_ =	swait.ge [sflag:s19], $0x1000  }
0x6d: {  	[sflag:s19] =	ssyncset.done $0x0  }
0x6e: {  	[sflag:s19] =	ssyncadd.s32 $0xFFFFF000  }
0x6f: {  	_ =	sfence.sel $0x180000  }
0x70: {  	[bflag:$0x0] =	sbarrier.arrive $0xFFFF  }
0x71: {  	p0 =	sne.s32 s0, $0x0;
	_ =	strace $0x90000047  }
0x72: {  	s0 =	sadd.s32 @!p0 $0x100000, s1;
	[bflag:$0x2] =	sbarrier.arrive $0xFFFF  }
0x73: {  	[sflag:s0] =	ssyncadd.tile.s32 @!p0 $0x1;
	_ =	shalt  }
.Lfunc_end2:
_tile_overlayer_lowered:
.L_overlay_start_2:
0x74: {  	(tag) =	ssettag $0x2  }
0x75: {  	s0 =	rddreg [dreg:$0x0];
	s2 =	stileid.u32  }
0x76: {  	s1 =	rddreg [dreg:$0x1];
	p0 =	sne.s32 s2, $0x0  }
0x77: {  	s3 =	rddreg [dreg:$0x2];
	[bflag:$0x3] =	sbarrier.arrive $0xFFFF;
	s2 =	simm.s32 @!p0 $0x1C05  }
0x78: {  	[timem:s3], [sflag:s2] =	dma.local @!p0 [hbm:s0], s1  }
0x79: {  	s0 =	simm.s32 @!p0 $0x5  }
0x7a: {  	_ =	swait.ge @!p0 [sflag:s0], s1  }
0x7b: {  	s1 =	ssub.s32 @!p0 $0x0, s1;
	[sflag:s0] =	ssyncset.done @!p0 $0x0  }
0x7c: {  	[sflag:s0] =	ssyncadd.s32 @!p0 s1  }
0x7d: {  	[bflag:$0x3] =	sbarrier.arrive $0xFFFF  }
0x7e: {  	_ =	shalt  }

// kernel: kernel.8.cloned.1.call-start
scs
__scs_entry_jumppad:
0x0: {  	(pc) =	sbr.rel $0x88, $3  }
0x1: {  	(tag) =	ssettag $0x0;
	lr =	simm.s32 $0x1  }
0x2: {  	[smem:$0x3F96] =	sst lr;
	_ =	strace $0xD0000000  }
0x3: {  	_ = 	snop  }
0x4: {  	_ = 	snop  }
0x5: {  	_ = 	snop  }
0x6: {  	_ = 	snop  }
0x7: {  	_ = 	snop  }
__scs_overlays_trampoline_lowered:
0x8: {  	[smem:$0x3FA5] =	sst s0  }
0x9: {  	[smem:$0x3FA6] =	sst s1  }
0xa: {  	[smem:$0x3FA7] =	sst s2  }
0xb: {  	[smem:$0x3FA8] =	sst s3  }
0xc: {  	[smem:$0x3FA9] =	sst s4  }
0xd: {  	[smem:$0x3FAA] =	sst s5  }
0xe: {  	[smem:$0x3FAB] =	sst s6  }
0xf: {  	[smem:$0x3FAC] =	sst s7  }
0x10: {  	[smem:$0x3FAD] =	sst s8  }
0x11: {  	[smem:$0x3FAE] =	sst s9;
	s0 =	simm.s32 @!p0 $0x0  }
0x12: {  	s1 =	sld [smem:$0x3F94];
	s0 =	simm.s32 @p0 $0x1  }
0x13: {  	[smem:$0x3FAF] =	sst s0;
	s0 =	simm.s32 @!p1 $0x0  }
0x14: {  	s2 =	sld [smem:$0x3F93];
	s0 =	simm.s32 @p1 $0x1  }
0x15: {  	[smem:$0x3FB0] =	sst s0;
	s0 =	simm.s32 @!p2 $0x0  }
0x16: {  	s3 =	sld [smem:$0x3FDB];
	s0 =	simm.s32 @p2 $0x1  }
0x17: {  	s4 =	simm.s32 $0x1BF5;
	[smem:$0x3FB2] =	sst s0  }
0x18: {  	s0 =	sld [smem:$0x3F95];
	_ =	swait.ge [sflag:s4], $0x0  }
0x19: {  	s7 =	sld [smem:$0x3F96]  }
0x1a: {  	s8 =	sadd.s32 $0xFFFFE003, lr  }
0x1b: {  	s9 =	sadd.s32 $0xFFFFFEF7, lr;
	s5 =	simm.s32 $0xFFFFFFFF;
	p2 =	slt.u32 s8, $0xFFFFF086  }
0x1c: {  	p1 =	slt.u32 s9, $0xF7A;
	s5 =	simm.s32 @!p2 $0x0  }
0x1d: {  	s5 =	simm.s32 @p1 $0x1;
	p0 =	seq.s32 s7, s2  }
0x1e: {  	s7 =	smul.u32 @!p0 $0xF7A, s2;
	p2 =	seq.s32 @!p0 s5, $0x0  }
0x1f: {  	s9 =	smul.u32 $0xF7A, s1;
	s8 =	simm.s32 @!p0 $0x1BF5;
	p2 =	por !p2, p0  }
0x20: {  	[sflag:s8] =	ssyncset.s32 @!p0 $0xFFFFF086;
	s6 =	sadd.s32 @!p0 s3, s7;
	s7 =	simm.s32 @!p0 $0x108  }
0x21: {  	s3 =	sadd.s32 s3, s9;
	s6 =	sadd.s32 @!p0 $0x88, s6;
	s7 =	simm.s32 @p2 $0x1082  }
0x22: {  	[simem:s7], [sflag:s8] =	dma.local @!p0 [hbm:s6], $0xF7A  }
0x23: {  	s9 =	sor.u32 $0xD0000000, s2;
	s6 =	simm.s32 $0x108;
	_ =	swait.ge @!p0 [sflag:s8], $0x0  }
0x24: {  	s3 =	sadd.s32 $0x88, s3;
	s6 =	simm.s32 @!p1 $0x1082;
	[sflag:s4] =	ssyncset.s32 $0xFFFFF086  }
0x25: {  	[simem:s6], [sflag:s4] =	dma.local [hbm:s3], $0xF7A  }
0x26: {  	[smem:$0x3F96] =	sst s1;
	(tag) =	ssettag s2;
	_ =	strace s9  }
0x27: {  	s1 =	sld [smem:$0x3FA6]  }
0x28: {  	s2 =	sld [smem:$0x3FA7]  }
0x29: {  	s4 =	sld [smem:$0x3FA9]  }
0x2a: {  	p0 =	seq.s32 s5, $0x0;
	s5 =	sld [smem:$0x3FAA]  }
0x2b: {  	s6 =	sld [smem:$0x3FAB]  }
0x2c: {  	s7 =	sld [smem:$0x3FAC]  }
0x2d: {  	s3 =	simm.s32 $0x108;
	s8 =	sld [smem:$0x3FAD]  }
0x2e: {  	s3 =	simm.s32 @!p0 $0x1082;
	s9 =	sld [smem:$0x3FAE]  }
0x2f: {  	lr =	sadd.s32 s0, s3;
	s0 =	sld [smem:$0x3FA5]  }
0x30: {  	s3 =	sld [smem:$0x3FA8]  }
0x31: {  	[smem:$0x3FB1] =	sst s10  }
0x32: {  	s10 =	sld [smem:$0x3FAF];
	_ =	sdelay $0x3  }
0x33: {  	p0 =	seq.s32 s10, $0x1;
	s10 =	sld [smem:$0x3FB1];
	_ =	sdelay $0x3  }
0x34: {  	[smem:$0x3FB1] =	sst s10  }
0x35: {  	s10 =	sld [smem:$0x3FB0];
	_ =	sdelay $0x3  }
0x36: {  	p1 =	seq.s32 s10, $0x1;
	s10 =	sld [smem:$0x3FB1];
	_ =	sdelay $0x3  }
0x37: {  	[smem:$0x3FB1] =	sst s10  }
0x38: {  	s10 =	sld [smem:$0x3FB2]  }
0x39: {  	_ = 	snop;
	(pc) =	sbr.ind lr, $3  }
0x3a: {  	_ = 	snop  }
0x3b: {  	_ = 	snop  }
0x3c: {  	p2 =	seq.s32 s10, $0x1;
	s10 =	sld [smem:$0x3FB1]  }
0x3d: {  	_ =	shalt  }
0x3e: {  	_ =	shalt  }
0x3f: {  	_ =	shalt  }
0x40: {  	_ =	shalt  }
0x41: {  	_ =	shalt  }
0x42: {  	_ =	shalt  }
0x43: {  	_ =	shalt  }
0x44: {  	_ =	shalt  }
0x45: {  	_ =	shalt  }
0x46: {  	_ =	shalt  }
0x47: {  	_ =	shalt  }
0x48: {  	_ =	shalt  }
0x49: {  	_ =	shalt  }
0x4a: {  	_ =	shalt  }
0x4b: {  	_ =	shalt  }
0x4c: {  	_ =	shalt  }
0x4d: {  	_ =	shalt  }
0x4e: {  	_ =	shalt  }
0x4f: {  	_ =	shalt  }
0x50: {  	_ =	shalt  }
0x51: {  	_ =	shalt  }
0x52: {  	_ =	shalt  }
0x53: {  	_ =	shalt  }
0x54: {  	_ =	shalt  }
0x55: {  	_ =	shalt  }
0x56: {  	_ =	shalt  }
0x57: {  	_ =	shalt  }
0x58: {  	_ =	shalt  }
0x59: {  	_ =	shalt  }
0x5a: {  	_ =	shalt  }
0x5b: {  	_ =	shalt  }
0x5c: {  	_ =	shalt  }
0x5d: {  	_ =	shalt  }
0x5e: {  	_ =	shalt  }
0x5f: {  	_ =	shalt  }
0x60: {  	_ =	shalt  }
0x61: {  	_ =	shalt  }
0x62: {  	_ =	shalt  }
0x63: {  	_ =	shalt  }
0x64: {  	_ =	shalt  }
0x65: {  	_ =	shalt  }
0x66: {  	_ =	shalt  }
0x67: {  	_ =	shalt  }
0x68: {  	_ =	shalt  }
0x69: {  	_ =	shalt  }
0x6a: {  	_ =	shalt  }
0x6b: {  	_ =	shalt  }
0x6c: {  	_ =	shalt  }
0x6d: {  	_ =	shalt  }
0x6e: {  	_ =	shalt  }
0x6f: {  	_ =	shalt  }
0x70: {  	_ =	shalt  }
0x71: {  	_ =	shalt  }
0x72: {  	_ =	shalt  }
0x73: {  	_ =	shalt  }
0x74: {  	_ =	shalt  }
0x75: {  	_ =	shalt  }
0x76: {  	_ =	shalt  }
0x77: {  	_ =	shalt  }
0x78: {  	_ =	shalt  }
0x79: {  	_ =	shalt  }
0x7a: {  	_ =	shalt  }
0x7b: {  	_ =	shalt  }
0x7c: {  	_ =	shalt  }
0x7d: {  	_ =	shalt  }
0x7e: {  	_ =	shalt  }
0x7f: {  	_ =	shalt  }
0x80: {  	_ =	shalt  }
0x81: {  	_ =	shalt  }
0x82: {  	_ =	shalt  }
0x83: {  	_ =	shalt  }
0x84: {  	_ =	shalt  }
0x85: {  	_ =	shalt  }
0x86: {  	_ =	shalt  }
0x87: {  	_ =	shalt  }
.Lfunc_end0:
.L_simem_size_0:
called_computation.1_lowered:
.L_overlay_start_0:
0x88: {  	s2 =	sld [smem:$0x3FD9]  }
0x89: {  	s3 =	sld [smem:$0x3FFE];
	_ =	sdelay $0x1  }
0x8a: {  	s1 =	srdreg.scid  }
0x8b: {  	s0 =	sand.u32 $0x1, s1  }
0x8c: {  	s17 =	sshll.u32 s0, $0xA;
	s2 =	sadd.s32 s3, s2  }
0x8d: {  	s2 =	sadd.s32 s2, s17  }
0x8e: {  	[smem:$0x3FBD] =	sst s2  }
0x8f: {  	_ = 	snop  }
0x90: {  	s2 =	sld [smem:$0x3FD0];
	(tm) =	ssettm $0x1  }
0x91: {  	s18 =	sld [smem:$0x3FFB];
	_ =	sdelay $0x3  }
0x92: {  	_ =	strace s18  }
0x93: {  	s3 =	sld [smem:$0x3FFC];
	_ =	sdelay $0x3  }
0x94: {  	_ =	strace s3  }
0x95: {  	s3 =	sld [smem:$0x3FFD];
	_ =	sdelay $0x3  }
0x96: {  	_ =	strace s3  }
0x97: {  	_ =	strace $0x8FFFFFFF  }
0x98: {  	s19 =	sld [smem:$0x3FDB];
	_ =	sdelay $0x1  }
0x99: {  	s4 =	simm.s32 $_scs_section_size  }
0x9a: {  	s5 =	simm.s32 $_size__tile_overlayer_lowered;
	s6 =	simm.s32 $_tile_overlayer_lowered  }
0x9b: {  	s22 =	simm.s32 $0x1BFF;
	s21 =	sshll.u32 s6, $0x1;
	s3 =	sadd.s32 s4, s19  }
0x9c: {  	s7 =	simm.s32 $0x0;
	s20 =	sshll.u32 s5, $0x1;
	s5 =	sadd.s32 s21, s3  }
0x9d: {  	[timem:s7], [sflag:s22] =	dma.local [hbm:s5], s20  }
0x9e: {  	_ =	swait.ge [sflag:s22], s20  }
0x9f: {  	s4 =	ssub.s32 $0x0, s20;
	[sflag:s22] =	ssyncset.done $0x0  }
0xa0: {  	[sflag:s22] =	ssyncadd.s32 s4;
	_ =	sdelay $0x1  }
0xa1: {  	s23 =	simm.s32 $0x1B8B  }
0xa2: {  	_ =	swait.ge [sflag:s23], $0x1  }
0xa3: {  	[sflag:s23] =	ssyncset.done $0x0  }
0xa4: {  	s25 =	simm.s32 $0x1B8E;
	s24 =	sld [smem:$0x3FFE];
	[sflag:s23] =	ssyncadd.s32 $0xFFFFFFFF  }
0xa5: {  	s26 =	simm.s32 $execute0_lowered;
	[smem:$0x3FD2] =	sst s25  }
0xa6: {  	s5 =	sshll.u32 s26, $0x1;
	_ =	strace $0x80000049;
	[dreg:$0x1] =	wrdreg $0xFFFFFFFF  }
0xa7: {  	s28 =	simm.s32 $_size_execute0_lowered;
	s3 =	sadd.s32 s3, s5;
	[dreg:$0x0] =	wrdreg $0x0  }
0xa8: {  	s5 =	sshll.u32 s28, $0x1;
	[dreg:$0x2] =	wrdreg s3  }
0xa9: {  	[dreg:$0x3] =	wrdreg s5  }
0xaa: {  	[dreg:$0x4] =	wrdreg $0xC0  }
0xab: {  	_ =	task [dreg:s7], $0x5FFFF  }
0xac: {  	[dreg:$0x1] =	wrdreg $0xFFFFFFFF  }
0xad: {  	[dreg:$0x0] =	wrdreg $0x60  }
0xae: {  	[dreg:$0x2] =	wrdreg s24  }
0xaf: {  	[dreg:$0x3] =	wrdreg s2  }
0xb0: {  	[dreg:$0x4] =	wrdreg $0x7E400  }
0xb1: {  	[dreg:$0x5] =	wrdreg $0x96C00  }
0xb2: {  	[dreg:$0x6] =	wrdreg $0x9  }
0xb3: {  	_ =	task.clear_ibuf [dreg:s7], $0x7FFFF;
	_ =	strace $0x90000049  }
0xb4: {  	s29 =	simm.s32 $0x9;
	_ =	strace $0x8000004B  }
0xb5: {  	_ =	swait.ge [sflag:s29], $0x1  }
0xb6: {  	[sflag:s29] =	ssyncadd.s32 $0xFFFFFFFF  }
0xb7: {  	_ =	strace $0x9000004B  }
0xb8: {  	_ =	sfence  }
0xb9: {  	s30 =	sld [smem:$0x0];
	_ =	sdelay $0x2  }
0xba: {  	s31 =	sshll.u32 s1, $0xD;
	s1 =	sshrl.u32 s1, $0x2  }
0xbb: {  	s3 =	sand.u32 $0x4000, s31;
	s1 =	sadd.s32 s1, s30  }
0xbc: {  	s0 =	sor.u32 s3, s0;
	s1 =	sshll.u32 s1, $0x11  }
0xbd: {  	s0 =	sor.u32 s1, s0  }
0xbe: {  	s0 =	sadd.s32 $0x8F2B, s0  }
0xbf: {  	[sflag:s0] =	ssyncadd.remote.s32 $0x1  }
0xc0: {  	_ =	sfence.sel $0xFFFF  }
0xc1: {  	[dreg:$0x0] =	wrdreg $0xFFFFFFFF;
	(pc) =	sbr.abs _section_cstart, $3  }
0xc2: {  	[dreg:$0x1] =	wrdreg $0xFFFFFFFF  }
0xc3: {  	_ =	task.clear_ibuf [dreg:s7], $0x2FFFF;
	_ =	strace $0x9FFFFFFF  }
0xc4: {  	(tm) =	ssettm $0x7FFFFFFF  }
0xc5: {  	_ =	shalt  }
tec
execute0_lowered:
.L_overlay_start_1:
0x0: {  	(tag) =	ssettag $0x1  }
0x1: {  	s1 =	rddreg [dreg:$0x0]  }
0x2: {  	s2 =	rddreg [dreg:$0x2]  }
0x3: {  	s16 =	rddreg [dreg:$0x3];
	s4 =	simm.s32 $0x0  }
0x4: {  	s25 =	simm.s32 $0xE80;
	[smem:$0x7FF] =	sst s4  }
0x5: {  	s26 =	simm.s32 $0x100;
	_ =	strace $0x8000004A;
	[dreg:$0x7] =	wrdreg s25  }
0x6: {  	s7 =	simm.s32 $0x180;
	[dreg:$0x8] =	wrdreg s26  }
0x7: {  	s8 =	simm.s32 $0xF80;
	[dreg:$0xa] =	wrdreg s7  }
0x8: {  	s9 =	simm.s32 $0x200;
	[dreg:$0xb] =	wrdreg s8  }
0x9: {  	s10 =	simm.s32 $0x1000;
	[dreg:$0xc] =	wrdreg s9  }
0xa: {  	s11 =	simm.s32 $0x280;
	[dreg:$0xd] =	wrdreg s10  }
0xb: {  	s12 =	simm.s32 $0x1080;
	[dreg:$0xe] =	wrdreg s11  }
0xc: {  	s14 =	simm.s32 $0x300;
	[dreg:$0xf] =	wrdreg s12  }
0xd: {  	s15 =	simm.s32 $0x1100;
	[dreg:$0x10] =	wrdreg s14  }
0xe: {  	s17 =	simm.s32 $0x380;
	[dreg:$0x11] =	wrdreg s15  }
0xf: {  	s0 =	stileid.u32;
	s18 =	simm.s32 $0x1180;
	[dreg:$0x12] =	wrdreg s17  }
0x10: {  	s3 =	srdreg.scid;
	s19 =	simm.s32 $0x400;
	[dreg:$0x13] =	wrdreg s18  }
0x11: {  	s21 =	simm.s32 $0x1200;
	s22 =	simm.s32 $0x480;
	[dreg:$0x14] =	wrdreg s19  }
0x12: {  	s24 =	simm.s32 $0x1280;
	s28 =	simm.s32 $0x1880;
	[dreg:$0x15] =	wrdreg s21  }
0x13: {  	s29 =	simm.s32 $0xB00;
	s30 =	simm.s32 $0x1900;
	[dreg:$0x16] =	wrdreg s22  }
0x14: {  	s31 =	simm.s32 $0xB80;
	s8 =	sadd.s32 $0x1FB400, s1;
	[dreg:$0x17] =	wrdreg s24  }
0x15: {  	s5 =	smul.u32 $0x3100, s0;
	s25 =	simm.s32 $0x500;
	[smem:$0x7F1] =	sst s8  }
0x16: {  	s3 =	sand.u32 $0x1, s3;
	s26 =	simm.s32 $0x1300;
	[dreg:$0x18] =	wrdreg s25  }
0x17: {  	s13 =	smul.u32 $0x1880, s0;
	s10 =	simm.s32 $0x1380;
	[dreg:$0x19] =	wrdreg s26  }
0x18: {  	s6 =	smul.u32 $0x1880, s3;
	s11 =	simm.s32 $0x600;
	[dreg:$0x1b] =	wrdreg s10  }
0x19: {  	s20 =	sshll.u32 s3, $0x1;
	s12 =	simm.s32 $0x1400;
	[dreg:$0x1c] =	wrdreg s11  }
0x1a: {  	s23 =	ssub.s32 $0x2, s3;
	s14 =	simm.s32 $0x680;
	[dreg:$0x1d] =	wrdreg s12  }
0x1b: {  	p0 =	seq.s32 s3, $0x0;
	s18 =	simm.s32 $0x1480;
	[dreg:$0x1e] =	wrdreg s14  }
0x1c: {  	s19 =	simm.s32 $0x700;
	s21 =	simm.s32 $0x1500;
	[dreg:$0x1f] =	wrdreg s18  }
0x1d: {  	s22 =	simm.s32 $0x780;
	s24 =	simm.s32 $0x800;
	[smem:$0x7F6] =	sst s19  }
0x1e: {  	s3 =	simm.s32 $0x7E20;
	s5 =	sadd.s32 s5, s1;
	[smem:$0x7F7] =	sst s21  }
0x1f: {  	s7 =	sshrl.u32 s13, $0x3;
	s9 =	sshrl.u32 s23, $0x1;
	[smem:$0x7F8] =	sst s22  }
0x20: {  	s17 =	sadd.s32 s13, s2;
	s12 =	simm.s32 $0x2;
	[smem:$0x7FA] =	sst s24  }
0x21: {  	s25 =	simm.s32 $0x1600;
	s14 =	simm.s32 $0x80;
	s26 =	simm.s32 $0x880  }
0x22: {  	s19 =	simm.s32 $0x1680;
	s21 =	simm.s32 $0x1700;
	s22 =	simm.s32 $0x980  }
0x23: {  	s24 =	simm.s32 $0xA00;
	s18 =	simm.s32 $0x1980;
	[smem:$0x7FB] =	sst s25  }
0x24: {  	s11 =	simm.s32 $0xD00;
	s10 =	simm.s32 $0x7E10;
	[smem:$0x7FC] =	sst s26  }
0x25: {  	s8 =	ssub.s32 s23, s9;
	s9 =	simm.s32 $0x580;
	[smem:$0x7FD] =	sst s17  }
0x26: {  	s5 =	sadd.s32 s6, s5;
	s23 =	simm.s32 $0x1580;
	[dreg:$0x1a] =	wrdreg s9  }
0x27: {  	s7 =	sadd.s32 s7, s1;
	s6 =	sadd.s32 $0x32E00, s5;
	[smem:$0x7F9] =	sst s23  }
0x28: {  	s1 =	sadd.s32 s20, s1;
	s5 =	sadd.s32 $0x1E00, s5;
	[dreg:$0x5] =	wrdreg s6  }
0x29: {  	s25 =	simm.s32 $0x1800;
	s13 =	sadd.s32 $0x1F8200, s7;
	[dreg:$0x6] =	wrdreg s5  }
0x2a: {  	s26 =	simm.s32 $0xA80;
	s15 =	sadd.s32 $0x1FB600, s7;
	[smem:$0x7F2] =	sst s13  }
0x2b: {  	s1 =	sadd.s32 $0x63E00, s1;
	s20 =	smax.u32 s8, $0x1;
	[smem:$0x7F3] =	sst s15  }
0x2c: {  	s23 =	simm.s32 $0x1780;
	s7 =	simm.s32 $0x1B80;
	[smem:$0x7F4] =	sst s1  }
0x2d: {  	s8 =	simm.s32 $0x1;
	s6 =	simm.s32 $0xF00;
	[smem:$0x7F5] =	sst s20  }
0x2e: {  	s9 =	simm.s32 $0x7E00;
	[dreg:$0x9] =	wrdreg s6;
	s6 =	simm.f32 $1.000000000e+00  }
0x2f: {  	v1 =	vimm.f32 $0.0e+00;
	s13 =	simm.s32 $0xE00;
	s20 =	simm.s32 $0x900;
	s6 =	simm.s32 @!p0 $0x0  }
0x30: {  	vm0 =	vmmov $0xffff;
	v2 =	vlaneseq.u32;
	s5 =	simm.s32 $0xD80;
	p0 =	sne.s32 s0, $0x0;
	s0 =	simm.s32 $0x0;
	v0 =	vmov s6  }
.LBB2_1:
0x31: {  	[smem:$0x7F0] =	sst s0;
	s6 =	simm.s32 $0x40;
	s15 =	simm.s32 $0x0  }
.LBB2_2:
0x32: {  	p1 =	sne.s32 s6, $0x61C0;
	[tilespmem:s15+$0x6580] =	vst v1;
	s15 =	smov.u32 s6;
	s6 =	sadd.s32 $0x40, s6  }
.Ltmp0:
0x33: {  	(pc) =	sbr.rel @p1 .LBB2_2-.Ltmp0, $2  }
0x34: {  	_ =	sdelay $0x2  }
0x35: {  	s15 =	sshra.s32 s15, $0x2  }
0x36: {  	[tilespmem:s15+$0x6580] =	vst v1;
	s1 =	simm.s32 $0x6580  }
0x37: {  	[spmem:s17] =	stream.linear.scatter [tilespmem:s1], [sflag:$0x2], $0x1880, $0x38;
	[tilespmem:$0x96C8] =	vst v63  }
0x38: {  	_ =	swait.ge [sflag:s12], $0x1880  }
0x39: {  	[sflag:s12] =	ssyncset.done $0x0  }
0x3a: {  	s6 =	simm.s32 @!p0 $0x6580;
	[sflag:s12] =	ssyncadd.s32 $0xFFFFE780  }
0x3b: {  	[spmem:s16] =	stream.linear.scatter @!p0 [tilespmem:s6], [sflag:$0x2], $0x10, $0x38;
	[tilespmem:$0x96C8] =	vst v63  }
0x3c: {  	s6 =	simm.s32 @!p0 $0x2  }
0x3d: {  	_ =	swait.ge @!p0 [sflag:s6], $0x10  }
0x3e: {  	[sflag:s6] =	ssyncset.done @!p0 $0x0  }
0x3f: {  	[sflag:s6] =	ssyncadd.s32 @!p0 $0xFFFFFFF0  }
0x40: {  	[bflag:$0x0] =	sbarrier.arrive $0xFFFF  }
0x41: {  	s1 =	rddreg [dreg:$0x6]  }
0x42: {  	s6 =	sadd.s32 $0x0, s1  }
0x43: {  	[tilespmem:s4], [sflag:$0x2] =	stream.linear.gather [hbm4b:s6+s4], $0xE00, $0x38;
	[tilespmem:$0x96C8] =	vst v63  }
0x44: {  	_ =	swait.ge [sflag:s12], $0xE00  }
0x45: {  	s15 =	rddreg [dreg:$0x5];
	[sflag:s12] =	ssyncset.done $0x0  }
0x46: {  	[sflag:s12] =	ssyncadd.s32 $0xFFFFF200;
	s6 =	sadd.s32 $0x0, s15  }
0x47: {  	[tilespmem:s13], [sflag:$0x2] =	stream.linear.gather [hbm4b:s6+s4], $0xE00, $0x38;
	[tilespmem:$0x96C8] =	vst v63  }
0x48: {  	_ =	swait.ge [sflag:s12], $0xE00  }
0x49: {  	s16 =	rddreg [dreg:$0x8]  }
0x4a: {  	s0 =	rddreg [dreg:$0x7]  }
0x4b: {  	[sflag:s12] =	ssyncset.done $0x0;
	s1 =	rddreg [dreg:$0x9]  }
0x4c: {  	s17 =	rddreg [dreg:$0xb];
	[sflag:s12] =	ssyncadd.s32 $0xFFFFF200  }
0x4d: {  	[spmem:s2] =	stream.indirect.scatter.add.f32 [tilespmem:s13], [sflag:$0x1], $0x1, s4, s14, $0xb8;
	[tilespmem:$0x96C8] =	vst v63  }
0x4e: {  	s15 =	rddreg [dreg:$0xa]  }
0x4f: {  	[spmem:s2] =	stream.indirect.scatter.add.f32 [tilespmem:s0], [sflag:$0x1], $0x1, s14, s14, $0xb8;
	[tilespmem:$0x96C8] =	vst v63  }
0x50: {  	s0 =	rddreg [dreg:$0xd]  }
0x51: {  	[spmem:s2] =	stream.indirect.scatter.add.f32 [tilespmem:s1], [sflag:$0x1], $0x1, s16, s14, $0xb8;
	[tilespmem:$0x96C8] =	vst v63  }
0x52: {  	s1 =	rddreg [dreg:$0xc]  }
0x53: {  	[spmem:s2] =	stream.indirect.scatter.add.f32 [tilespmem:s17], [sflag:$0x1], $0x1, s15, s14, $0xb8;
	[tilespmem:$0x96C8] =	vst v63  }
0x54: {  	s15 =	rddreg [dreg:$0xf]  }
0x55: {  	s17 =	rddreg [dreg:$0xe]  }
0x56: {  	[spmem:s2] =	stream.indirect.scatter.add.f32 [tilespmem:s0], [sflag:$0x1], $0x1, s1, s14, $0xb8;
	[tilespmem:$0x96C8] =	vst v63  }
0x57: {  	s0 =	rddreg [dreg:$0x11]  }
0x58: {  	s1 =	rddreg [dreg:$0x10]  }
0x59: {  	[spmem:s2] =	stream.indirect.scatter.add.f32 [tilespmem:s15], [sflag:$0x1], $0x1, s17, s14, $0xb8;
	[tilespmem:$0x96C8] =	vst v63  }
0x5a: {  	s15 =	rddreg [dreg:$0x13]  }
0x5b: {  	s17 =	rddreg [dreg:$0x12]  }
0x5c: {  	[spmem:s2] =	stream.indirect.scatter.add.f32 [tilespmem:s0], [sflag:$0x1], $0x1, s1, s14, $0xb8;
	[tilespmem:$0x96C8] =	vst v63  }
0x5d: {  	s0 =	rddreg [dreg:$0x15]  }
0x5e: {  	s1 =	rddreg [dreg:$0x14]  }
0x5f: {  	[spmem:s2] =	stream.indirect.scatter.add.f32 [tilespmem:s15], [sflag:$0x1], $0x1, s17, s14, $0xb8;
	[tilespmem:$0x96C8] =	vst v63  }
0x60: {  	s15 =	rddreg [dreg:$0x17]  }
0x61: {  	s17 =	rddreg [dreg:$0x16]  }
0x62: {  	[spmem:s2] =	stream.indirect.scatter.add.f32 [tilespmem:s0], [sflag:$0x1], $0x1, s1, s14, $0xb8;
	[tilespmem:$0x96C8] =	vst v63  }
0x63: {  	s0 =	rddreg [dreg:$0x19]  }
0x64: {  	s1 =	rddreg [dreg:$0x18]  }
0x65: {  	[spmem:s2] =	stream.indirect.scatter.add.f32 [tilespmem:s15], [sflag:$0x1], $0x1, s17, s14, $0xb8;
	[tilespmem:$0x96C8] =	vst v63  }
0x66: {  	s15 =	rddreg [dreg:$0x1b]  }
0x67: {  	s17 =	rddreg [dreg:$0x1a]  }
0x68: {  	[spmem:s2] =	stream.indirect.scatter.add.f32 [tilespmem:s0], [sflag:$0x1], $0x1, s1, s14, $0xb8;
	[tilespmem:$0x96C8] =	vst v63  }
0x69: {  	s0 =	rddreg [dreg:$0x1d]  }
0x6a: {  	s1 =	rddreg [dreg:$0x1c]  }
0x6b: {  	[spmem:s2] =	stream.indirect.scatter.add.f32 [tilespmem:s15], [sflag:$0x1], $0x1, s17, s14, $0xb8;
	[tilespmem:$0x96C8] =	vst v63  }
0x6c: {  	s15 =	rddreg [dreg:$0x1f]  }
0x6d: {  	s17 =	rddreg [dreg:$0x1e]  }
0x6e: {  	[spmem:s2] =	stream.indirect.scatter.add.f32 [tilespmem:s0], [sflag:$0x1], $0x1, s1, s14, $0xb8;
	[tilespmem:$0x96C8] =	vst v63  }
0x6f: {  	s0 =	sld [smem:$0x7F7]  }
0x70: {  	s1 =	sld [smem:$0x7F6]  }
0x71: {  	[spmem:s2] =	stream.indirect.scatter.add.f32 [tilespmem:s15], [sflag:$0x1], $0x1, s17, s14, $0xb8;
	[tilespmem:$0x96C8] =	vst v63  }
0x72: {  	s15 =	sld [smem:$0x7F9]  }
0x73: {  	s17 =	sld [smem:$0x7F8]  }
0x74: {  	[spmem:s2] =	stream.indirect.scatter.add.f32 [tilespmem:s0], [sflag:$0x1], $0x1, s1, s14, $0xb8;
	[tilespmem:$0x96C8] =	vst v63  }
0x75: {  	s0 =	sld [smem:$0x7FB]  }
0x76: {  	s1 =	sld [smem:$0x7FA]  }
0x77: {  	[spmem:s2] =	stream.indirect.scatter.add.f32 [tilespmem:s15], [sflag:$0x1], $0x1, s17, s14, $0xb8;
	[tilespmem:$0x96C8] =	vst v63  }
0x78: {  	s17 =	sld [smem:$0x7FC]  }
0x79: {  	[spmem:s2] =	stream.indirect.scatter.add.f32 [tilespmem:s0], [sflag:$0x1], $0x1, s1, s14, $0xb8;
	[tilespmem:$0x96C8] =	vst v63  }
0x7a: {  	_ = 	snop  }
0x7b: {  	[spmem:s2] =	stream.indirect.scatter.add.f32 [tilespmem:s19], [sflag:$0x1], $0x1, s17, s14, $0xb8;
	[tilespmem:$0x96C8] =	vst v63  }
0x7c: {  	_ = 	snop  }
0x7d: {  	[spmem:s2] =	stream.indirect.scatter.add.f32 [tilespmem:s21], [sflag:$0x1], $0x1, s20, s14, $0xb8;
	[tilespmem:$0x96C8] =	vst v63  }
0x7e: {  	_ = 	snop  }
0x7f: {  	[spmem:s2] =	stream.indirect.scatter.add.f32 [tilespmem:s23], [sflag:$0x1], $0x1, s22, s14, $0xb8;
	[tilespmem:$0x96C8] =	vst v63  }
0x80: {  	_ = 	snop  }
0x81: {  	[spmem:s2] =	stream.indirect.scatter.add.f32 [tilespmem:s25], [sflag:$0x1], $0x1, s24, s14, $0xb8;
	[tilespmem:$0x96C8] =	vst v63  }
0x82: {  	_ = 	snop  }
0x83: {  	[spmem:s2] =	stream.indirect.scatter.add.f32 [tilespmem:s28], [sflag:$0x1], $0x1, s26, s14, $0xb8;
	[tilespmem:$0x96C8] =	vst v63  }
0x84: {  	_ = 	snop  }
0x85: {  	[spmem:s2] =	stream.indirect.scatter.add.f32 [tilespmem:s30], [sflag:$0x1], $0x1, s29, s14, $0xb8;
	[tilespmem:$0x96C8] =	vst v63  }
0x86: {  	_ = 	snop  }
0x87: {  	[spmem:s2] =	stream.indirect.scatter.add.f32 [tilespmem:s18], [sflag:$0x1], $0x1, s31, s14, $0xb8;
	[tilespmem:$0x96C8] =	vst v63  }
0x88: {  	s0 =	simm.s32 $0x1A00;
	s28 =	simm.s32 $0xC00  }
0x89: {  	[spmem:s2] =	stream.indirect.scatter.add.f32 [tilespmem:s0], [sflag:$0x1], $0x1, s28, s14, $0xb8;
	[tilespmem:$0x96C8] =	vst v63  }
0x8a: {  	s29 =	simm.s32 $0xC80;
	s30 =	simm.s32 $0x1A80  }
0x8b: {  	[spmem:s2] =	stream.indirect.scatter.add.f32 [tilespmem:s30], [sflag:$0x1], $0x1, s29, s14, $0xb8;
	[tilespmem:$0x96C8] =	vst v63  }
0x8c: {  	s31 =	simm.s32 $0x1B00  }
0x8d: {  	[spmem:s2] =	stream.indirect.scatter.add.f32 [tilespmem:s31], [sflag:$0x1], $0x1, s11, s14, $0xb8;
	[tilespmem:$0x96C8] =	vst v63  }
0x8e: {  	_ = 	snop  }
0x8f: {  	[spmem:s2] =	stream.indirect.scatter.add.f32 [tilespmem:s7], [sflag:$0x1], $0x1, s5, s14, $0xb8;
	[tilespmem:$0x96C8] =	vst v63  }
0x90: {  	_ =	swait.ge [sflag:s8], $0x80  }
0x91: {  	[sflag:s8] =	ssyncset.done $0x0  }
0x92: {  	[sflag:s8] =	ssyncadd.s32 $0xFFFFFF80  }
0x93: {  	_ =	swait.ge [sflag:s8], $0x80  }
0x94: {  	[sflag:s8] =	ssyncset.done $0x0  }
0x95: {  	[sflag:s8] =	ssyncadd.s32 $0xFFFFFF80  }
0x96: {  	_ =	swait.ge [sflag:s8], $0x80  }
0x97: {  	[sflag:s8] =	ssyncset.done $0x0  }
0x98: {  	[sflag:s8] =	ssyncadd.s32 $0xFFFFFF80  }
0x99: {  	_ =	swait.ge [sflag:s8], $0x80  }
0x9a: {  	[sflag:s8] =	ssyncset.done $0x0  }
0x9b: {  	[sflag:s8] =	ssyncadd.s32 $0xFFFFFF80  }
0x9c: {  	_ =	swait.ge [sflag:s8], $0x80  }
0x9d: {  	[sflag:s8] =	ssyncset.done $0x0  }
0x9e: {  	[sflag:s8] =	ssyncadd.s32 $0xFFFFFF80  }
0x9f: {  	_ =	swait.ge [sflag:s8], $0x80  }
0xa0: {  	[sflag:s8] =	ssyncset.done $0x0  }
0xa1: {  	[sflag:s8] =	ssyncadd.s32 $0xFFFFFF80  }
0xa2: {  	_ =	swait.ge [sflag:s8], $0x80  }
0xa3: {  	[sflag:s8] =	ssyncset.done $0x0  }
0xa4: {  	[sflag:s8] =	ssyncadd.s32 $0xFFFFFF80  }
0xa5: {  	_ =	swait.ge [sflag:s8], $0x80  }
0xa6: {  	[sflag:s8] =	ssyncset.done $0x0  }
0xa7: {  	[sflag:s8] =	ssyncadd.s32 $0xFFFFFF80  }
0xa8: {  	_ =	swait.ge [sflag:s8], $0x80  }
0xa9: {  	[sflag:s8] =	ssyncset.done $0x0  }
0xaa: {  	[sflag:s8] =	ssyncadd.s32 $0xFFFFFF80  }
0xab: {  	_ =	swait.ge [sflag:s8], $0x80  }
0xac: {  	[sflag:s8] =	ssyncset.done $0x0  }
0xad: {  	[sflag:s8] =	ssyncadd.s32 $0xFFFFFF80  }
0xae: {  	_ =	swait.ge [sflag:s8], $0x80  }
0xaf: {  	[sflag:s8] =	ssyncset.done $0x0  }
0xb0: {  	[sflag:s8] =	ssyncadd.s32 $0xFFFFFF80  }
0xb1: {  	_ =	swait.ge [sflag:s8], $0x80  }
0xb2: {  	[sflag:s8] =	ssyncset.done $0x0  }
0xb3: {  	[sflag:s8] =	ssyncadd.s32 $0xFFFFFF80  }
0xb4: {  	_ =	swait.ge [sflag:s8], $0x80  }
0xb5: {  	[sflag:s8] =	ssyncset.done $0x0  }
0xb6: {  	[sflag:s8] =	ssyncadd.s32 $0xFFFFFF80  }
0xb7: {  	_ =	swait.ge [sflag:s8], $0x80  }
0xb8: {  	[sflag:s8] =	ssyncset.done $0x0  }
0xb9: {  	[sflag:s8] =	ssyncadd.s32 $0xFFFFFF80  }
0xba: {  	_ =	swait.ge [sflag:s8], $0x80  }
0xbb: {  	[sflag:s8] =	ssyncset.done $0x0  }
0xbc: {  	[sflag:s8] =	ssyncadd.s32 $0xFFFFFF80  }
0xbd: {  	_ =	swait.ge [sflag:s8], $0x80  }
0xbe: {  	[sflag:s8] =	ssyncset.done $0x0  }
0xbf: {  	[sflag:s8] =	ssyncadd.s32 $0xFFFFFF80  }
0xc0: {  	_ =	swait.ge [sflag:s8], $0x80  }
0xc1: {  	[sflag:s8] =	ssyncset.done $0x0  }
0xc2: {  	[sflag:s8] =	ssyncadd.s32 $0xFFFFFF80  }
0xc3: {  	_ =	swait.ge [sflag:s8], $0x80  }
0xc4: {  	[sflag:s8] =	ssyncset.done $0x0  }
0xc5: {  	[sflag:s8] =	ssyncadd.s32 $0xFFFFFF80  }
0xc6: {  	_ =	swait.ge [sflag:s8], $0x80  }
0xc7: {  	[sflag:s8] =	ssyncset.done $0x0  }
0xc8: {  	[sflag:s8] =	ssyncadd.s32 $0xFFFFFF80  }
0xc9: {  	_ =	swait.ge [sflag:s8], $0x80  }
0xca: {  	[sflag:s8] =	ssyncset.done $0x0  }
0xcb: {  	[sflag:s8] =	ssyncadd.s32 $0xFFFFFF80  }
0xcc: {  	_ =	swait.ge [sflag:s8], $0x80  }
0xcd: {  	[sflag:s8] =	ssyncset.done $0x0  }
0xce: {  	[sflag:s8] =	ssyncadd.s32 $0xFFFFFF80  }
0xcf: {  	_ =	swait.ge [sflag:s8], $0x80  }
0xd0: {  	[sflag:s8] =	ssyncset.done $0x0  }
0xd1: {  	[sflag:s8] =	ssyncadd.s32 $0xFFFFFF80  }
0xd2: {  	_ =	swait.ge [sflag:s8], $0x80  }
0xd3: {  	s6 =	simm.s32 $0x1C0;
	[sflag:s8] =	ssyncset.done $0x0  }
.LBB2_4:
0xd4: {  	[sflag:s8] =	ssyncadd.s32 $0xFFFFFF80  }
0xd5: {  	_ =	swait.ge [sflag:s8], $0x80  }
0xd6: {  	[sflag:s8] =	ssyncset.done $0x0  }
0xd7: {  	[sflag:s8] =	ssyncadd.s32 $0xFFFFFF80  }
0xd8: {  	_ =	swait.ge [sflag:s8], $0x80  }
0xd9: {  	[sflag:s8] =	ssyncset.done $0x0  }
0xda: {  	[sflag:s8] =	ssyncadd.s32 $0xFFFFFF80  }
0xdb: {  	_ =	swait.ge [sflag:s8], $0x80  }
0xdc: {  	[sflag:s8] =	ssyncset.done $0x0  }
0xdd: {  	[sflag:s8] =	ssyncadd.s32 $0xFFFFFF80  }
0xde: {  	_ =	swait.ge [sflag:s8], $0x80  }
0xdf: {  	[sflag:s8] =	ssyncset.done $0x0  }
0xe0: {  	[sflag:s8] =	ssyncadd.s32 $0xFFFFFF80  }
0xe1: {  	_ =	swait.ge [sflag:s8], $0x80  }
0xe2: {  	s15 =	smov.u32 s6;
	s16 =	rddreg [dreg:$0x6];
	[sflag:s8] =	ssyncset.done $0x0  }
0xe3: {  	[sflag:s8] =	ssyncadd.s32 $0xFFFFFF80;
	s16 =	sadd.s32 s15, s16  }
0xe4: {  	[tilespmem:s4], [sflag:$0x2] =	stream.linear.gather [hbm4b:s16+s4], $0xE00, $0x38;
	[tilespmem:$0x96C8] =	vst v63  }
0xe5: {  	_ =	swait.ge [sflag:s12], $0xE00  }
0xe6: {  	s1 =	rddreg [dreg:$0x5];
	[sflag:s12] =	ssyncset.done $0x0  }
0xe7: {  	[sflag:s12] =	ssyncadd.s32 $0xFFFFF200;
	s15 =	sadd.s32 s15, s1  }
0xe8: {  	[tilespmem:s13], [sflag:$0x2] =	stream.linear.gather [hbm4b:s15+s4], $0xE00, $0x38;
	[tilespmem:$0x96C8] =	vst v63  }
0xe9: {  	_ =	swait.ge [sflag:s12], $0xE00  }
0xea: {  	s15 =	sld [smem:$0x7FB]  }
0xeb: {  	s16 =	sld [smem:$0x7F9]  }
0xec: {  	s17 =	sld [smem:$0x7F7]  }
0xed: {  	s18 =	rddreg [dreg:$0x1f]  }
0xee: {  	s19 =	rddreg [dreg:$0x1d]  }
0xef: {  	s20 =	rddreg [dreg:$0x1b]  }
0xf0: {  	s21 =	rddreg [dreg:$0x19]  }
0xf1: {  	s22 =	rddreg [dreg:$0x17]  }
0xf2: {  	s23 =	rddreg [dreg:$0x15]  }
0xf3: {  	s24 =	rddreg [dreg:$0x13]  }
0xf4: {  	s25 =	rddreg [dreg:$0x11]  }
0xf5: {  	s26 =	rddreg [dreg:$0xf]  }
0xf6: {  	s28 =	rddreg [dreg:$0xd]  }
0xf7: {  	s29 =	rddreg [dreg:$0x8]  }
0xf8: {  	[sflag:s12] =	ssyncset.done $0x0;
	s30 =	rddreg [dreg:$0x7]  }
0xf9: {  	s31 =	rddreg [dreg:$0x9];
	[sflag:s12] =	ssyncadd.s32 $0xFFFFF200  }
0xfa: {  	[spmem:s2] =	stream.indirect.scatter.add.f32 [tilespmem:s13], [sflag:$0x1], $0x1, s4, s14, $0xb8;
	[tilespmem:$0x96C8] =	vst v63  }
0xfb: {  	s1 =	rddreg [dreg:$0xb]  }
0xfc: {  	[spmem:s2] =	stream.indirect.scatter.add.f32 [tilespmem:s30], [sflag:$0x1], $0x1, s14, s14, $0xb8;
	[tilespmem:$0x96C8] =	vst v63  }
0xfd: {  	s30 =	rddreg [dreg:$0xa]  }
0xfe: {  	[spmem:s2] =	stream.indirect.scatter.add.f32 [tilespmem:s31], [sflag:$0x1], $0x1, s29, s14, $0xb8;
	[tilespmem:$0x96C8] =	vst v63  }
0xff: {  	s29 =	rddreg [dreg:$0xc]  }
0x100: {  	[spmem:s2] =	stream.indirect.scatter.add.f32 [tilespmem:s1], [sflag:$0x1], $0x1, s30, s14, $0xb8;
	[tilespmem:$0x96C8] =	vst v63  }
0x101: {  	s1 =	rddreg [dreg:$0xe]  }
0x102: {  	[spmem:s2] =	stream.indirect.scatter.add.f32 [tilespmem:s28], [sflag:$0x1], $0x1, s29, s14, $0xb8;
	[tilespmem:$0x96C8] =	vst v63  }
0x103: {  	s28 =	rddreg [dreg:$0x10]  }
0x104: {  	[spmem:s2] =	stream.indirect.scatter.add.f32 [tilespmem:s26], [sflag:$0x1], $0x1, s1, s14, $0xb8;
	[tilespmem:$0x96C8] =	vst v63  }
0x105: {  	s1 =	rddreg [dreg:$0x12]  }
0x106: {  	[spmem:s2] =	stream.indirect.scatter.add.f32 [tilespmem:s25], [sflag:$0x1], $0x1, s28, s14, $0xb8;
	[tilespmem:$0x96C8] =	vst v63  }
0x107: {  	s25 =	rddreg [dreg:$0x14]  }
0x108: {  	[spmem:s2] =	stream.indirect.scatter.add.f32 [tilespmem:s24], [sflag:$0x1], $0x1, s1, s14, $0xb8;
	[tilespmem:$0x96C8] =	vst v63  }
0x109: {  	s1 =	rddreg [dreg:$0x16]  }
0x10a: {  	[spmem:s2] =	stream.indirect.scatter.add.f32 [tilespmem:s23], [sflag:$0x1], $0x1, s25, s14, $0xb8;
	[tilespmem:$0x96C8] =	vst v63  }
0x10b: {  	s23 =	rddreg [dreg:$0x18]  }
0x10c: {  	[spmem:s2] =	stream.indirect.scatter.add.f32 [tilespmem:s22], [sflag:$0x1], $0x1, s1, s14, $0xb8;
	[tilespmem:$0x96C8] =	vst v63  }
0x10d: {  	s1 =	rddreg [dreg:$0x1a]  }
0x10e: {  	[spmem:s2] =	stream.indirect.scatter.add.f32 [tilespmem:s21], [sflag:$0x1], $0x1, s23, s14, $0xb8;
	[tilespmem:$0x96C8] =	vst v63  }
0x10f: {  	s21 =	rddreg [dreg:$0x1c]  }
0x110: {  	[spmem:s2] =	stream.indirect.scatter.add.f32 [tilespmem:s20], [sflag:$0x1], $0x1, s1, s14, $0xb8;
	[tilespmem:$0x96C8] =	vst v63  }
0x111: {  	s1 =	rddreg [dreg:$0x1e]  }
0x112: {  	[spmem:s2] =	stream.indirect.scatter.add.f32 [tilespmem:s19], [sflag:$0x1], $0x1, s21, s14, $0xb8;
	[tilespmem:$0x96C8] =	vst v63  }
0x113: {  	s19 =	sld [smem:$0x7F6]  }
0x114: {  	[spmem:s2] =	stream.indirect.scatter.add.f32 [tilespmem:s18], [sflag:$0x1], $0x1, s1, s14, $0xb8;
	[tilespmem:$0x96C8] =	vst v63  }
0x115: {  	s1 =	sld [smem:$0x7F8]  }
0x116: {  	[spmem:s2] =	stream.indirect.scatter.add.f32 [tilespmem:s17], [sflag:$0x1], $0x1, s19, s14, $0xb8;
	[tilespmem:$0x96C8] =	vst v63  }
0x117: {  	s17 =	sld [smem:$0x7FA]  }
0x118: {  	[spmem:s2] =	stream.indirect.scatter.add.f32 [tilespmem:s16], [sflag:$0x1], $0x1, s1, s14, $0xb8;
	[tilespmem:$0x96C8] =	vst v63  }
0x119: {  	s1 =	sld [smem:$0x7FC]  }
0x11a: {  	[spmem:s2] =	stream.indirect.scatter.add.f32 [tilespmem:s15], [sflag:$0x1], $0x1, s17, s14, $0xb8;
	[tilespmem:$0x96C8] =	vst v63  }
0x11b: {  	s19 =	simm.s32 $0x1680  }
0x11c: {  	[spmem:s2] =	stream.indirect.scatter.add.f32 [tilespmem:s19], [sflag:$0x1], $0x1, s1, s14, $0xb8;
	[tilespmem:$0x96C8] =	vst v63  }
0x11d: {  	s20 =	simm.s32 $0x900;
	s21 =	simm.s32 $0x1700  }
0x11e: {  	[spmem:s2] =	stream.indirect.scatter.add.f32 [tilespmem:s21], [sflag:$0x1], $0x1, s20, s14, $0xb8;
	[tilespmem:$0x96C8] =	vst v63  }
0x11f: {  	s22 =	simm.s32 $0x980;
	s23 =	simm.s32 $0x1780  }
0x120: {  	[spmem:s2] =	stream.indirect.scatter.add.f32 [tilespmem:s23], [sflag:$0x1], $0x1, s22, s14, $0xb8;
	[tilespmem:$0x96C8] =	vst v63  }
0x121: {  	s24 =	simm.s32 $0xA00;
	s25 =	simm.s32 $0x1800  }
0x122: {  	[spmem:s2] =	stream.indirect.scatter.add.f32 [tilespmem:s25], [sflag:$0x1], $0x1, s24, s14, $0xb8;
	[tilespmem:$0x96C8] =	vst v63  }
0x123: {  	s26 =	simm.s32 $0xA80;
	s28 =	simm.s32 $0x1880  }
0x124: {  	[spmem:s2] =	stream.indirect.scatter.add.f32 [tilespmem:s28], [sflag:$0x1], $0x1, s26, s14, $0xb8;
	[tilespmem:$0x96C8] =	vst v63  }
0x125: {  	s30 =	simm.s32 $0x1900;
	s29 =	simm.s32 $0xB00  }
0x126: {  	[spmem:s2] =	stream.indirect.scatter.add.f32 [tilespmem:s30], [sflag:$0x1], $0x1, s29, s14, $0xb8;
	[tilespmem:$0x96C8] =	vst v63  }
0x127: {  	s31 =	simm.s32 $0xB80;
	s18 =	simm.s32 $0x1980  }
0x128: {  	[spmem:s2] =	stream.indirect.scatter.add.f32 [tilespmem:s18], [sflag:$0x1], $0x1, s31, s14, $0xb8;
	[tilespmem:$0x96C8] =	vst v63  }
0x129: {  	s0 =	simm.s32 $0x1A00;
	s16 =	simm.s32 $0xC00  }
0x12a: {  	[spmem:s2] =	stream.indirect.scatter.add.f32 [tilespmem:s0], [sflag:$0x1], $0x1, s16, s14, $0xb8;
	[tilespmem:$0x96C8] =	vst v63  }
0x12b: {  	s11 =	simm.s32 $0x1A80;
	s17 =	simm.s32 $0xC80  }
0x12c: {  	[spmem:s2] =	stream.indirect.scatter.add.f32 [tilespmem:s11], [sflag:$0x1], $0x1, s17, s14, $0xb8;
	[tilespmem:$0x96C8] =	vst v63  }
0x12d: {  	s18 =	simm.s32 $0x1B00;
	s11 =	simm.s32 $0xD00  }
0x12e: {  	[spmem:s2] =	stream.indirect.scatter.add.f32 [tilespmem:s18], [sflag:$0x1], $0x1, s11, s14, $0xb8;
	[tilespmem:$0x96C8] =	vst v63  }
0x12f: {  	_ = 	snop  }
0x130: {  	[spmem:s2] =	stream.indirect.scatter.add.f32 [tilespmem:s7], [sflag:$0x1], $0x1, s5, s14, $0xb8;
	[tilespmem:$0x96C8] =	vst v63  }
0x131: {  	_ =	swait.ge [sflag:s8], $0x80  }
0x132: {  	[sflag:s8] =	ssyncset.done $0x0  }
0x133: {  	[sflag:s8] =	ssyncadd.s32 $0xFFFFFF80  }
0x134: {  	_ =	swait.ge [sflag:s8], $0x80  }
0x135: {  	[sflag:s8] =	ssyncset.done $0x0  }
0x136: {  	[sflag:s8] =	ssyncadd.s32 $0xFFFFFF80  }
0x137: {  	_ =	swait.ge [sflag:s8], $0x80  }
0x138: {  	[sflag:s8] =	ssyncset.done $0x0  }
0x139: {  	[sflag:s8] =	ssyncadd.s32 $0xFFFFFF80  }
0x13a: {  	_ =	swait.ge [sflag:s8], $0x80  }
0x13b: {  	[sflag:s8] =	ssyncset.done $0x0  }
0x13c: {  	[sflag:s8] =	ssyncadd.s32 $0xFFFFFF80  }
0x13d: {  	_ =	swait.ge [sflag:s8], $0x80  }
0x13e: {  	[sflag:s8] =	ssyncset.done $0x0  }
0x13f: {  	[sflag:s8] =	ssyncadd.s32 $0xFFFFFF80  }
0x140: {  	_ =	swait.ge [sflag:s8], $0x80  }
0x141: {  	[sflag:s8] =	ssyncset.done $0x0  }
0x142: {  	[sflag:s8] =	ssyncadd.s32 $0xFFFFFF80  }
0x143: {  	_ =	swait.ge [sflag:s8], $0x80  }
0x144: {  	[sflag:s8] =	ssyncset.done $0x0  }
0x145: {  	[sflag:s8] =	ssyncadd.s32 $0xFFFFFF80  }
0x146: {  	_ =	swait.ge [sflag:s8], $0x80  }
0x147: {  	[sflag:s8] =	ssyncset.done $0x0  }
0x148: {  	[sflag:s8] =	ssyncadd.s32 $0xFFFFFF80  }
0x149: {  	_ =	swait.ge [sflag:s8], $0x80  }
0x14a: {  	[sflag:s8] =	ssyncset.done $0x0  }
0x14b: {  	[sflag:s8] =	ssyncadd.s32 $0xFFFFFF80  }
0x14c: {  	_ =	swait.ge [sflag:s8], $0x80  }
0x14d: {  	[sflag:s8] =	ssyncset.done $0x0  }
0x14e: {  	[sflag:s8] =	ssyncadd.s32 $0xFFFFFF80  }
0x14f: {  	_ =	swait.ge [sflag:s8], $0x80  }
0x150: {  	[sflag:s8] =	ssyncset.done $0x0  }
0x151: {  	[sflag:s8] =	ssyncadd.s32 $0xFFFFFF80  }
0x152: {  	_ =	swait.ge [sflag:s8], $0x80  }
0x153: {  	[sflag:s8] =	ssyncset.done $0x0  }
0x154: {  	[sflag:s8] =	ssyncadd.s32 $0xFFFFFF80  }
0x155: {  	_ =	swait.ge [sflag:s8], $0x80  }
0x156: {  	[sflag:s8] =	ssyncset.done $0x0  }
0x157: {  	[sflag:s8] =	ssyncadd.s32 $0xFFFFFF80  }
0x158: {  	_ =	swait.ge [sflag:s8], $0x80  }
0x159: {  	[sflag:s8] =	ssyncset.done $0x0  }
0x15a: {  	[sflag:s8] =	ssyncadd.s32 $0xFFFFFF80  }
0x15b: {  	_ =	swait.ge [sflag:s8], $0x80  }
0x15c: {  	[sflag:s8] =	ssyncset.done $0x0  }
0x15d: {  	[sflag:s8] =	ssyncadd.s32 $0xFFFFFF80  }
0x15e: {  	_ =	swait.ge [sflag:s8], $0x80  }
0x15f: {  	[sflag:s8] =	ssyncset.done $0x0  }
0x160: {  	[sflag:s8] =	ssyncadd.s32 $0xFFFFFF80  }
0x161: {  	_ =	swait.ge [sflag:s8], $0x80  }
0x162: {  	[sflag:s8] =	ssyncset.done $0x0  }
0x163: {  	[sflag:s8] =	ssyncadd.s32 $0xFFFFFF80  }
0x164: {  	_ =	swait.ge [sflag:s8], $0x80  }
0x165: {  	[sflag:s8] =	ssyncset.done $0x0  }
0x166: {  	[sflag:s8] =	ssyncadd.s32 $0xFFFFFF80  }
0x167: {  	_ =	swait.ge [sflag:s8], $0x80  }
0x168: {  	[sflag:s8] =	ssyncset.done $0x0  }
0x169: {  	[sflag:s8] =	ssyncadd.s32 $0xFFFFFF80  }
0x16a: {  	_ =	swait.ge [sflag:s8], $0x80  }
0x16b: {  	[sflag:s8] =	ssyncset.done $0x0  }
0x16c: {  	[sflag:s8] =	ssyncadd.s32 $0xFFFFFF80  }
0x16d: {  	_ =	swait.ge [sflag:s8], $0x80  }
0x16e: {  	[sflag:s8] =	ssyncset.done $0x0  }
0x16f: {  	p1 =	sne.s32 s6, $0x16C0;
	[sflag:s8] =	ssyncadd.s32 $0xFFFFFF80  }
.Ltmp1:
0x170: {  	_ =	swait.ge [sflag:s8], $0x80;
	(pc) =	sbr.rel @p1 .LBB2_4-.Ltmp1, $4  }
0x171: {  	[sflag:s8] =	ssyncset.done $0x0  }
0x172: {  	[sflag:s8] =	ssyncadd.s32 $0xFFFFFF80  }
0x173: {  	_ =	swait.ge [sflag:s8], $0x80  }
0x174: {  	s6 =	sadd.s32 $0x1C0, s6;
	[sflag:s8] =	ssyncset.done $0x0  }
0x175: {  	[sflag:s8] =	ssyncadd.s32 $0xFFFFFF80  }
0x176: {  	_ =	swait.ge [sflag:s8], $0x80  }
0x177: {  	[sflag:s8] =	ssyncset.done $0x0  }
0x178: {  	[sflag:s8] =	ssyncadd.s32 $0xFFFFFF80  }
0x179: {  	_ =	swait.ge [sflag:s8], $0x80  }
0x17a: {  	[sflag:s8] =	ssyncset.done $0x0  }
0x17b: {  	[sflag:s8] =	ssyncadd.s32 $0xFFFFFF80  }
0x17c: {  	_ =	swait.ge [sflag:s8], $0x80  }
0x17d: {  	[sflag:s8] =	ssyncset.done $0x0  }
0x17e: {  	[sflag:s8] =	ssyncadd.s32 $0xFFFFFF80  }
0x17f: {  	_ =	swait.ge [sflag:s8], $0x80  }
0x180: {  	[sflag:s8] =	ssyncset.done $0x0  }
0x181: {  	[sflag:s8] =	ssyncadd.s32 $0xFFFFFF80  }
0x182: {  	_ =	swait.ge [sflag:s8], $0x80  }
0x183: {  	[sflag:s8] =	ssyncset.done $0x0  }
0x184: {  	[sflag:s8] =	ssyncadd.s32 $0xFFFFFF80  }
0x185: {  	[bflag:$0x0] =	sbarrier.arrive $0xFFFF  }
0x186: {  	s1 =	simm.s32 $0x0;
	s6 =	rddreg [dreg:$0x1]  }
0x187: {  	[tilespmem:s9], [sflag:$0x2] =	stream.linear.gather [hbm4b:s6+s1], $0x10, $0x38;
	[tilespmem:$0x96C8] =	vst v63  }
0x188: {  	_ =	swait.ge [sflag:s12], $0x10  }
0x189: {  	s18 =	sld [smem:$0x7F1]  }
0x18a: {  	[sflag:s12] =	ssyncset.done $0x0  }
0x18b: {  	[sflag:s12] =	ssyncadd.s32 $0xFFFFFFF0  }
0x18c: {  	[tilespmem:s10], [sflag:$0x2] =	stream.linear.gather [hbm4b:s18+s1], $0x10, $0x38;
	[tilespmem:$0x96C8] =	vst v63  }
0x18d: {  	_ =	swait.ge [sflag:s12], $0x10  }
0x18e: {  	[sflag:s12] =	ssyncset.done $0x0;
	s17 =	sld [smem:$0x7FD]  }
0x18f: {  	[sflag:s12] =	ssyncadd.s32 $0xFFFFFFF0  }
0x190: {  	s0 =	simm.s32 $0x1C00;
	[tilespmem:$0x7E20] =	vst v1  }
0x191: {  	[tilespmem:s0], [sflag:$0x2] =	stream.linear.gather [spmem:s17], $0x1880, $0x38;
	[tilespmem:$0x96C8] =	vst v63  }
0x192: {  	_ =	swait.ge [sflag:s12], $0x1880  }
0x193: {  	s0 =	sld [smem:$0x7F2]  }
0x194: {  	[sflag:s12] =	ssyncset.done $0x0  }
0x195: {  	s15 =	simm.s32 $0x3480;
	[sflag:s12] =	ssyncadd.s32 $0xFFFFE780  }
0x196: {  	[tilespmem:s15], [sflag:$0x2] =	stream.linear.gather [hbm4b:s0+s1], $0x1880, $0x38;
	[tilespmem:$0x96C8] =	vst v63  }
0x197: {  	_ =	swait.ge [sflag:s12], $0x1880  }
0x198: {  	s16 =	sld [smem:$0x7F3]  }
0x199: {  	[sflag:s12] =	ssyncset.done $0x0  }
0x19a: {  	s18 =	simm.s32 $0x4D00;
	[sflag:s12] =	ssyncadd.s32 $0xFFFFE780  }
0x19b: {  	[tilespmem:s18], [sflag:$0x2] =	stream.linear.gather [hbm4b:s16+s1], $0x1880, $0x38;
	[tilespmem:$0x96C8] =	vst v63  }
0x19c: {  	_ =	swait.ge [sflag:s12], $0x1880  }
0x19d: {  	[sflag:s12] =	ssyncset.done $0x0  }
0x19e: {  	s15 =	simm.s32 $0x0;
	[sflag:s12] =	ssyncadd.s32 $0xFFFFE780  }
0x19f: {  	s6 =	simm.s32 $0x40;
	v3 =	vld [tilespmem:s15+$0x3480]  }
.LBB2_6:
0x1a0: {  	p1 =	sne.s32 s6, $0x61C0;
	_ =	sdelay $0x6  }
0x1a1: {  	v4 =	vld.idx.msk [tilespmem:v3+s9+$0x0], $0xffff  }
0x1a2: {  	v3 =	vld.idx.msk [tilespmem:v3+s10+$0x0], $0xffff  }
0x1a3: {  	v5 =	vld [tilespmem:s15+$0x1C00]  }
0x1a4: {  	v6 =	vld [tilespmem:s15+$0x4D00];
	_ =	sdelay $0x3  }
0x1a5: {  	v3 =	vmul.f32 v3, v0;
	v4 =	vmul.f32 v5, v4  }
.Ltmp2:
0x1a6: {  	(pc) =	sbr.rel @p1 .LBB2_6-.Ltmp2, $3  }
0x1a7: {  	v3 =	vadd.f32 v4, v3;
	_ =	sdelay $0x1  }
0x1a8: {  	s15 =	sshra.s32 s6, $0x2;
	[tilespmem:v6+s3+$0x0] =	vst.idx.add.f32.msk $0xffff, v3  }
0x1a9: {  	s6 =	sadd.s32 $0x40, s6;
	v3 =	vld [tilespmem:s15+$0x3480]  }
0x1aa: {  	_ =	sdelay $0x6  }
0x1ab: {  	v5 =	vld [tilespmem:s15+$0x1C00]  }
0x1ac: {  	v4 =	vld.idx.msk [tilespmem:v3+s9+$0x0], $0xffff  }
0x1ad: {  	v3 =	vld.idx.msk [tilespmem:v3+s10+$0x0], $0xffff  }
0x1ae: {  	v6 =	vld [tilespmem:s15+$0x4D00];
	_ =	sdelay $0x3  }
0x1af: {  	v4 =	vmul.f32 v5, v4;
	v3 =	vmul.f32 v3, v0;
	_ =	sdelay $0x1  }
0x1b0: {  	v3 =	vadd.f32 v4, v3;
	_ =	sdelay $0x1  }
0x1b1: {  	s16 =	rddreg [dreg:$0x3];
	[tilespmem:v6+s3+$0x0] =	vst.idx.add.f32.msk $0xffff, v3  }
0x1b2: {  	[spmem:s16] =	stream.indirect_vreg.scatter.add.f32 [tilespmem:s3], [sflag:$0x2], $0x1, v2, vm0, $0xb8;
	[tilespmem:$0x96C8] =	vst v63  }
0x1b3: {  	_ =	swait.ge [sflag:s12], $0x10  }
0x1b4: {  	[sflag:s12] =	ssyncset.done $0x0  }
0x1b5: {  	[sflag:s12] =	ssyncadd.s32 $0xFFFFFFF0  }
0x1b6: {  	s1 =	simm.s32 @!p0 $0x7E30;
	s6 =	simm.s32 @!p0 $0x2;
	[bflag:$0x0] =	sbarrier.arrive $0xFFFF  }
0x1b7: {  	[tilespmem:s1], [sflag:$0x2] =	stream.linear.gather @!p0 [spmem:s16], $0x10, $0x38;
	[tilespmem:$0x96C8] =	vst v63  }
0x1b8: {  	_ =	swait.ge @!p0 [sflag:s6], $0x10  }
0x1b9: {  	s18 =	sld [smem:$0x7F4]  }
0x1ba: {  	[sflag:s6] =	ssyncset.done @!p0 $0x0  }
0x1bb: {  	s15 =	simm.s32 @!p0 $0x0;
	[sflag:s6] =	ssyncadd.s32 @!p0 $0xFFFFFFF0  }
0x1bc: {  	[hbm4b:s18+s15] =	stream.linear.scatter @!p0 [tilespmem:s1], [sflag:$0x2], $0x10, $0x38;
	[tilespmem:$0x96C8] =	vst v63  }
0x1bd: {  	_ =	swait.ge @!p0 [sflag:s6], $0x10  }
0x1be: {  	s0 =	sld [smem:$0x7F0]  }
0x1bf: {  	s18 =	sld [smem:$0x7F5];
	_ =	sdelay $0x1  }
0x1c0: {  	s0 =	sadd.s32 $0x1, s0  }
0x1c1: {  	p1 =	sne.s32 s0, s18  }
.Ltmp3:
0x1c2: {  	_ = 	snop;
	(pc) =	sbr.rel @p1 .LBB2_1-.Ltmp3, $3  }
0x1c3: {  	_ =	sdelay $0x1  }
0x1c4: {  	[sflag:s6] =	ssyncset.done @!p0 $0x0  }
0x1c5: {  	[sflag:s6] =	ssyncadd.s32 @!p0 $0xFFFFFFF0;
	s18 =	simm.s32 $0x1980  }
0x1c6: {  	_ =	sfence.sel $0x180000  }
0x1c7: {  	[bflag:$0x0] =	sbarrier.arrive $0xFFFF  }
0x1c8: {  	_ =	strace $0x9000004A  }
0x1c9: {  	[bflag:$0x2] =	sbarrier.arrive $0xFFFF  }
0x1ca: {  	s0 =	rddreg [dreg:$0x4]  }
0x1cb: {  	s0 =	sadd.s32 @!p0 $0x100000, s0  }
0x1cc: {  	[sflag:s0] =	ssyncadd.tile.s32 @!p0 $0x1;
	_ =	shalt  }
.Lfunc_end2:
_tile_overlayer_lowered:
.L_overlay_start_2:
0x1cd: {  	(tag) =	ssettag $0x2  }
0x1ce: {  	s0 =	rddreg [dreg:$0x0];
	s2 =	stileid.u32  }
0x1cf: {  	s1 =	rddreg [dreg:$0x1];
	p0 =	sne.s32 s2, $0x0  }
0x1d0: {  	s3 =	rddreg [dreg:$0x2];
	[bflag:$0x3] =	sbarrier.arrive $0xFFFF;
	s2 =	simm.s32 @!p0 $0x1C02  }
0x1d1: {  	[timem:s3], [sflag:s2] =	dma.local @!p0 [hbm:s0], s1  }
0x1d2: {  	s0 =	simm.s32 @!p0 $0x2  }
0x1d3: {  	_ =	swait.ge @!p0 [sflag:s0], s1  }
0x1d4: {  	s1 =	ssub.s32 @!p0 $0x0, s1;
	[sflag:s0] =	ssyncset.done @!p0 $0x0  }
0x1d5: {  	[sflag:s0] =	ssyncadd.s32 @!p0 s1  }
0x1d6: {  	[bflag:$0x3] =	sbarrier.arrive $0xFFFF  }
0x1d7: {  	_ =	shalt  }

</sc_bundles>
